<compile_context>
chip_gen: v7x
topology: tpu7x:2x2x1
jax: 0.10.2.dev20260603
libtpu: 0.0.44.dev20260713+nightly
codegen_flags: <defaults>
</compile_context>

<pallas_src>
import functools

import jax
import jax.numpy as jnp
from jax import lax
from jax.experimental import pallas as pl
from jax.experimental.pallas import tpu as pltpu
from jax.experimental.pallas import tpu_sc as plsc

N = 10000
E = 320000
D = 128
G = 64
EPSV = 1e-5

NC = 2
NS = 16
NW = NC * NS
E_W = E // NW
CH = 80
NCH = E_W // CH
S0 = 624
S_LAST = N - S0 * (NS - 1)
NBUF = 3

NB = 5
BR = N // NB

def _sc_degree_body(col3_hbm, ones_hbm, zeros_hbm, out_hbm, col_all, ones_v, acc):
    c = lax.axis_index("c")
    s = lax.axis_index("s")
    wid = c * NS + s
    pltpu.sync_copy(col3_hbm.at[wid], col_all)

    @pl.when(s < NS - 1)
    def _():
        pltpu.sync_copy(zeros_hbm.at[pl.ds(s * S0, S0)], acc.at[pl.ds(s * S0, S0)])

    @pl.when(s == NS - 1)
    def _():
        pltpu.sync_copy(zeros_hbm.at[pl.ds((NS - 1) * S0, S_LAST)],
                        acc.at[pl.ds((NS - 1) * S0, S_LAST)])

    pltpu.sync_copy(ones_hbm, ones_v)
    plsc.subcore_barrier()

    def body(i, carry):
        pltpu.sync_copy(ones_v, acc.at[col_all.at[i]], add=True)
        return carry

    lax.fori_loop(0, NCH, body, 0)
    plsc.subcore_barrier()

    @pl.when(s < NS - 1)
    def _():
        pltpu.sync_copy(acc.at[pl.ds(s * S0, S0)], out_hbm.at[c, pl.ds(s * S0, S0)])

    @pl.when(s == NS - 1)
    def _():
        pltpu.sync_copy(acc.at[pl.ds((NS - 1) * S0, S_LAST)],
                        out_hbm.at[c, pl.ds((NS - 1) * S0, S_LAST)])


def _sc_agg_body(y_hbm, row3_hbm, col3_hbm, zeros_hbm, out_hbm,
                 row_all, col_all, rows0, rows1, rows2, acc, sem0, sem1, sem2):
    c = lax.axis_index("c")
    s = lax.axis_index("s")
    wid = c * NS + s
    pltpu.sync_copy(row3_hbm.at[wid], row_all)
    pltpu.sync_copy(col3_hbm.at[wid], col_all)

    @pl.when(s < NS - 1)
    def _():
        pltpu.sync_copy(zeros_hbm.at[pl.ds(s * S0, S0)], acc.at[pl.ds(s * S0, S0)])

    @pl.when(s == NS - 1)
    def _():
        pltpu.sync_copy(zeros_hbm.at[pl.ds((NS - 1) * S0, S_LAST)],
                        acc.at[pl.ds((NS - 1) * S0, S_LAST)])

    bufs = (rows0, rows1, rows2)
    sems = (sem0, sem1, sem2)
    for b in range(NBUF):
        pltpu.async_copy(y_hbm.at[row_all.at[b]], bufs[b], sems[b])
    plsc.subcore_barrier()

    def body(j, carry):
        for b in range(NBUF):
            i = j * NBUF + b

            @pl.when(i < NCH)
            def _(i=i, b=b):
                pltpu.make_async_copy(y_hbm.at[row_all.at[i]], bufs[b], sems[b]).wait()
                pltpu.sync_copy(bufs[b], acc.at[col_all.at[i]], add=True)

                @pl.when(i + NBUF < NCH)
                def _():
                    pltpu.async_copy(y_hbm.at[row_all.at[i + NBUF]], bufs[b], sems[b])

        return carry

    lax.fori_loop(0, (NCH + NBUF - 1) // NBUF, body, 0)
    plsc.subcore_barrier()

    @pl.when(s < NS - 1)
    def _():
        pltpu.sync_copy(acc.at[pl.ds(s * S0, S0)], out_hbm.at[c, pl.ds(s * S0, S0)])

    @pl.when(s == NS - 1)
    def _():
        pltpu.sync_copy(acc.at[pl.ds((NS - 1) * S0, S_LAST)],
                        out_hbm.at[c, pl.ds((NS - 1) * S0, S_LAST)])


@functools.cache
def _sc_kernels():
    mesh = plsc.VectorSubcoreMesh(
        core_axis_name="c", subcore_axis_name="s", num_cores=NC, num_subcores=NS
    )
    sc_degree = pl.kernel(
        _sc_degree_body,
        out_type=jax.ShapeDtypeStruct((NC, N, 16), jnp.float32),
        mesh=mesh,
        compiler_params=pltpu.CompilerParams(use_tc_tiling_on_sc=False),
        scratch_types=[
            pltpu.VMEM((NCH, CH), jnp.int32),
            pltpu.VMEM((CH, 16), jnp.float32),
            pltpu.VMEM_SHARED((N, 16), jnp.float32),
        ],
    )
    sc_agg = pl.kernel(
        _sc_agg_body,
        out_type=jax.ShapeDtypeStruct((NC, N, D), jnp.float32),
        mesh=mesh,
        compiler_params=pltpu.CompilerParams(use_tc_tiling_on_sc=False),
        scratch_types=[
            pltpu.VMEM((NCH, CH), jnp.int32),
            pltpu.VMEM((NCH, CH), jnp.int32),
            pltpu.VMEM((CH, D), jnp.float32),
            pltpu.VMEM((CH, D), jnp.float32),
            pltpu.VMEM((CH, D), jnp.float32),
            pltpu.VMEM_SHARED((N, D), jnp.float32),
            pltpu.SemaphoreType.DMA,
            pltpu.SemaphoreType.DMA,
            pltpu.SemaphoreType.DMA,
        ],
    )
    return sc_degree, sc_agg


def _tc0_body(degp_ref, x_ref, w_ref, y_ref, dinv_ref):
    dp = degp_ref[...]
    deg = dp[0, :, 0:1] + dp[1, :, 0:1] + 1.0
    dinv = lax.rsqrt(deg)
    dvb = jnp.broadcast_to(dinv, (BR, D))
    dinv_ref[...] = dvb
    y_ref[...] = dvb * jnp.dot(x_ref[...], w_ref[...], preferred_element_type=jnp.float32)


def _tc0(degp, x, w0):
    return pl.pallas_call(
        _tc0_body,
        grid=(NB,),
        in_specs=[
            pl.BlockSpec((NC, BR, 16), lambda i: (0, i, 0)),
            pl.BlockSpec((BR, D), lambda i: (i, 0)),
            pl.BlockSpec((D, D), lambda i: (0, 0)),
        ],
        out_specs=[
            pl.BlockSpec((BR, D), lambda i: (i, 0)),
            pl.BlockSpec((BR, D), lambda i: (i, 0)),
        ],
        out_shape=[
            jax.ShapeDtypeStruct((N, D), jnp.float32),
            jax.ShapeDtypeStruct((N, D), jnp.float32),
        ],
    )(degp, x, w0)


def _tca_body(a0_ref, a1_ref, y_ref, dinv_ref, b_ref, s_ref, stats_ref):
    i = pl.program_id(0)
    s = dinv_ref[...] * (a0_ref[...] + a1_ref[...] + y_ref[...]) + b_ref[...]
    s_ref[...] = s
    part = jnp.concatenate(
        [jnp.sum(s, axis=0, keepdims=True), jnp.sum(s * s, axis=0, keepdims=True)],
        axis=0,
    )

    @pl.when(i == 0)
    def _():
        stats_ref[...] = part

    @pl.when(i > 0)
    def _():
        stats_ref[...] = stats_ref[...] + part


def _tca(a0, a1, y, dinv, b):
    return pl.pallas_call(
        _tca_body,
        grid=(NB,),
        in_specs=[
            pl.BlockSpec((BR, D), lambda i: (i, 0)),
            pl.BlockSpec((BR, D), lambda i: (i, 0)),
            pl.BlockSpec((BR, D), lambda i: (i, 0)),
            pl.BlockSpec((BR, D), lambda i: (i, 0)),
            pl.BlockSpec((1, D), lambda i: (0, 0)),
        ],
        out_specs=[
            pl.BlockSpec((BR, D), lambda i: (i, 0)),
            pl.BlockSpec((2, D), lambda i: (0, 0)),
        ],
        out_shape=[
            jax.ShapeDtypeStruct((N, D), jnp.float32),
            jax.ShapeDtypeStruct((2, D), jnp.float32),
        ],
    )(a0, a1, y, dinv, b)


def _tcb_body(s_ref, stats_ref, dinv_ref, g_ref, be_ref, w_ref, out_ref):
    st = stats_ref[...]
    mu = st[0:1] / N
    var = st[1:2] / N - mu * mu
    h = jnp.maximum(
        (s_ref[...] - mu) * lax.rsqrt(var + EPSV) * g_ref[...] + be_ref[...], 0.0
    )
    out_ref[...] = dinv_ref[...] * jnp.dot(
        h, w_ref[...], preferred_element_type=jnp.float32
    )


def _tcb(s, stats, dinv, g, be, w):
    return pl.pallas_call(
        _tcb_body,
        grid=(NB,),
        in_specs=[
            pl.BlockSpec((BR, D), lambda i: (i, 0)),
            pl.BlockSpec((2, D), lambda i: (0, 0)),
            pl.BlockSpec((BR, D), lambda i: (i, 0)),
            pl.BlockSpec((1, D), lambda i: (0, 0)),
            pl.BlockSpec((1, D), lambda i: (0, 0)),
            pl.BlockSpec((D, D), lambda i: (0, 0)),
        ],
        out_specs=pl.BlockSpec((BR, D), lambda i: (i, 0)),
        out_shape=jax.ShapeDtypeStruct((N, D), jnp.float32),
    )(s, stats, dinv, g, be, w)


def _tcab_body(a0_ref, a1_ref, y_ref, dinv_ref, b_ref, g_ref, be_ref, w_ref,
               out_ref, s_buf, stats_sc):
    i = pl.program_id(0)

    @pl.when(i < NB)
    def _():
        s = dinv_ref[...] * (a0_ref[...] + a1_ref[...] + y_ref[...]) + b_ref[...]
        s_buf[pl.ds(i * BR, BR), :] = s
        part = jnp.concatenate(
            [jnp.sum(s, axis=0, keepdims=True), jnp.sum(s * s, axis=0, keepdims=True)],
            axis=0,
        )

        @pl.when(i == 0)
        def _():
            stats_sc[...] = part

        @pl.when(i > 0)
        def _():
            stats_sc[...] = stats_sc[...] + part

    @pl.when(i >= NB)
    def _():
        st = stats_sc[...]
        mu = st[0:1] / N
        var = st[1:2] / N - mu * mu
        sblk = s_buf[pl.ds((i - NB) * BR, BR), :]
        h = jnp.maximum(
            (sblk - mu) * lax.rsqrt(var + EPSV) * g_ref[...] + be_ref[...], 0.0
        )
        out_ref[...] = dinv_ref[...] * jnp.dot(
            h, w_ref[...], preferred_element_type=jnp.float32
        )


def _tcab(a0, a1, y, dinv, b, g, be, w):
    ph0 = lambda i: (jnp.where(i < NB, i, NB - 1), 0)
    both = lambda i: (jnp.where(i < NB, i, i - NB), 0)
    return pl.pallas_call(
        _tcab_body,
        grid=(2 * NB,),
        in_specs=[
            pl.BlockSpec((BR, D), ph0),
            pl.BlockSpec((BR, D), ph0),
            pl.BlockSpec((BR, D), ph0),
            pl.BlockSpec((BR, D), both),
            pl.BlockSpec((1, D), lambda i: (0, 0)),
            pl.BlockSpec((1, D), lambda i: (0, 0)),
            pl.BlockSpec((1, D), lambda i: (0, 0)),
            pl.BlockSpec((D, D), lambda i: (0, 0)),
        ],
        out_specs=pl.BlockSpec((BR, D), lambda i: (jnp.where(i < NB, 0, i - NB), 0)),
        out_shape=jax.ShapeDtypeStruct((N, D), jnp.float32),
        scratch_shapes=[
            pltpu.VMEM((N, D), jnp.float32),
            pltpu.VMEM((2, D), jnp.float32),
        ],
    )(a0, a1, y, dinv, b, g, be, w)


def _tcaf_body(a0_ref, a1_ref, y_ref, dinv_ref, b_ref, g_ref, be_ref,
               bcol_ref, brow_ref, out_ref, s_buf, stats_sc, sums_sc, cnts_sc, maxs_sc):
    i = pl.program_id(0)

    @pl.when(i < NB)
    def _():
        s = dinv_ref[...] * (a0_ref[...] + a1_ref[...] + y_ref[...]) + b_ref[...]
        s_buf[pl.ds(i * BR, BR), :] = s
        part = jnp.concatenate(
            [jnp.sum(s, axis=0, keepdims=True), jnp.sum(s * s, axis=0, keepdims=True)],
            axis=0,
        )

        @pl.when(i == 0)
        def _():
            stats_sc[...] = part

        @pl.when(i > 0)
        def _():
            stats_sc[...] = stats_sc[...] + part

    @pl.when(i >= NB)
    def _():
        st = stats_sc[...]
        mu = st[0:1] / N
        var = st[1:2] / N - mu * mu
        sblk = s_buf[pl.ds((i - NB) * BR, BR), :]
        h = jnp.maximum(
            (sblk - mu) * lax.rsqrt(var + EPSV) * g_ref[...] + be_ref[...], 0.0
        )

        @pl.when(i == NB)
        def _():
            sums_sc[...] = jnp.zeros_like(sums_sc)
            cnts_sc[...] = jnp.zeros_like(cnts_sc)
            maxs_sc[...] = jnp.full_like(maxs_sc, -jnp.inf)

        brow = brow_ref[0]
        gcol = lax.broadcasted_iota(jnp.int32, (G, 1), 0)
        oh = (brow == gcol).astype(jnp.float32)
        sums_sc[...] = sums_sc[...] + jnp.dot(oh, h, preferred_element_type=jnp.float32)
        cnts_sc[...] = cnts_sc[...] + jnp.sum(oh, axis=1, keepdims=True)

        bcol = bcol_ref[...]
        g_lo = jnp.min(bcol)
        g_hi = jnp.max(bcol)

        def gbody(gg, carry):
            m = jnp.max(jnp.where(bcol == gg, h, -jnp.inf), axis=0, keepdims=True)
            maxs_sc[pl.ds(gg, 1), :] = jnp.maximum(maxs_sc[pl.ds(gg, 1), :], m)
            return carry

        lax.fori_loop(g_lo, g_hi + 1, gbody, 0)

        @pl.when(i == 2 * NB - 1)
        def _():
            out_ref[...] = jnp.concatenate(
                [sums_sc[...] / jnp.maximum(cnts_sc[...], 1.0), maxs_sc[...]], axis=1
            )


def _tcaf(a0, a1, y, dinv, b, g, be, bcol, brow):
    ph0 = lambda i: (jnp.where(i < NB, i, NB - 1), 0)
    ph1 = lambda i: (jnp.where(i < NB, 0, i - NB), 0)
    return pl.pallas_call(
        _tcaf_body,
        grid=(2 * NB,),
        in_specs=[
            pl.BlockSpec((BR, D), ph0),
            pl.BlockSpec((BR, D), ph0),
            pl.BlockSpec((BR, D), ph0),
            pl.BlockSpec((BR, D), ph0),
            pl.BlockSpec((1, D), lambda i: (0, 0)),
            pl.BlockSpec((1, D), lambda i: (0, 0)),
            pl.BlockSpec((1, D), lambda i: (0, 0)),
            pl.BlockSpec((BR, 1), ph1),
            pl.BlockSpec((1, 1, BR), lambda i: (jnp.where(i < NB, 0, i - NB), 0, 0)),
        ],
        out_specs=pl.BlockSpec((G, 2 * D), lambda i: (0, 0)),
        out_shape=jax.ShapeDtypeStruct((G, 2 * D), jnp.float32),
        scratch_shapes=[
            pltpu.VMEM((N, D), jnp.float32),
            pltpu.VMEM((2, D), jnp.float32),
            pltpu.VMEM((G, D), jnp.float32),
            pltpu.VMEM((G, 1), jnp.float32),
            pltpu.VMEM((G, D), jnp.float32),
        ],
    )(a0, a1, y, dinv, b, g, be, bcol, brow)


def _tcf_body(s_ref, stats_ref, g_ref, be_ref, bcol_ref, brow_ref, out_ref,
              sums_sc, cnts_sc, maxs_sc):
    i = pl.program_id(0)
    st = stats_ref[...]
    mu = st[0:1] / N
    var = st[1:2] / N - mu * mu
    h = jnp.maximum(
        (s_ref[...] - mu) * lax.rsqrt(var + EPSV) * g_ref[...] + be_ref[...], 0.0
    )

    @pl.when(i == 0)
    def _():
        sums_sc[...] = jnp.zeros_like(sums_sc)
        cnts_sc[...] = jnp.zeros_like(cnts_sc)
        maxs_sc[...] = jnp.full_like(maxs_sc, -jnp.inf)

    brow = brow_ref[0]
    gcol = lax.broadcasted_iota(jnp.int32, (G, 1), 0)
    oh = (brow == gcol).astype(jnp.float32)
    sums_sc[...] = sums_sc[...] + jnp.dot(oh, h, preferred_element_type=jnp.float32)
    cnts_sc[...] = cnts_sc[...] + jnp.sum(oh, axis=1, keepdims=True)

    bcol = bcol_ref[...]
    g_lo = jnp.min(bcol)
    g_hi = jnp.max(bcol)

    def gbody(g, carry):
        m = jnp.max(jnp.where(bcol == g, h, -jnp.inf), axis=0, keepdims=True)
        maxs_sc[pl.ds(g, 1), :] = jnp.maximum(maxs_sc[pl.ds(g, 1), :], m)
        return carry

    lax.fori_loop(g_lo, g_hi + 1, gbody, 0)

    @pl.when(i == NB - 1)
    def _():
        out_ref[...] = jnp.concatenate(
            [sums_sc[...] / jnp.maximum(cnts_sc[...], 1.0), maxs_sc[...]], axis=1
        )


def _tcf(s, stats, g, be, bcol, brow):
    return pl.pallas_call(
        _tcf_body,
        grid=(NB,),
        in_specs=[
            pl.BlockSpec((BR, D), lambda i: (i, 0)),
            pl.BlockSpec((2, D), lambda i: (0, 0)),
            pl.BlockSpec((1, D), lambda i: (0, 0)),
            pl.BlockSpec((1, D), lambda i: (0, 0)),
            pl.BlockSpec((BR, 1), lambda i: (i, 0)),
            pl.BlockSpec((1, 1, BR), lambda i: (i, 0, 0)),
        ],
        out_specs=pl.BlockSpec((G, 2 * D), lambda i: (0, 0)),
        out_shape=jax.ShapeDtypeStruct((G, 2 * D), jnp.float32),
        scratch_shapes=[
            pltpu.VMEM((G, D), jnp.float32),
            pltpu.VMEM((G, 1), jnp.float32),
            pltpu.VMEM((G, D), jnp.float32),
        ],
    )(s, stats, g, be, bcol, brow)


def kernel(x, edge_index, batch, W0, b0, gamma0, beta0, W1, b1, gamma1, beta1,
           W2, b2, gamma2, beta2):
    row = edge_index[0]
    col = edge_index[1]
    row3 = row.reshape(NW, NCH, CH)
    col3 = col.reshape(NW, NCH, CH)
    zeros_nd = jnp.zeros((N, D), jnp.float32)
    zeros_n16 = jnp.zeros((N, 16), jnp.float32)
    ones_ch16 = jnp.ones((CH, 16), jnp.float32)

    sc_degree, sc_agg = _sc_kernels()
    degp = sc_degree(col3, ones_ch16, zeros_n16)
    y, dinvb = _tc0(degp, x, W0)

    Ws = [W1, W2]
    bs = [b0, b1, b2]
    gs = [gamma0, gamma1, gamma2]
    bes = [beta0, beta1, beta2]
    for i in range(3):
        acc = sc_agg(y, row3, col3, zeros_nd)
        if i < 2:
            y = _tcab(acc[0], acc[1], y, dinvb, bs[i].reshape(1, D),
                      gs[i].reshape(1, D), bes[i].reshape(1, D), Ws[i])
        else:
            out = _tcaf(acc[0], acc[1], y, dinvb, bs[i].reshape(1, D),
                        gs[i].reshape(1, D), bes[i].reshape(1, D),
                        batch.reshape(N, 1), batch.reshape(NB, 1, BR))
    return out

# --- scband reference (transcript-rebuilt; emitter-appended) ---
"""Pipeline reference for scband-gnnmodel-14482629722973 (READ-ONLY COPY).

The authoritative reference and input builder live on the scoring server;
editing this copy changes nothing except your own understanding.
"""

import jax, jax.numpy as jnp
import numpy as np

N_NODES = 10000
N_EDGES = 320000
D = 128
N_GRAPHS = 64
EPS = 1e-5


def setup_inputs(seed: int = 0) -> dict:
    key = jax.random.key(seed)
    ks = jax.random.split(key, 20)
    inp = {}
    inp["x"] = jax.random.normal(ks[0], (N_NODES, D), dtype=jnp.float32)
    inp["edge_index"] = jax.random.randint(ks[1], (2, N_EDGES), 0, N_NODES, dtype=jnp.int32)
    inp["batch"] = jnp.sort(jax.random.randint(ks[2], (N_NODES,), 0, N_GRAPHS, dtype=jnp.int32))
    for i in range(3):
        inp[f"W{i}"] = 0.1 * jax.random.normal(ks[3 + i], (D, D), dtype=jnp.float32)
        inp[f"b{i}"] = jnp.zeros((D,), dtype=jnp.float32)
        inp[f"gamma{i}"] = jnp.ones((D,), dtype=jnp.float32)
        inp[f"beta{i}"] = jnp.zeros((D,), dtype=jnp.float32)
    return inp


def _gcn_conv(x, edge_index, W, b):
    n = x.shape[0]
    x = x @ W
    # add self-loops (PyG GCNConv default)
    loop = jnp.arange(n, dtype=edge_index.dtype)
    row = jnp.concatenate([edge_index[0], loop])
    col = jnp.concatenate([edge_index[1], loop])
    deg = jax.ops.segment_sum(jnp.ones_like(col, dtype=x.dtype), col, num_segments=n)
    deg_inv_sqrt = jnp.where(deg > 0, deg ** -0.5, 0.0)
    norm = deg_inv_sqrt[row] * deg_inv_sqrt[col]
    msg = x[row] * norm[:, None]
    out = jax.ops.segment_sum(msg, col, num_segments=n)
    return out + b


def _batch_norm(x, gamma, beta):
    mu = jnp.mean(x, axis=0)
    var = jnp.var(x, axis=0)
    return (x - mu) / jnp.sqrt(var + EPS) * gamma + beta


def reference(x, edge_index, batch, W0, b0, gamma0, beta0, W1, b1, gamma1, beta1, W2, b2, gamma2, beta2):
    Ws = [W0, W1, W2]
    bs = [b0, b1, b2]
    gs = [gamma0, gamma1, gamma2]
    bes = [beta0, beta1, beta2]
    h = x
    for i in range(3):
        h = _gcn_conv(h, edge_index, Ws[i], bs[i])
        h = _batch_norm(h, gs[i], bes[i])
        h = jax.nn.relu(h)
    counts = jax.ops.segment_sum(jnp.ones((h.shape[0],), dtype=h.dtype), batch, num_segments=N_GRAPHS)
    sums = jax.ops.segment_sum(h, batch, num_segments=N_GRAPHS)
    mean_pool = sums / jnp.clip(counts, 1.0, None)[:, None]
    max_pool = jax.ops.segment_max(h, batch, num_segments=N_GRAPHS)
    return jnp.concatenate([mean_pool, max_pool], axis=1)

if __name__ == "__main__":
    import jax
    _d = setup_inputs()
    print(jax.jit(kernel)(*tuple(_d.values())))

</pallas_src>

<mosaic_0001>
#map = affine_map<(d0, d1) -> (0, 0)>
#map1 = affine_map<(d0, d1) -> (0, 0, 0)>
module attributes {stable_mosaic.version = 14 : i64} {
  func.func @_sc_agg_body(%arg0: i32, %arg1: i32, %arg2: memref<10000x128xf32, #tpu.memory_space<hbm>>, %arg3: memref<32x125x80xi32, #tpu.memory_space<hbm>>, %arg4: memref<32x125x80xi32, #tpu.memory_space<hbm>>, %arg5: memref<10000x128xf32, #tpu.memory_space<hbm>>, %arg6: memref<2x10000x128xf32, #tpu.memory_space<hbm>>, %arg7: memref<125x80xi32, #tpu.memory_space<vmem>>, %arg8: memref<125x80xi32, #tpu.memory_space<vmem>>, %arg9: memref<80x128xf32, #tpu.memory_space<vmem>>, %arg10: memref<80x128xf32, #tpu.memory_space<vmem>>, %arg11: memref<80x128xf32, #tpu.memory_space<vmem>>, %arg12: memref<10000x128xf32, #tpu.memory_space<vmem_shared>>, %arg13: memref<!tpu.dma_semaphore, #tpu.memory_space<semaphore_mem>>, %arg14: memref<!tpu.dma_semaphore, #tpu.memory_space<semaphore_mem>>, %arg15: memref<!tpu.dma_semaphore, #tpu.memory_space<semaphore_mem>>) attributes {dimension_semantics = [#tpu.dimension_semantics<core_parallel>, #tpu.dimension_semantics<subcore_parallel>], iteration_bounds = array<i64: 2, 16>, scalar_prefetch = 0 : i64, scratch_operands = 9 : i64, tpu.core_type = #tpu.core_type<sc_vector_subcore>, window_params = [{transform_indices = #map}, {transform_indices = #map1}, {transform_indices = #map1}, {transform_indices = #map}, {transform_indices = #map1}]} {
    %mul3A = arith.constant 16 : i32
    %mul3A_0 = arith.muli %arg0, %mul3A : i32
    %add3A = arith.addi %mul3A_0, %arg1 : i32
    "tpu.region"() ({
      %run_scoped3A = tpu.sem_alloc : memref<!tpu.dma_semaphore, #tpu.memory_space<semaphore_mem>>
      %dma_start3A_43 = arith.constant 0 : i32
      %dma_start3A_44 = arith.constant 0 : i32
      %dma_start3A_45 = tpu.memref_slice %arg3[%add3A, %dma_start3A_43, %dma_start3A_44] : memref<32x125x80xi32, #tpu.memory_space<hbm>> -> memref<1x125x80xi32, #tpu.memory_space<hbm>>
      %dma_start3A_46 = tpu.memref_squeeze %dma_start3A_45 : memref<1x125x80xi32, #tpu.memory_space<hbm>> -> memref<125x80xi32, #tpu.memory_space<hbm>>
      %dma_start3A_47 = arith.constant 0 : i32
      %dma_start3A_48 = arith.constant 0 : i32
      %dma_start3A_49 = tpu.memref_slice %arg3[%add3A, %dma_start3A_47, %dma_start3A_48] : memref<32x125x80xi32, #tpu.memory_space<hbm>> -> memref<1x125x80xi32, #tpu.memory_space<hbm>>
      %dma_start3A_50 = tpu.memref_squeeze %dma_start3A_49 : memref<1x125x80xi32, #tpu.memory_space<hbm>> -> memref<125x80xi32, #tpu.memory_space<hbm>>
      tpu.enqueue_dma source(%dma_start3A_50 : memref<125x80xi32, #tpu.memory_space<hbm>>) target(%arg7 : memref<125x80xi32, #tpu.memory_space<vmem>>) target_semaphore(%run_scoped3A : memref<!tpu.dma_semaphore, #tpu.memory_space<semaphore_mem>>)
      %dma_wait3A = arith.constant 0 : i32
      %dma_wait3A_51 = arith.constant 0 : i32
      %dma_wait3A_52 = tpu.memref_slice %arg3[%add3A, %dma_wait3A, %dma_wait3A_51] : memref<32x125x80xi32, #tpu.memory_space<hbm>> -> memref<1x125x80xi32, #tpu.memory_space<hbm>>
      %dma_wait3A_53 = tpu.memref_squeeze %dma_wait3A_52 : memref<1x125x80xi32, #tpu.memory_space<hbm>> -> memref<125x80xi32, #tpu.memory_space<hbm>>
      %dma_wait3A_54 = arith.constant 0 : i32
      %dma_wait3A_55 = arith.constant 0 : i32
      %dma_wait3A_56 = tpu.memref_slice %arg3[%add3A, %dma_wait3A_54, %dma_wait3A_55] : memref<32x125x80xi32, #tpu.memory_space<hbm>> -> memref<1x125x80xi32, #tpu.memory_space<hbm>>
      %dma_wait3A_57 = tpu.memref_squeeze %dma_wait3A_56 : memref<1x125x80xi32, #tpu.memory_space<hbm>> -> memref<125x80xi32, #tpu.memory_space<hbm>>
      tpu.wait_dma2 semaphore(%run_scoped3A : memref<!tpu.dma_semaphore, #tpu.memory_space<semaphore_mem>>) src(%dma_wait3A_57 : memref<125x80xi32, #tpu.memory_space<hbm>>) dst(%arg7 : memref<125x80xi32, #tpu.memory_space<vmem>>)
      tpu.yield
    }) : () -> ()
    "tpu.region"() ({
      %run_scoped3A = tpu.sem_alloc : memref<!tpu.dma_semaphore, #tpu.memory_space<semaphore_mem>>
      %dma_start3A_43 = arith.constant 0 : i32
      %dma_start3A_44 = arith.constant 0 : i32
      %dma_start3A_45 = tpu.memref_slice %arg4[%add3A, %dma_start3A_43, %dma_start3A_44] : memref<32x125x80xi32, #tpu.memory_space<hbm>> -> memref<1x125x80xi32, #tpu.memory_space<hbm>>
      %dma_start3A_46 = tpu.memref_squeeze %dma_start3A_45 : memref<1x125x80xi32, #tpu.memory_space<hbm>> -> memref<125x80xi32, #tpu.memory_space<hbm>>
      %dma_start3A_47 = arith.constant 0 : i32
      %dma_start3A_48 = arith.constant 0 : i32
      %dma_start3A_49 = tpu.memref_slice %arg4[%add3A, %dma_start3A_47, %dma_start3A_48] : memref<32x125x80xi32, #tpu.memory_space<hbm>> -> memref<1x125x80xi32, #tpu.memory_space<hbm>>
      %dma_start3A_50 = tpu.memref_squeeze %dma_start3A_49 : memref<1x125x80xi32, #tpu.memory_space<hbm>> -> memref<125x80xi32, #tpu.memory_space<hbm>>
      tpu.enqueue_dma source(%dma_start3A_50 : memref<125x80xi32, #tpu.memory_space<hbm>>) target(%arg8 : memref<125x80xi32, #tpu.memory_space<vmem>>) target_semaphore(%run_scoped3A : memref<!tpu.dma_semaphore, #tpu.memory_space<semaphore_mem>>)
      %dma_wait3A = arith.constant 0 : i32
      %dma_wait3A_51 = arith.constant 0 : i32
      %dma_wait3A_52 = tpu.memref_slice %arg4[%add3A, %dma_wait3A, %dma_wait3A_51] : memref<32x125x80xi32, #tpu.memory_space<hbm>> -> memref<1x125x80xi32, #tpu.memory_space<hbm>>
      %dma_wait3A_53 = tpu.memref_squeeze %dma_wait3A_52 : memref<1x125x80xi32, #tpu.memory_space<hbm>> -> memref<125x80xi32, #tpu.memory_space<hbm>>
      %dma_wait3A_54 = arith.constant 0 : i32
      %dma_wait3A_55 = arith.constant 0 : i32
      %dma_wait3A_56 = tpu.memref_slice %arg4[%add3A, %dma_wait3A_54, %dma_wait3A_55] : memref<32x125x80xi32, #tpu.memory_space<hbm>> -> memref<1x125x80xi32, #tpu.memory_space<hbm>>
      %dma_wait3A_57 = tpu.memref_squeeze %dma_wait3A_56 : memref<1x125x80xi32, #tpu.memory_space<hbm>> -> memref<125x80xi32, #tpu.memory_space<hbm>>
      tpu.wait_dma2 semaphore(%run_scoped3A : memref<!tpu.dma_semaphore, #tpu.memory_space<semaphore_mem>>) src(%dma_wait3A_57 : memref<125x80xi32, #tpu.memory_space<hbm>>) dst(%arg8 : memref<125x80xi32, #tpu.memory_space<vmem>>)
      tpu.yield
    }) : () -> ()
    %lt3A = arith.constant 15 : i32
    %lt3A_1 = arith.cmpi slt, %arg1, %lt3A : i32
    %convert_element_type3A = arith.extui %lt3A_1 : i1 to i32
    %cond3A = arith.constant 0 : i32
    %cond3A_2 = arith.cmpi ne, %convert_element_type3A, %cond3A : i32
    scf.if %cond3A_2 {
      %mul3A_43 = arith.constant 624 : i32
      %mul3A_44 = arith.muli %arg1, %mul3A_43 : i32
      %mul3A_45 = arith.constant 624 : i32
      %mul3A_46 = arith.muli %arg1, %mul3A_45 : i32
      "tpu.region"() ({
        %run_scoped3A = tpu.sem_alloc : memref<!tpu.dma_semaphore, #tpu.memory_space<semaphore_mem>>
        %dma_start3A_47 = arith.constant 0 : i32
        %dma_start3A_48 = tpu.memref_slice %arg12[%mul3A_46, %dma_start3A_47] : memref<10000x128xf32, #tpu.memory_space<vmem_shared>> -> memref<624x128xf32, #tpu.memory_space<vmem_shared>>
        %dma_start3A_49 = arith.constant 0 : i32
        %dma_start3A_50 = tpu.memref_slice %arg5[%mul3A_44, %dma_start3A_49] : memref<10000x128xf32, #tpu.memory_space<hbm>> -> memref<624x128xf32, #tpu.memory_space<hbm>>
        tpu.enqueue_dma source(%dma_start3A_50 : memref<624x128xf32, #tpu.memory_space<hbm>>) target(%dma_start3A_48 : memref<624x128xf32, #tpu.memory_space<vmem_shared>>) target_semaphore(%run_scoped3A : memref<!tpu.dma_semaphore, #tpu.memory_space<semaphore_mem>>)
        %dma_wait3A = arith.constant 0 : i32
        %dma_wait3A_51 = tpu.memref_slice %arg12[%mul3A_46, %dma_wait3A] : memref<10000x128xf32, #tpu.memory_space<vmem_shared>> -> memref<624x128xf32, #tpu.memory_space<vmem_shared>>
        %dma_wait3A_52 = arith.constant 0 : i32
        %dma_wait3A_53 = tpu.memref_slice %arg5[%mul3A_44, %dma_wait3A_52] : memref<10000x128xf32, #tpu.memory_space<hbm>> -> memref<624x128xf32, #tpu.memory_space<hbm>>
        tpu.wait_dma2 semaphore(%run_scoped3A : memref<!tpu.dma_semaphore, #tpu.memory_space<semaphore_mem>>) src(%dma_wait3A_53 : memref<624x128xf32, #tpu.memory_space<hbm>>) dst(%dma_wait3A_51 : memref<624x128xf32, #tpu.memory_space<vmem_shared>>)
        tpu.yield
      }) : () -> ()
    } else {
    }
    %eq3A = arith.constant 15 : i32
    %eq3A_3 = arith.cmpi eq, %arg1, %eq3A : i32
    %convert_element_type3A_4 = arith.extui %eq3A_3 : i1 to i32
    %cond3A_5 = arith.constant 0 : i32
    %cond3A_6 = arith.cmpi ne, %convert_element_type3A_4, %cond3A_5 : i32
    scf.if %cond3A_6 {
      "tpu.region"() ({
        %run_scoped3A = tpu.sem_alloc : memref<!tpu.dma_semaphore, #tpu.memory_space<semaphore_mem>>
        %dma_start3A_43 = arith.constant 9360 : i32
        %dma_start3A_44 = arith.constant 0 : i32
        %dma_start3A_45 = tpu.memref_slice %arg12[%dma_start3A_43, %dma_start3A_44] : memref<10000x128xf32, #tpu.memory_space<vmem_shared>> -> memref<640x128xf32, #tpu.memory_space<vmem_shared>>
        %dma_start3A_46 = arith.constant 9360 : i32
        %dma_start3A_47 = arith.constant 0 : i32
        %dma_start3A_48 = tpu.memref_slice %arg5[%dma_start3A_46, %dma_start3A_47] : memref<10000x128xf32, #tpu.memory_space<hbm>> -> memref<640x128xf32, #tpu.memory_space<hbm>>
        tpu.enqueue_dma source(%dma_start3A_48 : memref<640x128xf32, #tpu.memory_space<hbm>>) target(%dma_start3A_45 : memref<640x128xf32, #tpu.memory_space<vmem_shared>>) target_semaphore(%run_scoped3A : memref<!tpu.dma_semaphore, #tpu.memory_space<semaphore_mem>>)
        %dma_wait3A = arith.constant 9360 : i32
        %dma_wait3A_49 = arith.constant 0 : i32
        %dma_wait3A_50 = tpu.memref_slice %arg12[%dma_wait3A, %dma_wait3A_49] : memref<10000x128xf32, #tpu.memory_space<vmem_shared>> -> memref<640x128xf32, #tpu.memory_space<vmem_shared>>
        %dma_wait3A_51 = arith.constant 9360 : i32
        %dma_wait3A_52 = arith.constant 0 : i32
        %dma_wait3A_53 = tpu.memref_slice %arg5[%dma_wait3A_51, %dma_wait3A_52] : memref<10000x128xf32, #tpu.memory_space<hbm>> -> memref<640x128xf32, #tpu.memory_space<hbm>>
        tpu.wait_dma2 semaphore(%run_scoped3A : memref<!tpu.dma_semaphore, #tpu.memory_space<semaphore_mem>>) src(%dma_wait3A_53 : memref<640x128xf32, #tpu.memory_space<hbm>>) dst(%dma_wait3A_50 : memref<640x128xf32, #tpu.memory_space<vmem_shared>>)
        tpu.yield
      }) : () -> ()
    } else {
    }
    %dma_start3A = arith.constant 0 : i32
    %dma_start3A_7 = arith.constant 0 : i32
    %dma_start3A_8 = tpu.memref_slice %arg7[%dma_start3A, %dma_start3A_7] : memref<125x80xi32, #tpu.memory_space<vmem>> -> memref<1x80xi32, #tpu.memory_space<vmem>>
    %dma_start3A_9 = tpu.memref_squeeze %dma_start3A_8 : memref<1x80xi32, #tpu.memory_space<vmem>> -> memref<80xi32, #tpu.memory_space<vmem>>
    %dma_start3A_10 = arith.constant 0 : i32
    %dma_start3A_11 = arith.constant 0 : i32
    %dma_start3A_12 = tpu.memref_slice %arg2[%dma_start3A_10, %dma_start3A_11] : memref<10000x128xf32, #tpu.memory_space<hbm>> -> memref<10000x128xf32, #tpu.memory_space<hbm>>
    tpu.enqueue_indirect_dma source(%dma_start3A_12 : memref<10000x128xf32, #tpu.memory_space<hbm>>) target(%arg9 : memref<80x128xf32, #tpu.memory_space<vmem>>) offsets(%dma_start3A_9 : memref<80xi32, #tpu.memory_space<vmem>>) semaphore(%arg13 : memref<!tpu.dma_semaphore, #tpu.memory_space<semaphore_mem>>)
    %dma_start3A_13 = arith.constant 1 : i32
    %dma_start3A_14 = arith.constant 0 : i32
    %dma_start3A_15 = tpu.memref_slice %arg7[%dma_start3A_13, %dma_start3A_14] : memref<125x80xi32, #tpu.memory_space<vmem>> -> memref<1x80xi32, #tpu.memory_space<vmem>>
    %dma_start3A_16 = tpu.memref_squeeze %dma_start3A_15 : memref<1x80xi32, #tpu.memory_space<vmem>> -> memref<80xi32, #tpu.memory_space<vmem>>
    %dma_start3A_17 = arith.constant 0 : i32
    %dma_start3A_18 = arith.constant 0 : i32
    %dma_start3A_19 = tpu.memref_slice %arg2[%dma_start3A_17, %dma_start3A_18] : memref<10000x128xf32, #tpu.memory_space<hbm>> -> memref<10000x128xf32, #tpu.memory_space<hbm>>
    tpu.enqueue_indirect_dma source(%dma_start3A_19 : memref<10000x128xf32, #tpu.memory_space<hbm>>) target(%arg10 : memref<80x128xf32, #tpu.memory_space<vmem>>) offsets(%dma_start3A_16 : memref<80xi32, #tpu.memory_space<vmem>>) semaphore(%arg14 : memref<!tpu.dma_semaphore, #tpu.memory_space<semaphore_mem>>)
    %dma_start3A_20 = arith.constant 2 : i32
    %dma_start3A_21 = arith.constant 0 : i32
    %dma_start3A_22 = tpu.memref_slice %arg7[%dma_start3A_20, %dma_start3A_21] : memref<125x80xi32, #tpu.memory_space<vmem>> -> memref<1x80xi32, #tpu.memory_space<vmem>>
    %dma_start3A_23 = tpu.memref_squeeze %dma_start3A_22 : memref<1x80xi32, #tpu.memory_space<vmem>> -> memref<80xi32, #tpu.memory_space<vmem>>
    %dma_start3A_24 = arith.constant 0 : i32
    %dma_start3A_25 = arith.constant 0 : i32
    %dma_start3A_26 = tpu.memref_slice %arg2[%dma_start3A_24, %dma_start3A_25] : memref<10000x128xf32, #tpu.memory_space<hbm>> -> memref<10000x128xf32, #tpu.memory_space<hbm>>
    tpu.enqueue_indirect_dma source(%dma_start3A_26 : memref<10000x128xf32, #tpu.memory_space<hbm>>) target(%arg11 : memref<80x128xf32, #tpu.memory_space<vmem>>) offsets(%dma_start3A_23 : memref<80xi32, #tpu.memory_space<vmem>>) semaphore(%arg15 : memref<!tpu.dma_semaphore, #tpu.memory_space<semaphore_mem>>)
    %barrier3A = arith.constant 0 : index
    tpu.barrier barrier_id(%barrier3A)
    %scan3A = arith.constant 0 : i32
    %scan3A_27 = arith.constant 0 : i32
    %scan3A_28 = arith.constant 42 : i32
    %scan3A_29 = arith.addi %scan3A_27, %scan3A_28 : i32
    %scan3A_30 = arith.constant 1 : i32
    scf.for %scan3A_43 = %scan3A_27 to %scan3A_29 step %scan3A_30  : i32 {
      %mul3A_44 = arith.constant 3 : i32
      %mul3A_45 = arith.muli %scan3A_43, %mul3A_44 : i32
      %add3A_46 = arith.constant 0 : i32
      %add3A_47 = arith.addi %mul3A_45, %add3A_46 : i32
      %lt3A_48 = arith.constant 125 : i32
      %lt3A_49 = arith.cmpi slt, %add3A_47, %lt3A_48 : i32
      %convert_element_type3A_50 = arith.extui %lt3A_49 : i1 to i32
      %cond3A_51 = arith.constant 0 : i32
      %cond3A_52 = arith.cmpi ne, %convert_element_type3A_50, %cond3A_51 : i32
      scf.if %cond3A_52 {
        %dma_wait3A = arith.constant 0 : i32
        %dma_wait3A_71 = tpu.memref_slice %arg7[%add3A_47, %dma_wait3A] : memref<125x80xi32, #tpu.memory_space<vmem>> -> memref<1x80xi32, #tpu.memory_space<vmem>>
        %dma_wait3A_72 = tpu.memref_squeeze %dma_wait3A_71 : memref<1x80xi32, #tpu.memory_space<vmem>> -> memref<80xi32, #tpu.memory_space<vmem>>
        %dma_wait3A_73 = arith.constant 0 : i32
        %dma_wait3A_74 = arith.constant 0 : i32
        %dma_wait3A_75 = tpu.memref_slice %arg2[%dma_wait3A_73, %dma_wait3A_74] : memref<10000x128xf32, #tpu.memory_space<hbm>> -> memref<10000x128xf32, #tpu.memory_space<hbm>>
        tpu.wait_indirect_dma semaphore(%arg13 : memref<!tpu.dma_semaphore, #tpu.memory_space<semaphore_mem>>) src(%dma_wait3A_75 : memref<10000x128xf32, #tpu.memory_space<hbm>>) dst(%arg9 : memref<80x128xf32, #tpu.memory_space<vmem>>)
        "tpu.region"() ({
          %run_scoped3A = tpu.sem_alloc : memref<!tpu.dma_semaphore, #tpu.memory_space<semaphore_mem>>
          %dma_start3A_83 = arith.constant 0 : i32
          %dma_start3A_84 = tpu.memref_slice %arg8[%add3A_47, %dma_start3A_83] : memref<125x80xi32, #tpu.memory_space<vmem>> -> memref<1x80xi32, #tpu.memory_space<vmem>>
          %dma_start3A_85 = tpu.memref_squeeze %dma_start3A_84 : memref<1x80xi32, #tpu.memory_space<vmem>> -> memref<80xi32, #tpu.memory_space<vmem>>
          %dma_start3A_86 = arith.constant 0 : i32
          %dma_start3A_87 = arith.constant 0 : i32
          %dma_start3A_88 = tpu.memref_slice %arg12[%dma_start3A_86, %dma_start3A_87] : memref<10000x128xf32, #tpu.memory_space<vmem_shared>> -> memref<10000x128xf32, #tpu.memory_space<vmem_shared>>
          tpu.enqueue_indirect_dma source(%arg9 : memref<80x128xf32, #tpu.memory_space<vmem>>) target(%dma_start3A_88 : memref<10000x128xf32, #tpu.memory_space<vmem_shared>>) offsets(%dma_start3A_85 : memref<80xi32, #tpu.memory_space<vmem>>) semaphore(%run_scoped3A : memref<!tpu.dma_semaphore, #tpu.memory_space<semaphore_mem>>) {add = true}
          %dma_wait3A_89 = arith.constant 0 : i32
          %dma_wait3A_90 = tpu.memref_slice %arg8[%add3A_47, %dma_wait3A_89] : memref<125x80xi32, #tpu.memory_space<vmem>> -> memref<1x80xi32, #tpu.memory_space<vmem>>
          %dma_wait3A_91 = tpu.memref_squeeze %dma_wait3A_90 : memref<1x80xi32, #tpu.memory_space<vmem>> -> memref<80xi32, #tpu.memory_space<vmem>>
          %dma_wait3A_92 = arith.constant 0 : i32
          %dma_wait3A_93 = arith.constant 0 : i32
          %dma_wait3A_94 = tpu.memref_slice %arg12[%dma_wait3A_92, %dma_wait3A_93] : memref<10000x128xf32, #tpu.memory_space<vmem_shared>> -> memref<10000x128xf32, #tpu.memory_space<vmem_shared>>
          tpu.wait_indirect_dma semaphore(%run_scoped3A : memref<!tpu.dma_semaphore, #tpu.memory_space<semaphore_mem>>) src(%arg9 : memref<80x128xf32, #tpu.memory_space<vmem>>) dst(%dma_wait3A_94 : memref<10000x128xf32, #tpu.memory_space<vmem_shared>>)
          tpu.yield
        }) : () -> ()
        %add3A_76 = arith.constant 3 : i32
        %add3A_77 = arith.addi %add3A_47, %add3A_76 : i32
        %lt3A_78 = arith.constant 125 : i32
        %lt3A_79 = arith.cmpi slt, %add3A_77, %lt3A_78 : i32
        %convert_element_type3A_80 = arith.extui %lt3A_79 : i1 to i32
        %cond3A_81 = arith.constant 0 : i32
        %cond3A_82 = arith.cmpi ne, %convert_element_type3A_80, %cond3A_81 : i32
        scf.if %cond3A_82 {
          %add3A_83 = arith.constant 3 : i32
          %add3A_84 = arith.addi %add3A_47, %add3A_83 : i32
          %dma_start3A_85 = arith.constant 0 : i32
          %dma_start3A_86 = tpu.memref_slice %arg7[%add3A_84, %dma_start3A_85] : memref<125x80xi32, #tpu.memory_space<vmem>> -> memref<1x80xi32, #tpu.memory_space<vmem>>
          %dma_start3A_87 = tpu.memref_squeeze %dma_start3A_86 : memref<1x80xi32, #tpu.memory_space<vmem>> -> memref<80xi32, #tpu.memory_space<vmem>>
          %dma_start3A_88 = arith.constant 0 : i32
          %dma_start3A_89 = arith.constant 0 : i32
          %dma_start3A_90 = tpu.memref_slice %arg2[%dma_start3A_88, %dma_start3A_89] : memref<10000x128xf32, #tpu.memory_space<hbm>> -> memref<10000x128xf32, #tpu.memory_space<hbm>>
          tpu.enqueue_indirect_dma source(%dma_start3A_90 : memref<10000x128xf32, #tpu.memory_space<hbm>>) target(%arg9 : memref<80x128xf32, #tpu.memory_space<vmem>>) offsets(%dma_start3A_87 : memref<80xi32, #tpu.memory_space<vmem>>) semaphore(%arg13 : memref<!tpu.dma_semaphore, #tpu.memory_space<semaphore_mem>>)
        } else {
        }
      } else {
      }
      %mul3A_53 = arith.constant 3 : i32
      %mul3A_54 = arith.muli %scan3A_43, %mul3A_53 : i32
      %add3A_55 = arith.constant 1 : i32
      %add3A_56 = arith.addi %mul3A_54, %add3A_55 : i32
      %lt3A_57 = arith.constant 125 : i32
      %lt3A_58 = arith.cmpi slt, %add3A_56, %lt3A_57 : i32
      %convert_element_type3A_59 = arith.extui %lt3A_58 : i1 to i32
      %cond3A_60 = arith.constant 0 : i32
      %cond3A_61 = arith.cmpi ne, %convert_element_type3A_59, %cond3A_60 : i32
      scf.if %cond3A_61 {
        %dma_wait3A = arith.constant 0 : i32
        %dma_wait3A_71 = tpu.memref_slice %arg7[%add3A_56, %dma_wait3A] : memref<125x80xi32, #tpu.memory_space<vmem>> -> memref<1x80xi32, #tpu.memory_space<vmem>>
        %dma_wait3A_72 = tpu.memref_squeeze %dma_wait3A_71 : memref<1x80xi32, #tpu.memory_space<vmem>> -> memref<80xi32, #tpu.memory_space<vmem>>
        %dma_wait3A_73 = arith.constant 0 : i32
        %dma_wait3A_74 = arith.constant 0 : i32
        %dma_wait3A_75 = tpu.memref_slice %arg2[%dma_wait3A_73, %dma_wait3A_74] : memref<10000x128xf32, #tpu.memory_space<hbm>> -> memref<10000x128xf32, #tpu.memory_space<hbm>>
        tpu.wait_indirect_dma semaphore(%arg14 : memref<!tpu.dma_semaphore, #tpu.memory_space<semaphore_mem>>) src(%dma_wait3A_75 : memref<10000x128xf32, #tpu.memory_space<hbm>>) dst(%arg10 : memref<80x128xf32, #tpu.memory_space<vmem>>)
        "tpu.region"() ({
          %run_scoped3A = tpu.sem_alloc : memref<!tpu.dma_semaphore, #tpu.memory_space<semaphore_mem>>
          %dma_start3A_83 = arith.constant 0 : i32
          %dma_start3A_84 = tpu.memref_slice %arg8[%add3A_56, %dma_start3A_83] : memref<125x80xi32, #tpu.memory_space<vmem>> -> memref<1x80xi32, #tpu.memory_space<vmem>>
          %dma_start3A_85 = tpu.memref_squeeze %dma_start3A_84 : memref<1x80xi32, #tpu.memory_space<vmem>> -> memref<80xi32, #tpu.memory_space<vmem>>
          %dma_start3A_86 = arith.constant 0 : i32
          %dma_start3A_87 = arith.constant 0 : i32
          %dma_start3A_88 = tpu.memref_slice %arg12[%dma_start3A_86, %dma_start3A_87] : memref<10000x128xf32, #tpu.memory_space<vmem_shared>> -> memref<10000x128xf32, #tpu.memory_space<vmem_shared>>
          tpu.enqueue_indirect_dma source(%arg10 : memref<80x128xf32, #tpu.memory_space<vmem>>) target(%dma_start3A_88 : memref<10000x128xf32, #tpu.memory_space<vmem_shared>>) offsets(%dma_start3A_85 : memref<80xi32, #tpu.memory_space<vmem>>) semaphore(%run_scoped3A : memref<!tpu.dma_semaphore, #tpu.memory_space<semaphore_mem>>) {add = true}
          %dma_wait3A_89 = arith.constant 0 : i32
          %dma_wait3A_90 = tpu.memref_slice %arg8[%add3A_56, %dma_wait3A_89] : memref<125x80xi32, #tpu.memory_space<vmem>> -> memref<1x80xi32, #tpu.memory_space<vmem>>
          %dma_wait3A_91 = tpu.memref_squeeze %dma_wait3A_90 : memref<1x80xi32, #tpu.memory_space<vmem>> -> memref<80xi32, #tpu.memory_space<vmem>>
          %dma_wait3A_92 = arith.constant 0 : i32
          %dma_wait3A_93 = arith.constant 0 : i32
          %dma_wait3A_94 = tpu.memref_slice %arg12[%dma_wait3A_92, %dma_wait3A_93] : memref<10000x128xf32, #tpu.memory_space<vmem_shared>> -> memref<10000x128xf32, #tpu.memory_space<vmem_shared>>
          tpu.wait_indirect_dma semaphore(%run_scoped3A : memref<!tpu.dma_semaphore, #tpu.memory_space<semaphore_mem>>) src(%arg10 : memref<80x128xf32, #tpu.memory_space<vmem>>) dst(%dma_wait3A_94 : memref<10000x128xf32, #tpu.memory_space<vmem_shared>>)
          tpu.yield
        }) : () -> ()
        %add3A_76 = arith.constant 3 : i32
        %add3A_77 = arith.addi %add3A_56, %add3A_76 : i32
        %lt3A_78 = arith.constant 125 : i32
        %lt3A_79 = arith.cmpi slt, %add3A_77, %lt3A_78 : i32
        %convert_element_type3A_80 = arith.extui %lt3A_79 : i1 to i32
        %cond3A_81 = arith.constant 0 : i32
        %cond3A_82 = arith.cmpi ne, %convert_element_type3A_80, %cond3A_81 : i32
        scf.if %cond3A_82 {
          %add3A_83 = arith.constant 3 : i32
          %add3A_84 = arith.addi %add3A_56, %add3A_83 : i32
          %dma_start3A_85 = arith.constant 0 : i32
          %dma_start3A_86 = tpu.memref_slice %arg7[%add3A_84, %dma_start3A_85] : memref<125x80xi32, #tpu.memory_space<vmem>> -> memref<1x80xi32, #tpu.memory_space<vmem>>
          %dma_start3A_87 = tpu.memref_squeeze %dma_start3A_86 : memref<1x80xi32, #tpu.memory_space<vmem>> -> memref<80xi32, #tpu.memory_space<vmem>>
          %dma_start3A_88 = arith.constant 0 : i32
          %dma_start3A_89 = arith.constant 0 : i32
          %dma_start3A_90 = tpu.memref_slice %arg2[%dma_start3A_88, %dma_start3A_89] : memref<10000x128xf32, #tpu.memory_space<hbm>> -> memref<10000x128xf32, #tpu.memory_space<hbm>>
          tpu.enqueue_indirect_dma source(%dma_start3A_90 : memref<10000x128xf32, #tpu.memory_space<hbm>>) target(%arg10 : memref<80x128xf32, #tpu.memory_space<vmem>>) offsets(%dma_start3A_87 : memref<80xi32, #tpu.memory_space<vmem>>) semaphore(%arg14 : memref<!tpu.dma_semaphore, #tpu.memory_space<semaphore_mem>>)
        } else {
        }
      } else {
      }
      %mul3A_62 = arith.constant 3 : i32
      %mul3A_63 = arith.muli %scan3A_43, %mul3A_62 : i32
      %add3A_64 = arith.constant 2 : i32
      %add3A_65 = arith.addi %mul3A_63, %add3A_64 : i32
      %lt3A_66 = arith.constant 125 : i32
      %lt3A_67 = arith.cmpi slt, %add3A_65, %lt3A_66 : i32
      %convert_element_type3A_68 = arith.extui %lt3A_67 : i1 to i32
      %cond3A_69 = arith.constant 0 : i32
      %cond3A_70 = arith.cmpi ne, %convert_element_type3A_68, %cond3A_69 : i32
      scf.if %cond3A_70 {
        %dma_wait3A = arith.constant 0 : i32
        %dma_wait3A_71 = tpu.memref_slice %arg7[%add3A_65, %dma_wait3A] : memref<125x80xi32, #tpu.memory_space<vmem>> -> memref<1x80xi32, #tpu.memory_space<vmem>>
        %dma_wait3A_72 = tpu.memref_squeeze %dma_wait3A_71 : memref<1x80xi32, #tpu.memory_space<vmem>> -> memref<80xi32, #tpu.memory_space<vmem>>
        %dma_wait3A_73 = arith.constant 0 : i32
        %dma_wait3A_74 = arith.constant 0 : i32
        %dma_wait3A_75 = tpu.memref_slice %arg2[%dma_wait3A_73, %dma_wait3A_74] : memref<10000x128xf32, #tpu.memory_space<hbm>> -> memref<10000x128xf32, #tpu.memory_space<hbm>>
        tpu.wait_indirect_dma semaphore(%arg15 : memref<!tpu.dma_semaphore, #tpu.memory_space<semaphore_mem>>) src(%dma_wait3A_75 : memref<10000x128xf32, #tpu.memory_space<hbm>>) dst(%arg11 : memref<80x128xf32, #tpu.memory_space<vmem>>)
        "tpu.region"() ({
          %run_scoped3A = tpu.sem_alloc : memref<!tpu.dma_semaphore, #tpu.memory_space<semaphore_mem>>
          %dma_start3A_83 = arith.constant 0 : i32
          %dma_start3A_84 = tpu.memref_slice %arg8[%add3A_65, %dma_start3A_83] : memref<125x80xi32, #tpu.memory_space<vmem>> -> memref<1x80xi32, #tpu.memory_space<vmem>>
          %dma_start3A_85 = tpu.memref_squeeze %dma_start3A_84 : memref<1x80xi32, #tpu.memory_space<vmem>> -> memref<80xi32, #tpu.memory_space<vmem>>
          %dma_start3A_86 = arith.constant 0 : i32
          %dma_start3A_87 = arith.constant 0 : i32
          %dma_start3A_88 = tpu.memref_slice %arg12[%dma_start3A_86, %dma_start3A_87] : memref<10000x128xf32, #tpu.memory_space<vmem_shared>> -> memref<10000x128xf32, #tpu.memory_space<vmem_shared>>
          tpu.enqueue_indirect_dma source(%arg11 : memref<80x128xf32, #tpu.memory_space<vmem>>) target(%dma_start3A_88 : memref<10000x128xf32, #tpu.memory_space<vmem_shared>>) offsets(%dma_start3A_85 : memref<80xi32, #tpu.memory_space<vmem>>) semaphore(%run_scoped3A : memref<!tpu.dma_semaphore, #tpu.memory_space<semaphore_mem>>) {add = true}
          %dma_wait3A_89 = arith.constant 0 : i32
          %dma_wait3A_90 = tpu.memref_slice %arg8[%add3A_65, %dma_wait3A_89] : memref<125x80xi32, #tpu.memory_space<vmem>> -> memref<1x80xi32, #tpu.memory_space<vmem>>
          %dma_wait3A_91 = tpu.memref_squeeze %dma_wait3A_90 : memref<1x80xi32, #tpu.memory_space<vmem>> -> memref<80xi32, #tpu.memory_space<vmem>>
          %dma_wait3A_92 = arith.constant 0 : i32
          %dma_wait3A_93 = arith.constant 0 : i32
          %dma_wait3A_94 = tpu.memref_slice %arg12[%dma_wait3A_92, %dma_wait3A_93] : memref<10000x128xf32, #tpu.memory_space<vmem_shared>> -> memref<10000x128xf32, #tpu.memory_space<vmem_shared>>
          tpu.wait_indirect_dma semaphore(%run_scoped3A : memref<!tpu.dma_semaphore, #tpu.memory_space<semaphore_mem>>) src(%arg11 : memref<80x128xf32, #tpu.memory_space<vmem>>) dst(%dma_wait3A_94 : memref<10000x128xf32, #tpu.memory_space<vmem_shared>>)
          tpu.yield
        }) : () -> ()
        %add3A_76 = arith.constant 3 : i32
        %add3A_77 = arith.addi %add3A_65, %add3A_76 : i32
        %lt3A_78 = arith.constant 125 : i32
        %lt3A_79 = arith.cmpi slt, %add3A_77, %lt3A_78 : i32
        %convert_element_type3A_80 = arith.extui %lt3A_79 : i1 to i32
        %cond3A_81 = arith.constant 0 : i32
        %cond3A_82 = arith.cmpi ne, %convert_element_type3A_80, %cond3A_81 : i32
        scf.if %cond3A_82 {
          %add3A_83 = arith.constant 3 : i32
          %add3A_84 = arith.addi %add3A_65, %add3A_83 : i32
          %dma_start3A_85 = arith.constant 0 : i32
          %dma_start3A_86 = tpu.memref_slice %arg7[%add3A_84, %dma_start3A_85] : memref<125x80xi32, #tpu.memory_space<vmem>> -> memref<1x80xi32, #tpu.memory_space<vmem>>
          %dma_start3A_87 = tpu.memref_squeeze %dma_start3A_86 : memref<1x80xi32, #tpu.memory_space<vmem>> -> memref<80xi32, #tpu.memory_space<vmem>>
          %dma_start3A_88 = arith.constant 0 : i32
          %dma_start3A_89 = arith.constant 0 : i32
          %dma_start3A_90 = tpu.memref_slice %arg2[%dma_start3A_88, %dma_start3A_89] : memref<10000x128xf32, #tpu.memory_space<hbm>> -> memref<10000x128xf32, #tpu.memory_space<hbm>>
          tpu.enqueue_indirect_dma source(%dma_start3A_90 : memref<10000x128xf32, #tpu.memory_space<hbm>>) target(%arg11 : memref<80x128xf32, #tpu.memory_space<vmem>>) offsets(%dma_start3A_87 : memref<80xi32, #tpu.memory_space<vmem>>) semaphore(%arg15 : memref<!tpu.dma_semaphore, #tpu.memory_space<semaphore_mem>>)
        } else {
        }
      } else {
      }
    }
    %scan3A_31 = arith.constant 42 : i32
    %barrier3A_32 = arith.constant 0 : index
    tpu.barrier barrier_id(%barrier3A_32)
    %lt3A_33 = arith.constant 15 : i32
    %lt3A_34 = arith.cmpi slt, %arg1, %lt3A_33 : i32
    %convert_element_type3A_35 = arith.extui %lt3A_34 : i1 to i32
    %cond3A_36 = arith.constant 0 : i32
    %cond3A_37 = arith.cmpi ne, %convert_element_type3A_35, %cond3A_36 : i32
    scf.if %cond3A_37 {
      %mul3A_43 = arith.constant 624 : i32
      %mul3A_44 = arith.muli %arg1, %mul3A_43 : i32
      %mul3A_45 = arith.constant 624 : i32
      %mul3A_46 = arith.muli %arg1, %mul3A_45 : i32
      "tpu.region"() ({
        %run_scoped3A = tpu.sem_alloc : memref<!tpu.dma_semaphore, #tpu.memory_space<semaphore_mem>>
        %dma_start3A_47 = arith.constant 0 : i32
        %dma_start3A_48 = tpu.memref_slice %arg6[%arg0, %mul3A_46, %dma_start3A_47] : memref<2x10000x128xf32, #tpu.memory_space<hbm>> -> memref<1x624x128xf32, #tpu.memory_space<hbm>>
        %dma_start3A_49 = tpu.memref_squeeze %dma_start3A_48 : memref<1x624x128xf32, #tpu.memory_space<hbm>> -> memref<624x128xf32, #tpu.memory_space<hbm>>
        %dma_start3A_50 = arith.constant 0 : i32
        %dma_start3A_51 = tpu.memref_slice %arg12[%mul3A_44, %dma_start3A_50] : memref<10000x128xf32, #tpu.memory_space<vmem_shared>> -> memref<624x128xf32, #tpu.memory_space<vmem_shared>>
        tpu.enqueue_dma source(%dma_start3A_51 : memref<624x128xf32, #tpu.memory_space<vmem_shared>>) target(%dma_start3A_49 : memref<624x128xf32, #tpu.memory_space<hbm>>) target_semaphore(%run_scoped3A : memref<!tpu.dma_semaphore, #tpu.memory_space<semaphore_mem>>)
        %dma_wait3A = arith.constant 0 : i32
        %dma_wait3A_52 = tpu.memref_slice %arg6[%arg0, %mul3A_46, %dma_wait3A] : memref<2x10000x128xf32, #tpu.memory_space<hbm>> -> memref<1x624x128xf32, #tpu.memory_space<hbm>>
        %dma_wait3A_53 = tpu.memref_squeeze %dma_wait3A_52 : memref<1x624x128xf32, #tpu.memory_space<hbm>> -> memref<624x128xf32, #tpu.memory_space<hbm>>
        %dma_wait3A_54 = arith.constant 0 : i32
        %dma_wait3A_55 = tpu.memref_slice %arg12[%mul3A_44, %dma_wait3A_54] : memref<10000x128xf32, #tpu.memory_space<vmem_shared>> -> memref<624x128xf32, #tpu.memory_space<vmem_shared>>
        tpu.wait_dma2 semaphore(%run_scoped3A : memref<!tpu.dma_semaphore, #tpu.memory_space<semaphore_mem>>) src(%dma_wait3A_55 : memref<624x128xf32, #tpu.memory_space<vmem_shared>>) dst(%dma_wait3A_53 : memref<624x128xf32, #tpu.memory_space<hbm>>)
        tpu.yield
      }) : () -> ()
    } else {
    }
    %eq3A_38 = arith.constant 15 : i32
    %eq3A_39 = arith.cmpi eq, %arg1, %eq3A_38 : i32
    %convert_element_type3A_40 = arith.extui %eq3A_39 : i1 to i32
    %cond3A_41 = arith.constant 0 : i32
    %cond3A_42 = arith.cmpi ne, %convert_element_type3A_40, %cond3A_41 : i32
    scf.if %cond3A_42 {
      "tpu.region"() ({
        %run_scoped3A = tpu.sem_alloc : memref<!tpu.dma_semaphore, #tpu.memory_space<semaphore_mem>>
        %dma_start3A_43 = arith.constant 9360 : i32
        %dma_start3A_44 = arith.constant 0 : i32
        %dma_start3A_45 = tpu.memref_slice %arg6[%arg0, %dma_start3A_43, %dma_start3A_44] : memref<2x10000x128xf32, #tpu.memory_space<hbm>> -> memref<1x640x128xf32, #tpu.memory_space<hbm>>
        %dma_start3A_46 = tpu.memref_squeeze %dma_start3A_45 : memref<1x640x128xf32, #tpu.memory_space<hbm>> -> memref<640x128xf32, #tpu.memory_space<hbm>>
        %dma_start3A_47 = arith.constant 9360 : i32
        %dma_start3A_48 = arith.constant 0 : i32
        %dma_start3A_49 = tpu.memref_slice %arg12[%dma_start3A_47, %dma_start3A_48] : memref<10000x128xf32, #tpu.memory_space<vmem_shared>> -> memref<640x128xf32, #tpu.memory_space<vmem_shared>>
        tpu.enqueue_dma source(%dma_start3A_49 : memref<640x128xf32, #tpu.memory_space<vmem_shared>>) target(%dma_start3A_46 : memref<640x128xf32, #tpu.memory_space<hbm>>) target_semaphore(%run_scoped3A : memref<!tpu.dma_semaphore, #tpu.memory_space<semaphore_mem>>)
        %dma_wait3A = arith.constant 9360 : i32
        %dma_wait3A_50 = arith.constant 0 : i32
        %dma_wait3A_51 = tpu.memref_slice %arg6[%arg0, %dma_wait3A, %dma_wait3A_50] : memref<2x10000x128xf32, #tpu.memory_space<hbm>> -> memref<1x640x128xf32, #tpu.memory_space<hbm>>
        %dma_wait3A_52 = tpu.memref_squeeze %dma_wait3A_51 : memref<1x640x128xf32, #tpu.memory_space<hbm>> -> memref<640x128xf32, #tpu.memory_space<hbm>>
        %dma_wait3A_53 = arith.constant 9360 : i32
        %dma_wait3A_54 = arith.constant 0 : i32
        %dma_wait3A_55 = tpu.memref_slice %arg12[%dma_wait3A_53, %dma_wait3A_54] : memref<10000x128xf32, #tpu.memory_space<vmem_shared>> -> memref<640x128xf32, #tpu.memory_space<vmem_shared>>
        tpu.wait_dma2 semaphore(%run_scoped3A : memref<!tpu.dma_semaphore, #tpu.memory_space<semaphore_mem>>) src(%dma_wait3A_55 : memref<640x128xf32, #tpu.memory_space<vmem_shared>>) dst(%dma_wait3A_52 : memref<640x128xf32, #tpu.memory_space<hbm>>)
        tpu.yield
      }) : () -> ()
    } else {
    }
    return
  }
}

#map = affine_map<(d0, d1) -> (0, 0)>
#map1 = affine_map<(d0, d1) -> (0, 0, 0)>
module attributes {stable_mosaic.version = 14 : i64} {
  func.func @_sc_agg_body(%arg0: i32, %arg1: i32, %arg2: memref<10000x128xf32, #tpu.memory_space<hbm>>, %arg3: memref<32x125x80xi32, #tpu.memory_space<hbm>>, %arg4: memref<32x125x80xi32, #tpu.memory_space<hbm>>, %arg5: memref<10000x128xf32, #tpu.memory_space<hbm>>, %arg6: memref<2x10000x128xf32, #tpu.memory_space<hbm>>, %arg7: memref<125x80xi32, #tpu.memory_space<vmem>>, %arg8: memref<125x80xi32, #tpu.memory_space<vmem>>, %arg9: memref<80x128xf32, #tpu.memory_space<vmem>>, %arg10: memref<80x128xf32, #tpu.memory_space<vmem>>, %arg11: memref<80x128xf32, #tpu.memory_space<vmem>>, %arg12: memref<10000x128xf32, #tpu.memory_space<vmem_shared>>, %arg13: memref<!tpu.dma_semaphore, #tpu.memory_space<semaphore_mem>>, %arg14: memref<!tpu.dma_semaphore, #tpu.memory_space<semaphore_mem>>, %arg15: memref<!tpu.dma_semaphore, #tpu.memory_space<semaphore_mem>>) attributes {dimension_semantics = [#tpu.dimension_semantics<core_parallel>, #tpu.dimension_semantics<subcore_parallel>], iteration_bounds = array<i64: 2, 16>, scalar_prefetch = 0 : i64, scratch_operands = 9 : i64, tpu.core_type = #tpu.core_type<sc_vector_subcore>, window_params = [{transform_indices = #map}, {transform_indices = #map1}, {transform_indices = #map1}, {transform_indices = #map}, {transform_indices = #map1}]} {
    %mul3A = arith.constant 16 : i32
    %mul3A_0 = arith.muli %arg0, %mul3A : i32
    %add3A = arith.addi %mul3A_0, %arg1 : i32
    "tpu.region"() ({
      %run_scoped3A = tpu.sem_alloc : memref<!tpu.dma_semaphore, #tpu.memory_space<semaphore_mem>>
      %dma_start3A_43 = arith.constant 0 : i32
      %dma_start3A_44 = arith.constant 0 : i32
      %dma_start3A_45 = tpu.memref_slice %arg3[%add3A, %dma_start3A_43, %dma_start3A_44] : memref<32x125x80xi32, #tpu.memory_space<hbm>> -> memref<1x125x80xi32, #tpu.memory_space<hbm>>
      %dma_start3A_46 = tpu.memref_squeeze %dma_start3A_45 : memref<1x125x80xi32, #tpu.memory_space<hbm>> -> memref<125x80xi32, #tpu.memory_space<hbm>>
      %dma_start3A_47 = arith.constant 0 : i32
      %dma_start3A_48 = arith.constant 0 : i32
      %dma_start3A_49 = tpu.memref_slice %arg3[%add3A, %dma_start3A_47, %dma_start3A_48] : memref<32x125x80xi32, #tpu.memory_space<hbm>> -> memref<1x125x80xi32, #tpu.memory_space<hbm>>
      %dma_start3A_50 = tpu.memref_squeeze %dma_start3A_49 : memref<1x125x80xi32, #tpu.memory_space<hbm>> -> memref<125x80xi32, #tpu.memory_space<hbm>>
      tpu.enqueue_dma source(%dma_start3A_50 : memref<125x80xi32, #tpu.memory_space<hbm>>) target(%arg7 : memref<125x80xi32, #tpu.memory_space<vmem>>) target_semaphore(%run_scoped3A : memref<!tpu.dma_semaphore, #tpu.memory_space<semaphore_mem>>)
      %dma_wait3A = arith.constant 0 : i32
      %dma_wait3A_51 = arith.constant 0 : i32
      %dma_wait3A_52 = tpu.memref_slice %arg3[%add3A, %dma_wait3A, %dma_wait3A_51] : memref<32x125x80xi32, #tpu.memory_space<hbm>> -> memref<1x125x80xi32, #tpu.memory_space<hbm>>
      %dma_wait3A_53 = tpu.memref_squeeze %dma_wait3A_52 : memref<1x125x80xi32, #tpu.memory_space<hbm>> -> memref<125x80xi32, #tpu.memory_space<hbm>>
      %dma_wait3A_54 = arith.constant 0 : i32
      %dma_wait3A_55 = arith.constant 0 : i32
      %dma_wait3A_56 = tpu.memref_slice %arg3[%add3A, %dma_wait3A_54, %dma_wait3A_55] : memref<32x125x80xi32, #tpu.memory_space<hbm>> -> memref<1x125x80xi32, #tpu.memory_space<hbm>>
      %dma_wait3A_57 = tpu.memref_squeeze %dma_wait3A_56 : memref<1x125x80xi32, #tpu.memory_space<hbm>> -> memref<125x80xi32, #tpu.memory_space<hbm>>
      tpu.wait_dma2 semaphore(%run_scoped3A : memref<!tpu.dma_semaphore, #tpu.memory_space<semaphore_mem>>) src(%dma_wait3A_57 : memref<125x80xi32, #tpu.memory_space<hbm>>) dst(%arg7 : memref<125x80xi32, #tpu.memory_space<vmem>>)
      tpu.yield
    }) : () -> ()
    "tpu.region"() ({
      %run_scoped3A = tpu.sem_alloc : memref<!tpu.dma_semaphore, #tpu.memory_space<semaphore_mem>>
      %dma_start3A_43 = arith.constant 0 : i32
      %dma_start3A_44 = arith.constant 0 : i32
      %dma_start3A_45 = tpu.memref_slice %arg4[%add3A, %dma_start3A_43, %dma_start3A_44] : memref<32x125x80xi32, #tpu.memory_space<hbm>> -> memref<1x125x80xi32, #tpu.memory_space<hbm>>
      %dma_start3A_46 = tpu.memref_squeeze %dma_start3A_45 : memref<1x125x80xi32, #tpu.memory_space<hbm>> -> memref<125x80xi32, #tpu.memory_space<hbm>>
      %dma_start3A_47 = arith.constant 0 : i32
      %dma_start3A_48 = arith.constant 0 : i32
      %dma_start3A_49 = tpu.memref_slice %arg4[%add3A, %dma_start3A_47, %dma_start3A_48] : memref<32x125x80xi32, #tpu.memory_space<hbm>> -> memref<1x125x80xi32, #tpu.memory_space<hbm>>
      %dma_start3A_50 = tpu.memref_squeeze %dma_start3A_49 : memref<1x125x80xi32, #tpu.memory_space<hbm>> -> memref<125x80xi32, #tpu.memory_space<hbm>>
      tpu.enqueue_dma source(%dma_start3A_50 : memref<125x80xi32, #tpu.memory_space<hbm>>) target(%arg8 : memref<125x80xi32, #tpu.memory_space<vmem>>) target_semaphore(%run_scoped3A : memref<!tpu.dma_semaphore, #tpu.memory_space<semaphore_mem>>)
      %dma_wait3A = arith.constant 0 : i32
      %dma_wait3A_51 = arith.constant 0 : i32
      %dma_wait3A_52 = tpu.memref_slice %arg4[%add3A, %dma_wait3A, %dma_wait3A_51] : memref<32x125x80xi32, #tpu.memory_space<hbm>> -> memref<1x125x80xi32, #tpu.memory_space<hbm>>
      %dma_wait3A_53 = tpu.memref_squeeze %dma_wait3A_52 : memref<1x125x80xi32, #tpu.memory_space<hbm>> -> memref<125x80xi32, #tpu.memory_space<hbm>>
      %dma_wait3A_54 = arith.constant 0 : i32
      %dma_wait3A_55 = arith.constant 0 : i32
      %dma_wait3A_56 = tpu.memref_slice %arg4[%add3A, %dma_wait3A_54, %dma_wait3A_55] : memref<32x125x80xi32, #tpu.memory_space<hbm>> -> memref<1x125x80xi32, #tpu.memory_space<hbm>>
      %dma_wait3A_57 = tpu.memref_squeeze %dma_wait3A_56 : memref<1x125x80xi32, #tpu.memory_space<hbm>> -> memref<125x80xi32, #tpu.memory_space<hbm>>
      tpu.wait_dma2 semaphore(%run_scoped3A : memref<!tpu.dma_semaphore, #tpu.memory_space<semaphore_mem>>) src(%dma_wait3A_57 : memref<125x80xi32, #tpu.memory_space<hbm>>) dst(%arg8 : memref<125x80xi32, #tpu.memory_space<vmem>>)
      tpu.yield
    }) : () -> ()
    %lt3A = arith.constant 15 : i32
    %lt3A_1 = arith.cmpi slt, %arg1, %lt3A : i32
    %convert_element_type3A = arith.extui %lt3A_1 : i1 to i32
    %cond3A = arith.constant 0 : i32
    %cond3A_2 = arith.cmpi ne, %convert_element_type3A, %cond3A : i32
    scf.if %cond3A_2 {
      %mul3A_43 = arith.constant 624 : i32
      %mul3A_44 = arith.muli %arg1, %mul3A_43 : i32
      %mul3A_45 = arith.constant 624 : i32
      %mul3A_46 = arith.muli %arg1, %mul3A_45 : i32
      "tpu.region"() ({
        %run_scoped3A = tpu.sem_alloc : memref<!tpu.dma_semaphore, #tpu.memory_space<semaphore_mem>>
        %dma_start3A_47 = arith.constant 0 : i32
        %dma_start3A_48 = tpu.memref_slice %arg12[%mul3A_46, %dma_start3A_47] : memref<10000x128xf32, #tpu.memory_space<vmem_shared>> -> memref<624x128xf32, #tpu.memory_space<vmem_shared>>
        %dma_start3A_49 = arith.constant 0 : i32
        %dma_start3A_50 = tpu.memref_slice %arg5[%mul3A_44, %dma_start3A_49] : memref<10000x128xf32, #tpu.memory_space<hbm>> -> memref<624x128xf32, #tpu.memory_space<hbm>>
        tpu.enqueue_dma source(%dma_start3A_50 : memref<624x128xf32, #tpu.memory_space<hbm>>) target(%dma_start3A_48 : memref<624x128xf32, #tpu.memory_space<vmem_shared>>) target_semaphore(%run_scoped3A : memref<!tpu.dma_semaphore, #tpu.memory_space<semaphore_mem>>)
        %dma_wait3A = arith.constant 0 : i32
        %dma_wait3A_51 = tpu.memref_slice %arg12[%mul3A_46, %dma_wait3A] : memref<10000x128xf32, #tpu.memory_space<vmem_shared>> -> memref<624x128xf32, #tpu.memory_space<vmem_shared>>
        %dma_wait3A_52 = arith.constant 0 : i32
        %dma_wait3A_53 = tpu.memref_slice %arg5[%mul3A_44, %dma_wait3A_52] : memref<10000x128xf32, #tpu.memory_space<hbm>> -> memref<624x128xf32, #tpu.memory_space<hbm>>
        tpu.wait_dma2 semaphore(%run_scoped3A : memref<!tpu.dma_semaphore, #tpu.memory_space<semaphore_mem>>) src(%dma_wait3A_53 : memref<624x128xf32, #tpu.memory_space<hbm>>) dst(%dma_wait3A_51 : memref<624x128xf32, #tpu.memory_space<vmem_shared>>)
        tpu.yield
      }) : () -> ()
    } else {
    }
    %eq3A = arith.constant 15 : i32
    %eq3A_3 = arith.cmpi eq, %arg1, %eq3A : i32
    %convert_element_type3A_4 = arith.extui %eq3A_3 : i1 to i32
    %cond3A_5 = arith.constant 0 : i32
    %cond3A_6 = arith.cmpi ne, %convert_element_type3A_4, %cond3A_5 : i32
    scf.if %cond3A_6 {
      "tpu.region"() ({
        %run_scoped3A = tpu.sem_alloc : memref<!tpu.dma_semaphore, #tpu.memory_space<semaphore_mem>>
        %dma_start3A_43 = arith.constant 9360 : i32
        %dma_start3A_44 = arith.constant 0 : i32
        %dma_start3A_45 = tpu.memref_slice %arg12[%dma_start3A_43, %dma_start3A_44] : memref<10000x128xf32, #tpu.memory_space<vmem_shared>> -> memref<640x128xf32, #tpu.memory_space<vmem_shared>>
        %dma_start3A_46 = arith.constant 9360 : i32
        %dma_start3A_47 = arith.constant 0 : i32
        %dma_start3A_48 = tpu.memref_slice %arg5[%dma_start3A_46, %dma_start3A_47] : memref<10000x128xf32, #tpu.memory_space<hbm>> -> memref<640x128xf32, #tpu.memory_space<hbm>>
        tpu.enqueue_dma source(%dma_start3A_48 : memref<640x128xf32, #tpu.memory_space<hbm>>) target(%dma_start3A_45 : memref<640x128xf32, #tpu.memory_space<vmem_shared>>) target_semaphore(%run_scoped3A : memref<!tpu.dma_semaphore, #tpu.memory_space<semaphore_mem>>)
        %dma_wait3A = arith.constant 9360 : i32
        %dma_wait3A_49 = arith.constant 0 : i32
        %dma_wait3A_50 = tpu.memref_slice %arg12[%dma_wait3A, %dma_wait3A_49] : memref<10000x128xf32, #tpu.memory_space<vmem_shared>> -> memref<640x128xf32, #tpu.memory_space<vmem_shared>>
        %dma_wait3A_51 = arith.constant 9360 : i32
        %dma_wait3A_52 = arith.constant 0 : i32
        %dma_wait3A_53 = tpu.memref_slice %arg5[%dma_wait3A_51, %dma_wait3A_52] : memref<10000x128xf32, #tpu.memory_space<hbm>> -> memref<640x128xf32, #tpu.memory_space<hbm>>
        tpu.wait_dma2 semaphore(%run_scoped3A : memref<!tpu.dma_semaphore, #tpu.memory_space<semaphore_mem>>) src(%dma_wait3A_53 : memref<640x128xf32, #tpu.memory_space<hbm>>) dst(%dma_wait3A_50 : memref<640x128xf32, #tpu.memory_space<vmem_shared>>)
        tpu.yield
      }) : () -> ()
    } else {
    }
    %dma_start3A = arith.constant 0 : i32
    %dma_start3A_7 = arith.constant 0 : i32
    %dma_start3A_8 = tpu.memref_slice %arg7[%dma_start3A, %dma_start3A_7] : memref<125x80xi32, #tpu.memory_space<vmem>> -> memref<1x80xi32, #tpu.memory_space<vmem>>
    %dma_start3A_9 = tpu.memref_squeeze %dma_start3A_8 : memref<1x80xi32, #tpu.memory_space<vmem>> -> memref<80xi32, #tpu.memory_space<vmem>>
    %dma_start3A_10 = arith.constant 0 : i32
    %dma_start3A_11 = arith.constant 0 : i32
    %dma_start3A_12 = tpu.memref_slice %arg2[%dma_start3A_10, %dma_start3A_11] : memref<10000x128xf32, #tpu.memory_space<hbm>> -> memref<10000x128xf32, #tpu.memory_space<hbm>>
    tpu.enqueue_indirect_dma source(%dma_start3A_12 : memref<10000x128xf32, #tpu.memory_space<hbm>>) target(%arg9 : memref<80x128xf32, #tpu.memory_space<vmem>>) offsets(%dma_start3A_9 : memref<80xi32, #tpu.memory_space<vmem>>) semaphore(%arg13 : memref<!tpu.dma_semaphore, #tpu.memory_space<semaphore_mem>>)
    %dma_start3A_13 = arith.constant 1 : i32
    %dma_start3A_14 = arith.constant 0 : i32
    %dma_start3A_15 = tpu.memref_slice %arg7[%dma_start3A_13, %dma_start3A_14] : memref<125x80xi32, #tpu.memory_space<vmem>> -> memref<1x80xi32, #tpu.memory_space<vmem>>
    %dma_start3A_16 = tpu.memref_squeeze %dma_start3A_15 : memref<1x80xi32, #tpu.memory_space<vmem>> -> memref<80xi32, #tpu.memory_space<vmem>>
    %dma_start3A_17 = arith.constant 0 : i32
    %dma_start3A_18 = arith.constant 0 : i32
    %dma_start3A_19 = tpu.memref_slice %arg2[%dma_start3A_17, %dma_start3A_18] : memref<10000x128xf32, #tpu.memory_space<hbm>> -> memref<10000x128xf32, #tpu.memory_space<hbm>>
    tpu.enqueue_indirect_dma source(%dma_start3A_19 : memref<10000x128xf32, #tpu.memory_space<hbm>>) target(%arg10 : memref<80x128xf32, #tpu.memory_space<vmem>>) offsets(%dma_start3A_16 : memref<80xi32, #tpu.memory_space<vmem>>) semaphore(%arg14 : memref<!tpu.dma_semaphore, #tpu.memory_space<semaphore_mem>>)
    %dma_start3A_20 = arith.constant 2 : i32
    %dma_start3A_21 = arith.constant 0 : i32
    %dma_start3A_22 = tpu.memref_slice %arg7[%dma_start3A_20, %dma_start3A_21] : memref<125x80xi32, #tpu.memory_space<vmem>> -> memref<1x80xi32, #tpu.memory_space<vmem>>
    %dma_start3A_23 = tpu.memref_squeeze %dma_start3A_22 : memref<1x80xi32, #tpu.memory_space<vmem>> -> memref<80xi32, #tpu.memory_space<vmem>>
    %dma_start3A_24 = arith.constant 0 : i32
    %dma_start3A_25 = arith.constant 0 : i32
    %dma_start3A_26 = tpu.memref_slice %arg2[%dma_start3A_24, %dma_start3A_25] : memref<10000x128xf32, #tpu.memory_space<hbm>> -> memref<10000x128xf32, #tpu.memory_space<hbm>>
    tpu.enqueue_indirect_dma source(%dma_start3A_26 : memref<10000x128xf32, #tpu.memory_space<hbm>>) target(%arg11 : memref<80x128xf32, #tpu.memory_space<vmem>>) offsets(%dma_start3A_23 : memref<80xi32, #tpu.memory_space<vmem>>) semaphore(%arg15 : memref<!tpu.dma_semaphore, #tpu.memory_space<semaphore_mem>>)
    %barrier3A = arith.constant 0 : index
    tpu.barrier barrier_id(%barrier3A)
    %scan3A = arith.constant 0 : i32
    %scan3A_27 = arith.constant 0 : i32
    %scan3A_28 = arith.constant 42 : i32
    %scan3A_29 = arith.addi %scan3A_27, %scan3A_28 : i32
    %scan3A_30 = arith.constant 1 : i32
    scf.for %scan3A_43 = %scan3A_27 to %scan3A_29 step %scan3A_30  : i32 {
      %mul3A_44 = arith.constant 3 : i32
      %mul3A_45 = arith.muli %scan3A_43, %mul3A_44 : i32
      %add3A_46 = arith.constant 0 : i32
      %add3A_47 = arith.addi %mul3A_45, %add3A_46 : i32
      %lt3A_48 = arith.constant 125 : i32
      %lt3A_49 = arith.cmpi slt, %add3A_47, %lt3A_48 : i32
      %convert_element_type3A_50 = arith.extui %lt3A_49 : i1 to i32
      %cond3A_51 = arith.constant 0 : i32
      %cond3A_52 = arith.cmpi ne, %convert_element_type3A_50, %cond3A_51 : i32
      scf.if %cond3A_52 {
        %dma_wait3A = arith.constant 0 : i32
        %dma_wait3A_71 = tpu.memref_slice %arg7[%add3A_47, %dma_wait3A] : memref<125x80xi32, #tpu.memory_space<vmem>> -> memref<1x80xi32, #tpu.memory_space<vmem>>
        %dma_wait3A_72 = tpu.memref_squeeze %dma_wait3A_71 : memref<1x80xi32, #tpu.memory_space<vmem>> -> memref<80xi32, #tpu.memory_space<vmem>>
        %dma_wait3A_73 = arith.constant 0 : i32
        %dma_wait3A_74 = arith.constant 0 : i32
        %dma_wait3A_75 = tpu.memref_slice %arg2[%dma_wait3A_73, %dma_wait3A_74] : memref<10000x128xf32, #tpu.memory_space<hbm>> -> memref<10000x128xf32, #tpu.memory_space<hbm>>
        tpu.wait_indirect_dma semaphore(%arg13 : memref<!tpu.dma_semaphore, #tpu.memory_space<semaphore_mem>>) src(%dma_wait3A_75 : memref<10000x128xf32, #tpu.memory_space<hbm>>) dst(%arg9 : memref<80x128xf32, #tpu.memory_space<vmem>>)
        "tpu.region"() ({
          %run_scoped3A = tpu.sem_alloc : memref<!tpu.dma_semaphore, #tpu.memory_space<semaphore_mem>>
          %dma_start3A_83 = arith.constant 0 : i32
          %dma_start3A_84 = tpu.memref_slice %arg8[%add3A_47, %dma_start3A_83] : memref<125x80xi32, #tpu.memory_space<vmem>> -> memref<1x80xi32, #tpu.memory_space<vmem>>
          %dma_start3A_85 = tpu.memref_squeeze %dma_start3A_84 : memref<1x80xi32, #tpu.memory_space<vmem>> -> memref<80xi32, #tpu.memory_space<vmem>>
          %dma_start3A_86 = arith.constant 0 : i32
          %dma_start3A_87 = arith.constant 0 : i32
          %dma_start3A_88 = tpu.memref_slice %arg12[%dma_start3A_86, %dma_start3A_87] : memref<10000x128xf32, #tpu.memory_space<vmem_shared>> -> memref<10000x128xf32, #tpu.memory_space<vmem_shared>>
          tpu.enqueue_indirect_dma source(%arg9 : memref<80x128xf32, #tpu.memory_space<vmem>>) target(%dma_start3A_88 : memref<10000x128xf32, #tpu.memory_space<vmem_shared>>) offsets(%dma_start3A_85 : memref<80xi32, #tpu.memory_space<vmem>>) semaphore(%run_scoped3A : memref<!tpu.dma_semaphore, #tpu.memory_space<semaphore_mem>>) {add = true}
          %dma_wait3A_89 = arith.constant 0 : i32
          %dma_wait3A_90 = tpu.memref_slice %arg8[%add3A_47, %dma_wait3A_89] : memref<125x80xi32, #tpu.memory_space<vmem>> -> memref<1x80xi32, #tpu.memory_space<vmem>>
          %dma_wait3A_91 = tpu.memref_squeeze %dma_wait3A_90 : memref<1x80xi32, #tpu.memory_space<vmem>> -> memref<80xi32, #tpu.memory_space<vmem>>
          %dma_wait3A_92 = arith.constant 0 : i32
          %dma_wait3A_93 = arith.constant 0 : i32
          %dma_wait3A_94 = tpu.memref_slice %arg12[%dma_wait3A_92, %dma_wait3A_93] : memref<10000x128xf32, #tpu.memory_space<vmem_shared>> -> memref<10000x128xf32, #tpu.memory_space<vmem_shared>>
          tpu.wait_indirect_dma semaphore(%run_scoped3A : memref<!tpu.dma_semaphore, #tpu.memory_space<semaphore_mem>>) src(%arg9 : memref<80x128xf32, #tpu.memory_space<vmem>>) dst(%dma_wait3A_94 : memref<10000x128xf32, #tpu.memory_space<vmem_shared>>)
          tpu.yield
        }) : () -> ()
        %add3A_76 = arith.constant 3 : i32
        %add3A_77 = arith.addi %add3A_47, %add3A_76 : i32
        %lt3A_78 = arith.constant 125 : i32
        %lt3A_79 = arith.cmpi slt, %add3A_77, %lt3A_78 : i32
        %convert_element_type3A_80 = arith.extui %lt3A_79 : i1 to i32
        %cond3A_81 = arith.constant 0 : i32
        %cond3A_82 = arith.cmpi ne, %convert_element_type3A_80, %cond3A_81 : i32
        scf.if %cond3A_82 {
          %add3A_83 = arith.constant 3 : i32
          %add3A_84 = arith.addi %add3A_47, %add3A_83 : i32
          %dma_start3A_85 = arith.constant 0 : i32
          %dma_start3A_86 = tpu.memref_slice %arg7[%add3A_84, %dma_start3A_85] : memref<125x80xi32, #tpu.memory_space<vmem>> -> memref<1x80xi32, #tpu.memory_space<vmem>>
          %dma_start3A_87 = tpu.memref_squeeze %dma_start3A_86 : memref<1x80xi32, #tpu.memory_space<vmem>> -> memref<80xi32, #tpu.memory_space<vmem>>
          %dma_start3A_88 = arith.constant 0 : i32
          %dma_start3A_89 = arith.constant 0 : i32
          %dma_start3A_90 = tpu.memref_slice %arg2[%dma_start3A_88, %dma_start3A_89] : memref<10000x128xf32, #tpu.memory_space<hbm>> -> memref<10000x128xf32, #tpu.memory_space<hbm>>
          tpu.enqueue_indirect_dma source(%dma_start3A_90 : memref<10000x128xf32, #tpu.memory_space<hbm>>) target(%arg9 : memref<80x128xf32, #tpu.memory_space<vmem>>) offsets(%dma_start3A_87 : memref<80xi32, #tpu.memory_space<vmem>>) semaphore(%arg13 : memref<!tpu.dma_semaphore, #tpu.memory_space<semaphore_mem>>)
        } else {
        }
      } else {
      }
      %mul3A_53 = arith.constant 3 : i32
      %mul3A_54 = arith.muli %scan3A_43, %mul3A_53 : i32
      %add3A_55 = arith.constant 1 : i32
      %add3A_56 = arith.addi %mul3A_54, %add3A_55 : i32
      %lt3A_57 = arith.constant 125 : i32
      %lt3A_58 = arith.cmpi slt, %add3A_56, %lt3A_57 : i32
      %convert_element_type3A_59 = arith.extui %lt3A_58 : i1 to i32
      %cond3A_60 = arith.constant 0 : i32
      %cond3A_61 = arith.cmpi ne, %convert_element_type3A_59, %cond3A_60 : i32
      scf.if %cond3A_61 {
        %dma_wait3A = arith.constant 0 : i32
        %dma_wait3A_71 = tpu.memref_slice %arg7[%add3A_56, %dma_wait3A] : memref<125x80xi32, #tpu.memory_space<vmem>> -> memref<1x80xi32, #tpu.memory_space<vmem>>
        %dma_wait3A_72 = tpu.memref_squeeze %dma_wait3A_71 : memref<1x80xi32, #tpu.memory_space<vmem>> -> memref<80xi32, #tpu.memory_space<vmem>>
        %dma_wait3A_73 = arith.constant 0 : i32
        %dma_wait3A_74 = arith.constant 0 : i32
        %dma_wait3A_75 = tpu.memref_slice %arg2[%dma_wait3A_73, %dma_wait3A_74] : memref<10000x128xf32, #tpu.memory_space<hbm>> -> memref<10000x128xf32, #tpu.memory_space<hbm>>
        tpu.wait_indirect_dma semaphore(%arg14 : memref<!tpu.dma_semaphore, #tpu.memory_space<semaphore_mem>>) src(%dma_wait3A_75 : memref<10000x128xf32, #tpu.memory_space<hbm>>) dst(%arg10 : memref<80x128xf32, #tpu.memory_space<vmem>>)
        "tpu.region"() ({
          %run_scoped3A = tpu.sem_alloc : memref<!tpu.dma_semaphore, #tpu.memory_space<semaphore_mem>>
          %dma_start3A_83 = arith.constant 0 : i32
          %dma_start3A_84 = tpu.memref_slice %arg8[%add3A_56, %dma_start3A_83] : memref<125x80xi32, #tpu.memory_space<vmem>> -> memref<1x80xi32, #tpu.memory_space<vmem>>
          %dma_start3A_85 = tpu.memref_squeeze %dma_start3A_84 : memref<1x80xi32, #tpu.memory_space<vmem>> -> memref<80xi32, #tpu.memory_space<vmem>>
          %dma_start3A_86 = arith.constant 0 : i32
          %dma_start3A_87 = arith.constant 0 : i32
          %dma_start3A_88 = tpu.memref_slice %arg12[%dma_start3A_86, %dma_start3A_87] : memref<10000x128xf32, #tpu.memory_space<vmem_shared>> -> memref<10000x128xf32, #tpu.memory_space<vmem_shared>>
          tpu.enqueue_indirect_dma source(%arg10 : memref<80x128xf32, #tpu.memory_space<vmem>>) target(%dma_start3A_88 : memref<10000x128xf32, #tpu.memory_space<vmem_shared>>) offsets(%dma_start3A_85 : memref<80xi32, #tpu.memory_space<vmem>>) semaphore(%run_scoped3A : memref<!tpu.dma_semaphore, #tpu.memory_space<semaphore_mem>>) {add = true}
          %dma_wait3A_89 = arith.constant 0 : i32
          %dma_wait3A_90 = tpu.memref_slice %arg8[%add3A_56, %dma_wait3A_89] : memref<125x80xi32, #tpu.memory_space<vmem>> -> memref<1x80xi32, #tpu.memory_space<vmem>>
          %dma_wait3A_91 = tpu.memref_squeeze %dma_wait3A_90 : memref<1x80xi32, #tpu.memory_space<vmem>> -> memref<80xi32, #tpu.memory_space<vmem>>
          %dma_wait3A_92 = arith.constant 0 : i32
          %dma_wait3A_93 = arith.constant 0 : i32
          %dma_wait3A_94 = tpu.memref_slice %arg12[%dma_wait3A_92, %dma_wait3A_93] : memref<10000x128xf32, #tpu.memory_space<vmem_shared>> -> memref<10000x128xf32, #tpu.memory_space<vmem_shared>>
          tpu.wait_indirect_dma semaphore(%run_scoped3A : memref<!tpu.dma_semaphore, #tpu.memory_space<semaphore_mem>>) src(%arg10 : memref<80x128xf32, #tpu.memory_space<vmem>>) dst(%dma_wait3A_94 : memref<10000x128xf32, #tpu.memory_space<vmem_shared>>)
          tpu.yield
        }) : () -> ()
        %add3A_76 = arith.constant 3 : i32
        %add3A_77 = arith.addi %add3A_56, %add3A_76 : i32
        %lt3A_78 = arith.constant 125 : i32
        %lt3A_79 = arith.cmpi slt, %add3A_77, %lt3A_78 : i32
        %convert_element_type3A_80 = arith.extui %lt3A_79 : i1 to i32
        %cond3A_81 = arith.constant 0 : i32
        %cond3A_82 = arith.cmpi ne, %convert_element_type3A_80, %cond3A_81 : i32
        scf.if %cond3A_82 {
          %add3A_83 = arith.constant 3 : i32
          %add3A_84 = arith.addi %add3A_56, %add3A_83 : i32
          %dma_start3A_85 = arith.constant 0 : i32
          %dma_start3A_86 = tpu.memref_slice %arg7[%add3A_84, %dma_start3A_85] : memref<125x80xi32, #tpu.memory_space<vmem>> -> memref<1x80xi32, #tpu.memory_space<vmem>>
          %dma_start3A_87 = tpu.memref_squeeze %dma_start3A_86 : memref<1x80xi32, #tpu.memory_space<vmem>> -> memref<80xi32, #tpu.memory_space<vmem>>
          %dma_start3A_88 = arith.constant 0 : i32
          %dma_start3A_89 = arith.constant 0 : i32
          %dma_start3A_90 = tpu.memref_slice %arg2[%dma_start3A_88, %dma_start3A_89] : memref<10000x128xf32, #tpu.memory_space<hbm>> -> memref<10000x128xf32, #tpu.memory_space<hbm>>
          tpu.enqueue_indirect_dma source(%dma_start3A_90 : memref<10000x128xf32, #tpu.memory_space<hbm>>) target(%arg10 : memref<80x128xf32, #tpu.memory_space<vmem>>) offsets(%dma_start3A_87 : memref<80xi32, #tpu.memory_space<vmem>>) semaphore(%arg14 : memref<!tpu.dma_semaphore, #tpu.memory_space<semaphore_mem>>)
        } else {
        }
      } else {
      }
      %mul3A_62 = arith.constant 3 : i32
      %mul3A_63 = arith.muli %scan3A_43, %mul3A_62 : i32
      %add3A_64 = arith.constant 2 : i32
      %add3A_65 = arith.addi %mul3A_63, %add3A_64 : i32
      %lt3A_66 = arith.constant 125 : i32
      %lt3A_67 = arith.cmpi slt, %add3A_65, %lt3A_66 : i32
      %convert_element_type3A_68 = arith.extui %lt3A_67 : i1 to i32
      %cond3A_69 = arith.constant 0 : i32
      %cond3A_70 = arith.cmpi ne, %convert_element_type3A_68, %cond3A_69 : i32
      scf.if %cond3A_70 {
        %dma_wait3A = arith.constant 0 : i32
        %dma_wait3A_71 = tpu.memref_slice %arg7[%add3A_65, %dma_wait3A] : memref<125x80xi32, #tpu.memory_space<vmem>> -> memref<1x80xi32, #tpu.memory_space<vmem>>
        %dma_wait3A_72 = tpu.memref_squeeze %dma_wait3A_71 : memref<1x80xi32, #tpu.memory_space<vmem>> -> memref<80xi32, #tpu.memory_space<vmem>>
        %dma_wait3A_73 = arith.constant 0 : i32
        %dma_wait3A_74 = arith.constant 0 : i32
        %dma_wait3A_75 = tpu.memref_slice %arg2[%dma_wait3A_73, %dma_wait3A_74] : memref<10000x128xf32, #tpu.memory_space<hbm>> -> memref<10000x128xf32, #tpu.memory_space<hbm>>
        tpu.wait_indirect_dma semaphore(%arg15 : memref<!tpu.dma_semaphore, #tpu.memory_space<semaphore_mem>>) src(%dma_wait3A_75 : memref<10000x128xf32, #tpu.memory_space<hbm>>) dst(%arg11 : memref<80x128xf32, #tpu.memory_space<vmem>>)
        "tpu.region"() ({
          %run_scoped3A = tpu.sem_alloc : memref<!tpu.dma_semaphore, #tpu.memory_space<semaphore_mem>>
          %dma_start3A_83 = arith.constant 0 : i32
          %dma_start3A_84 = tpu.memref_slice %arg8[%add3A_65, %dma_start3A_83] : memref<125x80xi32, #tpu.memory_space<vmem>> -> memref<1x80xi32, #tpu.memory_space<vmem>>
          %dma_start3A_85 = tpu.memref_squeeze %dma_start3A_84 : memref<1x80xi32, #tpu.memory_space<vmem>> -> memref<80xi32, #tpu.memory_space<vmem>>
          %dma_start3A_86 = arith.constant 0 : i32
          %dma_start3A_87 = arith.constant 0 : i32
          %dma_start3A_88 = tpu.memref_slice %arg12[%dma_start3A_86, %dma_start3A_87] : memref<10000x128xf32, #tpu.memory_space<vmem_shared>> -> memref<10000x128xf32, #tpu.memory_space<vmem_shared>>
          tpu.enqueue_indirect_dma source(%arg11 : memref<80x128xf32, #tpu.memory_space<vmem>>) target(%dma_start3A_88 : memref<10000x128xf32, #tpu.memory_space<vmem_shared>>) offsets(%dma_start3A_85 : memref<80xi32, #tpu.memory_space<vmem>>) semaphore(%run_scoped3A : memref<!tpu.dma_semaphore, #tpu.memory_space<semaphore_mem>>) {add = true}
          %dma_wait3A_89 = arith.constant 0 : i32
          %dma_wait3A_90 = tpu.memref_slice %arg8[%add3A_65, %dma_wait3A_89] : memref<125x80xi32, #tpu.memory_space<vmem>> -> memref<1x80xi32, #tpu.memory_space<vmem>>
          %dma_wait3A_91 = tpu.memref_squeeze %dma_wait3A_90 : memref<1x80xi32, #tpu.memory_space<vmem>> -> memref<80xi32, #tpu.memory_space<vmem>>
          %dma_wait3A_92 = arith.constant 0 : i32
          %dma_wait3A_93 = arith.constant 0 : i32
          %dma_wait3A_94 = tpu.memref_slice %arg12[%dma_wait3A_92, %dma_wait3A_93] : memref<10000x128xf32, #tpu.memory_space<vmem_shared>> -> memref<10000x128xf32, #tpu.memory_space<vmem_shared>>
          tpu.wait_indirect_dma semaphore(%run_scoped3A : memref<!tpu.dma_semaphore, #tpu.memory_space<semaphore_mem>>) src(%arg11 : memref<80x128xf32, #tpu.memory_space<vmem>>) dst(%dma_wait3A_94 : memref<10000x128xf32, #tpu.memory_space<vmem_shared>>)
          tpu.yield
        }) : () -> ()
        %add3A_76 = arith.constant 3 : i32
        %add3A_77 = arith.addi %add3A_65, %add3A_76 : i32
        %lt3A_78 = arith.constant 125 : i32
        %lt3A_79 = arith.cmpi slt, %add3A_77, %lt3A_78 : i32
        %convert_element_type3A_80 = arith.extui %lt3A_79 : i1 to i32
        %cond3A_81 = arith.constant 0 : i32
        %cond3A_82 = arith.cmpi ne, %convert_element_type3A_80, %cond3A_81 : i32
        scf.if %cond3A_82 {
          %add3A_83 = arith.constant 3 : i32
          %add3A_84 = arith.addi %add3A_65, %add3A_83 : i32
          %dma_start3A_85 = arith.constant 0 : i32
          %dma_start3A_86 = tpu.memref_slice %arg7[%add3A_84, %dma_start3A_85] : memref<125x80xi32, #tpu.memory_space<vmem>> -> memref<1x80xi32, #tpu.memory_space<vmem>>
          %dma_start3A_87 = tpu.memref_squeeze %dma_start3A_86 : memref<1x80xi32, #tpu.memory_space<vmem>> -> memref<80xi32, #tpu.memory_space<vmem>>
          %dma_start3A_88 = arith.constant 0 : i32
          %dma_start3A_89 = arith.constant 0 : i32
          %dma_start3A_90 = tpu.memref_slice %arg2[%dma_start3A_88, %dma_start3A_89] : memref<10000x128xf32, #tpu.memory_space<hbm>> -> memref<10000x128xf32, #tpu.memory_space<hbm>>
          tpu.enqueue_indirect_dma source(%dma_start3A_90 : memref<10000x128xf32, #tpu.memory_space<hbm>>) target(%arg11 : memref<80x128xf32, #tpu.memory_space<vmem>>) offsets(%dma_start3A_87 : memref<80xi32, #tpu.memory_space<vmem>>) semaphore(%arg15 : memref<!tpu.dma_semaphore, #tpu.memory_space<semaphore_mem>>)
        } else {
        }
      } else {
      }
    }
    %scan3A_31 = arith.constant 42 : i32
    %barrier3A_32 = arith.constant 0 : index
    tpu.barrier barrier_id(%barrier3A_32)
    %lt3A_33 = arith.constant 15 : i32
    %lt3A_34 = arith.cmpi slt, %arg1, %lt3A_33 : i32
    %convert_element_type3A_35 = arith.extui %lt3A_34 : i1 to i32
    %cond3A_36 = arith.constant 0 : i32
    %cond3A_37 = arith.cmpi ne, %convert_element_type3A_35, %cond3A_36 : i32
    scf.if %cond3A_37 {
      %mul3A_43 = arith.constant 624 : i32
      %mul3A_44 = arith.muli %arg1, %mul3A_43 : i32
      %mul3A_45 = arith.constant 624 : i32
      %mul3A_46 = arith.muli %arg1, %mul3A_45 : i32
      "tpu.region"() ({
        %run_scoped3A = tpu.sem_alloc : memref<!tpu.dma_semaphore, #tpu.memory_space<semaphore_mem>>
        %dma_start3A_47 = arith.constant 0 : i32
        %dma_start3A_48 = tpu.memref_slice %arg6[%arg0, %mul3A_46, %dma_start3A_47] : memref<2x10000x128xf32, #tpu.memory_space<hbm>> -> memref<1x624x128xf32, #tpu.memory_space<hbm>>
        %dma_start3A_49 = tpu.memref_squeeze %dma_start3A_48 : memref<1x624x128xf32, #tpu.memory_space<hbm>> -> memref<624x128xf32, #tpu.memory_space<hbm>>
        %dma_start3A_50 = arith.constant 0 : i32
        %dma_start3A_51 = tpu.memref_slice %arg12[%mul3A_44, %dma_start3A_50] : memref<10000x128xf32, #tpu.memory_space<vmem_shared>> -> memref<624x128xf32, #tpu.memory_space<vmem_shared>>
        tpu.enqueue_dma source(%dma_start3A_51 : memref<624x128xf32, #tpu.memory_space<vmem_shared>>) target(%dma_start3A_49 : memref<624x128xf32, #tpu.memory_space<hbm>>) target_semaphore(%run_scoped3A : memref<!tpu.dma_semaphore, #tpu.memory_space<semaphore_mem>>)
        %dma_wait3A = arith.constant 0 : i32
        %dma_wait3A_52 = tpu.memref_slice %arg6[%arg0, %mul3A_46, %dma_wait3A] : memref<2x10000x128xf32, #tpu.memory_space<hbm>> -> memref<1x624x128xf32, #tpu.memory_space<hbm>>
        %dma_wait3A_53 = tpu.memref_squeeze %dma_wait3A_52 : memref<1x624x128xf32, #tpu.memory_space<hbm>> -> memref<624x128xf32, #tpu.memory_space<hbm>>
        %dma_wait3A_54 = arith.constant 0 : i32
        %dma_wait3A_55 = tpu.memref_slice %arg12[%mul3A_44, %dma_wait3A_54] : memref<10000x128xf32, #tpu.memory_space<vmem_shared>> -> memref<624x128xf32, #tpu.memory_space<vmem_shared>>
        tpu.wait_dma2 semaphore(%run_scoped3A : memref<!tpu.dma_semaphore, #tpu.memory_space<semaphore_mem>>) src(%dma_wait3A_55 : memref<624x128xf32, #tpu.memory_space<vmem_shared>>) dst(%dma_wait3A_53 : memref<624x128xf32, #tpu.memory_space<hbm>>)
        tpu.yield
      }) : () -> ()
    } else {
    }
    %eq3A_38 = arith.constant 15 : i32
    %eq3A_39 = arith.cmpi eq, %arg1, %eq3A_38 : i32
    %convert_element_type3A_40 = arith.extui %eq3A_39 : i1 to i32
    %cond3A_41 = arith.constant 0 : i32
    %cond3A_42 = arith.cmpi ne, %convert_element_type3A_40, %cond3A_41 : i32
    scf.if %cond3A_42 {
      "tpu.region"() ({
        %run_scoped3A = tpu.sem_alloc : memref<!tpu.dma_semaphore, #tpu.memory_space<semaphore_mem>>
        %dma_start3A_43 = arith.constant 9360 : i32
        %dma_start3A_44 = arith.constant 0 : i32
        %dma_start3A_45 = tpu.memref_slice %arg6[%arg0, %dma_start3A_43, %dma_start3A_44] : memref<2x10000x128xf32, #tpu.memory_space<hbm>> -> memref<1x640x128xf32, #tpu.memory_space<hbm>>
        %dma_start3A_46 = tpu.memref_squeeze %dma_start3A_45 : memref<1x640x128xf32, #tpu.memory_space<hbm>> -> memref<640x128xf32, #tpu.memory_space<hbm>>
        %dma_start3A_47 = arith.constant 9360 : i32
        %dma_start3A_48 = arith.constant 0 : i32
        %dma_start3A_49 = tpu.memref_slice %arg12[%dma_start3A_47, %dma_start3A_48] : memref<10000x128xf32, #tpu.memory_space<vmem_shared>> -> memref<640x128xf32, #tpu.memory_space<vmem_shared>>
        tpu.enqueue_dma source(%dma_start3A_49 : memref<640x128xf32, #tpu.memory_space<vmem_shared>>) target(%dma_start3A_46 : memref<640x128xf32, #tpu.memory_space<hbm>>) target_semaphore(%run_scoped3A : memref<!tpu.dma_semaphore, #tpu.memory_space<semaphore_mem>>)
        %dma_wait3A = arith.constant 9360 : i32
        %dma_wait3A_50 = arith.constant 0 : i32
        %dma_wait3A_51 = tpu.memref_slice %arg6[%arg0, %dma_wait3A, %dma_wait3A_50] : memref<2x10000x128xf32, #tpu.memory_space<hbm>> -> memref<1x640x128xf32, #tpu.memory_space<hbm>>
        %dma_wait3A_52 = tpu.memref_squeeze %dma_wait3A_51 : memref<1x640x128xf32, #tpu.memory_space<hbm>> -> memref<640x128xf32, #tpu.memory_space<hbm>>
        %dma_wait3A_53 = arith.constant 9360 : i32
        %dma_wait3A_54 = arith.constant 0 : i32
        %dma_wait3A_55 = tpu.memref_slice %arg12[%dma_wait3A_53, %dma_wait3A_54] : memref<10000x128xf32, #tpu.memory_space<vmem_shared>> -> memref<640x128xf32, #tpu.memory_space<vmem_shared>>
        tpu.wait_dma2 semaphore(%run_scoped3A : memref<!tpu.dma_semaphore, #tpu.memory_space<semaphore_mem>>) src(%dma_wait3A_55 : memref<640x128xf32, #tpu.memory_space<vmem_shared>>) dst(%dma_wait3A_52 : memref<640x128xf32, #tpu.memory_space<hbm>>)
        tpu.yield
      }) : () -> ()
    } else {
    }
    return
  }
}

#map = affine_map<(d0, d1) -> (0, 0, 0)>
#map1 = affine_map<(d0, d1) -> (0, 0)>
module attributes {stable_mosaic.version = 14 : i64} {
  func.func @_sc_degree_body(%arg0: i32, %arg1: i32, %arg2: memref<32x125x80xi32, #tpu.memory_space<hbm>>, %arg3: memref<80x16xf32, #tpu.memory_space<hbm>>, %arg4: memref<10000x16xf32, #tpu.memory_space<hbm>>, %arg5: memref<2x10000x16xf32, #tpu.memory_space<hbm>>, %arg6: memref<125x80xi32, #tpu.memory_space<vmem>>, %arg7: memref<80x16xf32, #tpu.memory_space<vmem>>, %arg8: memref<10000x16xf32, #tpu.memory_space<vmem_shared>>) attributes {dimension_semantics = [#tpu.dimension_semantics<core_parallel>, #tpu.dimension_semantics<subcore_parallel>], iteration_bounds = array<i64: 2, 16>, scalar_prefetch = 0 : i64, scratch_operands = 3 : i64, tpu.core_type = #tpu.core_type<sc_vector_subcore>, window_params = [{transform_indices = #map}, {transform_indices = #map1}, {transform_indices = #map1}, {transform_indices = #map}]} {
    %mul3A = arith.constant 16 : i32
    %mul3A_0 = arith.muli %arg0, %mul3A : i32
    %add3A = arith.addi %mul3A_0, %arg1 : i32
    "tpu.region"() ({
      %run_scoped3A = tpu.sem_alloc : memref<!tpu.dma_semaphore, #tpu.memory_space<semaphore_mem>>
      %dma_start3A = arith.constant 0 : i32
      %dma_start3A_23 = arith.constant 0 : i32
      %dma_start3A_24 = tpu.memref_slice %arg2[%add3A, %dma_start3A, %dma_start3A_23] : memref<32x125x80xi32, #tpu.memory_space<hbm>> -> memref<1x125x80xi32, #tpu.memory_space<hbm>>
      %dma_start3A_25 = tpu.memref_squeeze %dma_start3A_24 : memref<1x125x80xi32, #tpu.memory_space<hbm>> -> memref<125x80xi32, #tpu.memory_space<hbm>>
      %dma_start3A_26 = arith.constant 0 : i32
      %dma_start3A_27 = arith.constant 0 : i32
      %dma_start3A_28 = tpu.memref_slice %arg2[%add3A, %dma_start3A_26, %dma_start3A_27] : memref<32x125x80xi32, #tpu.memory_space<hbm>> -> memref<1x125x80xi32, #tpu.memory_space<hbm>>
      %dma_start3A_29 = tpu.memref_squeeze %dma_start3A_28 : memref<1x125x80xi32, #tpu.memory_space<hbm>> -> memref<125x80xi32, #tpu.memory_space<hbm>>
      tpu.enqueue_dma source(%dma_start3A_29 : memref<125x80xi32, #tpu.memory_space<hbm>>) target(%arg6 : memref<125x80xi32, #tpu.memory_space<vmem>>) target_semaphore(%run_scoped3A : memref<!tpu.dma_semaphore, #tpu.memory_space<semaphore_mem>>)
      %dma_wait3A = arith.constant 0 : i32
      %dma_wait3A_30 = arith.constant 0 : i32
      %dma_wait3A_31 = tpu.memref_slice %arg2[%add3A, %dma_wait3A, %dma_wait3A_30] : memref<32x125x80xi32, #tpu.memory_space<hbm>> -> memref<1x125x80xi32, #tpu.memory_space<hbm>>
      %dma_wait3A_32 = tpu.memref_squeeze %dma_wait3A_31 : memref<1x125x80xi32, #tpu.memory_space<hbm>> -> memref<125x80xi32, #tpu.memory_space<hbm>>
      %dma_wait3A_33 = arith.constant 0 : i32
      %dma_wait3A_34 = arith.constant 0 : i32
      %dma_wait3A_35 = tpu.memref_slice %arg2[%add3A, %dma_wait3A_33, %dma_wait3A_34] : memref<32x125x80xi32, #tpu.memory_space<hbm>> -> memref<1x125x80xi32, #tpu.memory_space<hbm>>
      %dma_wait3A_36 = tpu.memref_squeeze %dma_wait3A_35 : memref<1x125x80xi32, #tpu.memory_space<hbm>> -> memref<125x80xi32, #tpu.memory_space<hbm>>
      tpu.wait_dma2 semaphore(%run_scoped3A : memref<!tpu.dma_semaphore, #tpu.memory_space<semaphore_mem>>) src(%dma_wait3A_36 : memref<125x80xi32, #tpu.memory_space<hbm>>) dst(%arg6 : memref<125x80xi32, #tpu.memory_space<vmem>>)
      tpu.yield
    }) : () -> ()
    %lt3A = arith.constant 15 : i32
    %lt3A_1 = arith.cmpi slt, %arg1, %lt3A : i32
    %convert_element_type3A = arith.extui %lt3A_1 : i1 to i32
    %cond3A = arith.constant 0 : i32
    %cond3A_2 = arith.cmpi ne, %convert_element_type3A, %cond3A : i32
    scf.if %cond3A_2 {
      %mul3A_23 = arith.constant 624 : i32
      %mul3A_24 = arith.muli %arg1, %mul3A_23 : i32
      %mul3A_25 = arith.constant 624 : i32
      %mul3A_26 = arith.muli %arg1, %mul3A_25 : i32
      "tpu.region"() ({
        %run_scoped3A = tpu.sem_alloc : memref<!tpu.dma_semaphore, #tpu.memory_space<semaphore_mem>>
        %dma_start3A = arith.constant 0 : i32
        %dma_start3A_27 = tpu.memref_slice %arg8[%mul3A_26, %dma_start3A] : memref<10000x16xf32, #tpu.memory_space<vmem_shared>> -> memref<624x16xf32, #tpu.memory_space<vmem_shared>>
        %dma_start3A_28 = arith.constant 0 : i32
        %dma_start3A_29 = tpu.memref_slice %arg4[%mul3A_24, %dma_start3A_28] : memref<10000x16xf32, #tpu.memory_space<hbm>> -> memref<624x16xf32, #tpu.memory_space<hbm>>
        tpu.enqueue_dma source(%dma_start3A_29 : memref<624x16xf32, #tpu.memory_space<hbm>>) target(%dma_start3A_27 : memref<624x16xf32, #tpu.memory_space<vmem_shared>>) target_semaphore(%run_scoped3A : memref<!tpu.dma_semaphore, #tpu.memory_space<semaphore_mem>>)
        %dma_wait3A = arith.constant 0 : i32
        %dma_wait3A_30 = tpu.memref_slice %arg8[%mul3A_26, %dma_wait3A] : memref<10000x16xf32, #tpu.memory_space<vmem_shared>> -> memref<624x16xf32, #tpu.memory_space<vmem_shared>>
        %dma_wait3A_31 = arith.constant 0 : i32
        %dma_wait3A_32 = tpu.memref_slice %arg4[%mul3A_24, %dma_wait3A_31] : memref<10000x16xf32, #tpu.memory_space<hbm>> -> memref<624x16xf32, #tpu.memory_space<hbm>>
        tpu.wait_dma2 semaphore(%run_scoped3A : memref<!tpu.dma_semaphore, #tpu.memory_space<semaphore_mem>>) src(%dma_wait3A_32 : memref<624x16xf32, #tpu.memory_space<hbm>>) dst(%dma_wait3A_30 : memref<624x16xf32, #tpu.memory_space<vmem_shared>>)
        tpu.yield
      }) : () -> ()
    } else {
    }
    %eq3A = arith.constant 15 : i32
    %eq3A_3 = arith.cmpi eq, %arg1, %eq3A : i32
    %convert_element_type3A_4 = arith.extui %eq3A_3 : i1 to i32
    %cond3A_5 = arith.constant 0 : i32
    %cond3A_6 = arith.cmpi ne, %convert_element_type3A_4, %cond3A_5 : i32
    scf.if %cond3A_6 {
      "tpu.region"() ({
        %run_scoped3A = tpu.sem_alloc : memref<!tpu.dma_semaphore, #tpu.memory_space<semaphore_mem>>
        %dma_start3A = arith.constant 9360 : i32
        %dma_start3A_23 = arith.constant 0 : i32
        %dma_start3A_24 = tpu.memref_slice %arg8[%dma_start3A, %dma_start3A_23] : memref<10000x16xf32, #tpu.memory_space<vmem_shared>> -> memref<640x16xf32, #tpu.memory_space<vmem_shared>>
        %dma_start3A_25 = arith.constant 9360 : i32
        %dma_start3A_26 = arith.constant 0 : i32
        %dma_start3A_27 = tpu.memref_slice %arg4[%dma_start3A_25, %dma_start3A_26] : memref<10000x16xf32, #tpu.memory_space<hbm>> -> memref<640x16xf32, #tpu.memory_space<hbm>>
        tpu.enqueue_dma source(%dma_start3A_27 : memref<640x16xf32, #tpu.memory_space<hbm>>) target(%dma_start3A_24 : memref<640x16xf32, #tpu.memory_space<vmem_shared>>) target_semaphore(%run_scoped3A : memref<!tpu.dma_semaphore, #tpu.memory_space<semaphore_mem>>)
        %dma_wait3A = arith.constant 9360 : i32
        %dma_wait3A_28 = arith.constant 0 : i32
        %dma_wait3A_29 = tpu.memref_slice %arg8[%dma_wait3A, %dma_wait3A_28] : memref<10000x16xf32, #tpu.memory_space<vmem_shared>> -> memref<640x16xf32, #tpu.memory_space<vmem_shared>>
        %dma_wait3A_30 = arith.constant 9360 : i32
        %dma_wait3A_31 = arith.constant 0 : i32
        %dma_wait3A_32 = tpu.memref_slice %arg4[%dma_wait3A_30, %dma_wait3A_31] : memref<10000x16xf32, #tpu.memory_space<hbm>> -> memref<640x16xf32, #tpu.memory_space<hbm>>
        tpu.wait_dma2 semaphore(%run_scoped3A : memref<!tpu.dma_semaphore, #tpu.memory_space<semaphore_mem>>) src(%dma_wait3A_32 : memref<640x16xf32, #tpu.memory_space<hbm>>) dst(%dma_wait3A_29 : memref<640x16xf32, #tpu.memory_space<vmem_shared>>)
        tpu.yield
      }) : () -> ()
    } else {
    }
    "tpu.region"() ({
      %run_scoped3A = tpu.sem_alloc : memref<!tpu.dma_semaphore, #tpu.memory_space<semaphore_mem>>
      tpu.enqueue_dma source(%arg3 : memref<80x16xf32, #tpu.memory_space<hbm>>) target(%arg7 : memref<80x16xf32, #tpu.memory_space<vmem>>) target_semaphore(%run_scoped3A : memref<!tpu.dma_semaphore, #tpu.memory_space<semaphore_mem>>)
      tpu.wait_dma2 semaphore(%run_scoped3A : memref<!tpu.dma_semaphore, #tpu.memory_space<semaphore_mem>>) src(%arg3 : memref<80x16xf32, #tpu.memory_space<hbm>>) dst(%arg7 : memref<80x16xf32, #tpu.memory_space<vmem>>)
      tpu.yield
    }) : () -> ()
    %barrier3A = arith.constant 0 : index
    tpu.barrier barrier_id(%barrier3A)
    %scan3A = arith.constant 0 : i32
    %scan3A_7 = arith.constant 0 : i32
    %scan3A_8 = arith.constant 125 : i32
    %scan3A_9 = arith.addi %scan3A_7, %scan3A_8 : i32
    %scan3A_10 = arith.constant 1 : i32
    scf.for %scan3A_23 = %scan3A_7 to %scan3A_9 step %scan3A_10  : i32 {
      "tpu.region"() ({
        %run_scoped3A = tpu.sem_alloc : memref<!tpu.dma_semaphore, #tpu.memory_space<semaphore_mem>>
        %dma_start3A = arith.constant 0 : i32
        %dma_start3A_24 = tpu.memref_slice %arg6[%scan3A_23, %dma_start3A] : memref<125x80xi32, #tpu.memory_space<vmem>> -> memref<1x80xi32, #tpu.memory_space<vmem>>
        %dma_start3A_25 = tpu.memref_squeeze %dma_start3A_24 : memref<1x80xi32, #tpu.memory_space<vmem>> -> memref<80xi32, #tpu.memory_space<vmem>>
        %dma_start3A_26 = arith.constant 0 : i32
        %dma_start3A_27 = arith.constant 0 : i32
        %dma_start3A_28 = tpu.memref_slice %arg8[%dma_start3A_26, %dma_start3A_27] : memref<10000x16xf32, #tpu.memory_space<vmem_shared>> -> memref<10000x16xf32, #tpu.memory_space<vmem_shared>>
        tpu.enqueue_indirect_dma source(%arg7 : memref<80x16xf32, #tpu.memory_space<vmem>>) target(%dma_start3A_28 : memref<10000x16xf32, #tpu.memory_space<vmem_shared>>) offsets(%dma_start3A_25 : memref<80xi32, #tpu.memory_space<vmem>>) semaphore(%run_scoped3A : memref<!tpu.dma_semaphore, #tpu.memory_space<semaphore_mem>>) {add = true}
        %dma_wait3A = arith.constant 0 : i32
        %dma_wait3A_29 = tpu.memref_slice %arg6[%scan3A_23, %dma_wait3A] : memref<125x80xi32, #tpu.memory_space<vmem>> -> memref<1x80xi32, #tpu.memory_space<vmem>>
        %dma_wait3A_30 = tpu.memref_squeeze %dma_wait3A_29 : memref<1x80xi32, #tpu.memory_space<vmem>> -> memref<80xi32, #tpu.memory_space<vmem>>
        %dma_wait3A_31 = arith.constant 0 : i32
        %dma_wait3A_32 = arith.constant 0 : i32
        %dma_wait3A_33 = tpu.memref_slice %arg8[%dma_wait3A_31, %dma_wait3A_32] : memref<10000x16xf32, #tpu.memory_space<vmem_shared>> -> memref<10000x16xf32, #tpu.memory_space<vmem_shared>>
        tpu.wait_indirect_dma semaphore(%run_scoped3A : memref<!tpu.dma_semaphore, #tpu.memory_space<semaphore_mem>>) src(%arg7 : memref<80x16xf32, #tpu.memory_space<vmem>>) dst(%dma_wait3A_33 : memref<10000x16xf32, #tpu.memory_space<vmem_shared>>)
        tpu.yield
      }) : () -> ()
    }
    %scan3A_11 = arith.constant 125 : i32
    %barrier3A_12 = arith.constant 0 : index
    tpu.barrier barrier_id(%barrier3A_12)
    %lt3A_13 = arith.constant 15 : i32
    %lt3A_14 = arith.cmpi slt, %arg1, %lt3A_13 : i32
    %convert_element_type3A_15 = arith.extui %lt3A_14 : i1 to i32
    %cond3A_16 = arith.constant 0 : i32
    %cond3A_17 = arith.cmpi ne, %convert_element_type3A_15, %cond3A_16 : i32
    scf.if %cond3A_17 {
      %mul3A_23 = arith.constant 624 : i32
      %mul3A_24 = arith.muli %arg1, %mul3A_23 : i32
      %mul3A_25 = arith.constant 624 : i32
      %mul3A_26 = arith.muli %arg1, %mul3A_25 : i32
      "tpu.region"() ({
        %run_scoped3A = tpu.sem_alloc : memref<!tpu.dma_semaphore, #tpu.memory_space<semaphore_mem>>
        %dma_start3A = arith.constant 0 : i32
        %dma_start3A_27 = tpu.memref_slice %arg5[%arg0, %mul3A_26, %dma_start3A] : memref<2x10000x16xf32, #tpu.memory_space<hbm>> -> memref<1x624x16xf32, #tpu.memory_space<hbm>>
        %dma_start3A_28 = tpu.memref_squeeze %dma_start3A_27 : memref<1x624x16xf32, #tpu.memory_space<hbm>> -> memref<624x16xf32, #tpu.memory_space<hbm>>
        %dma_start3A_29 = arith.constant 0 : i32
        %dma_start3A_30 = tpu.memref_slice %arg8[%mul3A_24, %dma_start3A_29] : memref<10000x16xf32, #tpu.memory_space<vmem_shared>> -> memref<624x16xf32, #tpu.memory_space<vmem_shared>>
        tpu.enqueue_dma source(%dma_start3A_30 : memref<624x16xf32, #tpu.memory_space<vmem_shared>>) target(%dma_start3A_28 : memref<624x16xf32, #tpu.memory_space<hbm>>) target_semaphore(%run_scoped3A : memref<!tpu.dma_semaphore, #tpu.memory_space<semaphore_mem>>)
        %dma_wait3A = arith.constant 0 : i32
        %dma_wait3A_31 = tpu.memref_slice %arg5[%arg0, %mul3A_26, %dma_wait3A] : memref<2x10000x16xf32, #tpu.memory_space<hbm>> -> memref<1x624x16xf32, #tpu.memory_space<hbm>>
        %dma_wait3A_32 = tpu.memref_squeeze %dma_wait3A_31 : memref<1x624x16xf32, #tpu.memory_space<hbm>> -> memref<624x16xf32, #tpu.memory_space<hbm>>
        %dma_wait3A_33 = arith.constant 0 : i32
        %dma_wait3A_34 = tpu.memref_slice %arg8[%mul3A_24, %dma_wait3A_33] : memref<10000x16xf32, #tpu.memory_space<vmem_shared>> -> memref<624x16xf32, #tpu.memory_space<vmem_shared>>
        tpu.wait_dma2 semaphore(%run_scoped3A : memref<!tpu.dma_semaphore, #tpu.memory_space<semaphore_mem>>) src(%dma_wait3A_34 : memref<624x16xf32, #tpu.memory_space<vmem_shared>>) dst(%dma_wait3A_32 : memref<624x16xf32, #tpu.memory_space<hbm>>)
        tpu.yield
      }) : () -> ()
    } else {
    }
    %eq3A_18 = arith.constant 15 : i32
    %eq3A_19 = arith.cmpi eq, %arg1, %eq3A_18 : i32
    %convert_element_type3A_20 = arith.extui %eq3A_19 : i1 to i32
    %cond3A_21 = arith.constant 0 : i32
    %cond3A_22 = arith.cmpi ne, %convert_element_type3A_20, %cond3A_21 : i32
    scf.if %cond3A_22 {
      "tpu.region"() ({
        %run_scoped3A = tpu.sem_alloc : memref<!tpu.dma_semaphore, #tpu.memory_space<semaphore_mem>>
        %dma_start3A = arith.constant 9360 : i32
        %dma_start3A_23 = arith.constant 0 : i32
        %dma_start3A_24 = tpu.memref_slice %arg5[%arg0, %dma_start3A, %dma_start3A_23] : memref<2x10000x16xf32, #tpu.memory_space<hbm>> -> memref<1x640x16xf32, #tpu.memory_space<hbm>>
        %dma_start3A_25 = tpu.memref_squeeze %dma_start3A_24 : memref<1x640x16xf32, #tpu.memory_space<hbm>> -> memref<640x16xf32, #tpu.memory_space<hbm>>
        %dma_start3A_26 = arith.constant 9360 : i32
        %dma_start3A_27 = arith.constant 0 : i32
        %dma_start3A_28 = tpu.memref_slice %arg8[%dma_start3A_26, %dma_start3A_27] : memref<10000x16xf32, #tpu.memory_space<vmem_shared>> -> memref<640x16xf32, #tpu.memory_space<vmem_shared>>
        tpu.enqueue_dma source(%dma_start3A_28 : memref<640x16xf32, #tpu.memory_space<vmem_shared>>) target(%dma_start3A_25 : memref<640x16xf32, #tpu.memory_space<hbm>>) target_semaphore(%run_scoped3A : memref<!tpu.dma_semaphore, #tpu.memory_space<semaphore_mem>>)
        %dma_wait3A = arith.constant 9360 : i32
        %dma_wait3A_29 = arith.constant 0 : i32
        %dma_wait3A_30 = tpu.memref_slice %arg5[%arg0, %dma_wait3A, %dma_wait3A_29] : memref<2x10000x16xf32, #tpu.memory_space<hbm>> -> memref<1x640x16xf32, #tpu.memory_space<hbm>>
        %dma_wait3A_31 = tpu.memref_squeeze %dma_wait3A_30 : memref<1x640x16xf32, #tpu.memory_space<hbm>> -> memref<640x16xf32, #tpu.memory_space<hbm>>
        %dma_wait3A_32 = arith.constant 9360 : i32
        %dma_wait3A_33 = arith.constant 0 : i32
        %dma_wait3A_34 = tpu.memref_slice %arg8[%dma_wait3A_32, %dma_wait3A_33] : memref<10000x16xf32, #tpu.memory_space<vmem_shared>> -> memref<640x16xf32, #tpu.memory_space<vmem_shared>>
        tpu.wait_dma2 semaphore(%run_scoped3A : memref<!tpu.dma_semaphore, #tpu.memory_space<semaphore_mem>>) src(%dma_wait3A_34 : memref<640x16xf32, #tpu.memory_space<vmem_shared>>) dst(%dma_wait3A_31 : memref<640x16xf32, #tpu.memory_space<hbm>>)
        tpu.yield
      }) : () -> ()
    } else {
    }
    return
  }
}

#map = affine_map<(d0, d1) -> (0, 0)>
#map1 = affine_map<(d0, d1) -> (0, 0, 0)>
module attributes {stable_mosaic.version = 14 : i64} {
  func.func @_sc_agg_body(%arg0: i32, %arg1: i32, %arg2: memref<10000x128xf32, #tpu.memory_space<hbm>>, %arg3: memref<32x125x80xi32, #tpu.memory_space<hbm>>, %arg4: memref<32x125x80xi32, #tpu.memory_space<hbm>>, %arg5: memref<10000x128xf32, #tpu.memory_space<hbm>>, %arg6: memref<2x10000x128xf32, #tpu.memory_space<hbm>>, %arg7: memref<125x80xi32, #tpu.memory_space<vmem>>, %arg8: memref<125x80xi32, #tpu.memory_space<vmem>>, %arg9: memref<80x128xf32, #tpu.memory_space<vmem>>, %arg10: memref<80x128xf32, #tpu.memory_space<vmem>>, %arg11: memref<80x128xf32, #tpu.memory_space<vmem>>, %arg12: memref<10000x128xf32, #tpu.memory_space<vmem_shared>>, %arg13: memref<!tpu.dma_semaphore, #tpu.memory_space<semaphore_mem>>, %arg14: memref<!tpu.dma_semaphore, #tpu.memory_space<semaphore_mem>>, %arg15: memref<!tpu.dma_semaphore, #tpu.memory_space<semaphore_mem>>) attributes {dimension_semantics = [#tpu.dimension_semantics<core_parallel>, #tpu.dimension_semantics<subcore_parallel>], iteration_bounds = array<i64: 2, 16>, scalar_prefetch = 0 : i64, scratch_operands = 9 : i64, tpu.core_type = #tpu.core_type<sc_vector_subcore>, window_params = [{transform_indices = #map}, {transform_indices = #map1}, {transform_indices = #map1}, {transform_indices = #map}, {transform_indices = #map1}]} {
    %mul3A = arith.constant 16 : i32
    %mul3A_0 = arith.muli %arg0, %mul3A : i32
    %add3A = arith.addi %mul3A_0, %arg1 : i32
    "tpu.region"() ({
      %run_scoped3A = tpu.sem_alloc : memref<!tpu.dma_semaphore, #tpu.memory_space<semaphore_mem>>
      %dma_start3A_43 = arith.constant 0 : i32
      %dma_start3A_44 = arith.constant 0 : i32
      %dma_start3A_45 = tpu.memref_slice %arg3[%add3A, %dma_start3A_43, %dma_start3A_44] : memref<32x125x80xi32, #tpu.memory_space<hbm>> -> memref<1x125x80xi32, #tpu.memory_space<hbm>>
      %dma_start3A_46 = tpu.memref_squeeze %dma_start3A_45 : memref<1x125x80xi32, #tpu.memory_space<hbm>> -> memref<125x80xi32, #tpu.memory_space<hbm>>
      %dma_start3A_47 = arith.constant 0 : i32
      %dma_start3A_48 = arith.constant 0 : i32
      %dma_start3A_49 = tpu.memref_slice %arg3[%add3A, %dma_start3A_47, %dma_start3A_48] : memref<32x125x80xi32, #tpu.memory_space<hbm>> -> memref<1x125x80xi32, #tpu.memory_space<hbm>>
      %dma_start3A_50 = tpu.memref_squeeze %dma_start3A_49 : memref<1x125x80xi32, #tpu.memory_space<hbm>> -> memref<125x80xi32, #tpu.memory_space<hbm>>
      tpu.enqueue_dma source(%dma_start3A_50 : memref<125x80xi32, #tpu.memory_space<hbm>>) target(%arg7 : memref<125x80xi32, #tpu.memory_space<vmem>>) target_semaphore(%run_scoped3A : memref<!tpu.dma_semaphore, #tpu.memory_space<semaphore_mem>>)
      %dma_wait3A = arith.constant 0 : i32
      %dma_wait3A_51 = arith.constant 0 : i32
      %dma_wait3A_52 = tpu.memref_slice %arg3[%add3A, %dma_wait3A, %dma_wait3A_51] : memref<32x125x80xi32, #tpu.memory_space<hbm>> -> memref<1x125x80xi32, #tpu.memory_space<hbm>>
      %dma_wait3A_53 = tpu.memref_squeeze %dma_wait3A_52 : memref<1x125x80xi32, #tpu.memory_space<hbm>> -> memref<125x80xi32, #tpu.memory_space<hbm>>
      %dma_wait3A_54 = arith.constant 0 : i32
      %dma_wait3A_55 = arith.constant 0 : i32
      %dma_wait3A_56 = tpu.memref_slice %arg3[%add3A, %dma_wait3A_54, %dma_wait3A_55] : memref<32x125x80xi32, #tpu.memory_space<hbm>> -> memref<1x125x80xi32, #tpu.memory_space<hbm>>
      %dma_wait3A_57 = tpu.memref_squeeze %dma_wait3A_56 : memref<1x125x80xi32, #tpu.memory_space<hbm>> -> memref<125x80xi32, #tpu.memory_space<hbm>>
      tpu.wait_dma2 semaphore(%run_scoped3A : memref<!tpu.dma_semaphore, #tpu.memory_space<semaphore_mem>>) src(%dma_wait3A_57 : memref<125x80xi32, #tpu.memory_space<hbm>>) dst(%arg7 : memref<125x80xi32, #tpu.memory_space<vmem>>)
      tpu.yield
    }) : () -> ()
    "tpu.region"() ({
      %run_scoped3A = tpu.sem_alloc : memref<!tpu.dma_semaphore, #tpu.memory_space<semaphore_mem>>
      %dma_start3A_43 = arith.constant 0 : i32
      %dma_start3A_44 = arith.constant 0 : i32
      %dma_start3A_45 = tpu.memref_slice %arg4[%add3A, %dma_start3A_43, %dma_start3A_44] : memref<32x125x80xi32, #tpu.memory_space<hbm>> -> memref<1x125x80xi32, #tpu.memory_space<hbm>>
      %dma_start3A_46 = tpu.memref_squeeze %dma_start3A_45 : memref<1x125x80xi32, #tpu.memory_space<hbm>> -> memref<125x80xi32, #tpu.memory_space<hbm>>
      %dma_start3A_47 = arith.constant 0 : i32
      %dma_start3A_48 = arith.constant 0 : i32
      %dma_start3A_49 = tpu.memref_slice %arg4[%add3A, %dma_start3A_47, %dma_start3A_48] : memref<32x125x80xi32, #tpu.memory_space<hbm>> -> memref<1x125x80xi32, #tpu.memory_space<hbm>>
      %dma_start3A_50 = tpu.memref_squeeze %dma_start3A_49 : memref<1x125x80xi32, #tpu.memory_space<hbm>> -> memref<125x80xi32, #tpu.memory_space<hbm>>
      tpu.enqueue_dma source(%dma_start3A_50 : memref<125x80xi32, #tpu.memory_space<hbm>>) target(%arg8 : memref<125x80xi32, #tpu.memory_space<vmem>>) target_semaphore(%run_scoped3A : memref<!tpu.dma_semaphore, #tpu.memory_space<semaphore_mem>>)
      %dma_wait3A = arith.constant 0 : i32
      %dma_wait3A_51 = arith.constant 0 : i32
      %dma_wait3A_52 = tpu.memref_slice %arg4[%add3A, %dma_wait3A, %dma_wait3A_51] : memref<32x125x80xi32, #tpu.memory_space<hbm>> -> memref<1x125x80xi32, #tpu.memory_space<hbm>>
      %dma_wait3A_53 = tpu.memref_squeeze %dma_wait3A_52 : memref<1x125x80xi32, #tpu.memory_space<hbm>> -> memref<125x80xi32, #tpu.memory_space<hbm>>
      %dma_wait3A_54 = arith.constant 0 : i32
      %dma_wait3A_55 = arith.constant 0 : i32
      %dma_wait3A_56 = tpu.memref_slice %arg4[%add3A, %dma_wait3A_54, %dma_wait3A_55] : memref<32x125x80xi32, #tpu.memory_space<hbm>> -> memref<1x125x80xi32, #tpu.memory_space<hbm>>
      %dma_wait3A_57 = tpu.memref_squeeze %dma_wait3A_56 : memref<1x125x80xi32, #tpu.memory_space<hbm>> -> memref<125x80xi32, #tpu.memory_space<hbm>>
      tpu.wait_dma2 semaphore(%run_scoped3A : memref<!tpu.dma_semaphore, #tpu.memory_space<semaphore_mem>>) src(%dma_wait3A_57 : memref<125x80xi32, #tpu.memory_space<hbm>>) dst(%arg8 : memref<125x80xi32, #tpu.memory_space<vmem>>)
      tpu.yield
    }) : () -> ()
    %lt3A = arith.constant 15 : i32
    %lt3A_1 = arith.cmpi slt, %arg1, %lt3A : i32
    %convert_element_type3A = arith.extui %lt3A_1 : i1 to i32
    %cond3A = arith.constant 0 : i32
    %cond3A_2 = arith.cmpi ne, %convert_element_type3A, %cond3A : i32
    scf.if %cond3A_2 {
      %mul3A_43 = arith.constant 624 : i32
      %mul3A_44 = arith.muli %arg1, %mul3A_43 : i32
      %mul3A_45 = arith.constant 624 : i32
      %mul3A_46 = arith.muli %arg1, %mul3A_45 : i32
      "tpu.region"() ({
        %run_scoped3A = tpu.sem_alloc : memref<!tpu.dma_semaphore, #tpu.memory_space<semaphore_mem>>
        %dma_start3A_47 = arith.constant 0 : i32
        %dma_start3A_48 = tpu.memref_slice %arg12[%mul3A_46, %dma_start3A_47] : memref<10000x128xf32, #tpu.memory_space<vmem_shared>> -> memref<624x128xf32, #tpu.memory_space<vmem_shared>>
        %dma_start3A_49 = arith.constant 0 : i32
        %dma_start3A_50 = tpu.memref_slice %arg5[%mul3A_44, %dma_start3A_49] : memref<10000x128xf32, #tpu.memory_space<hbm>> -> memref<624x128xf32, #tpu.memory_space<hbm>>
        tpu.enqueue_dma source(%dma_start3A_50 : memref<624x128xf32, #tpu.memory_space<hbm>>) target(%dma_start3A_48 : memref<624x128xf32, #tpu.memory_space<vmem_shared>>) target_semaphore(%run_scoped3A : memref<!tpu.dma_semaphore, #tpu.memory_space<semaphore_mem>>)
        %dma_wait3A = arith.constant 0 : i32
        %dma_wait3A_51 = tpu.memref_slice %arg12[%mul3A_46, %dma_wait3A] : memref<10000x128xf32, #tpu.memory_space<vmem_shared>> -> memref<624x128xf32, #tpu.memory_space<vmem_shared>>
        %dma_wait3A_52 = arith.constant 0 : i32
        %dma_wait3A_53 = tpu.memref_slice %arg5[%mul3A_44, %dma_wait3A_52] : memref<10000x128xf32, #tpu.memory_space<hbm>> -> memref<624x128xf32, #tpu.memory_space<hbm>>
        tpu.wait_dma2 semaphore(%run_scoped3A : memref<!tpu.dma_semaphore, #tpu.memory_space<semaphore_mem>>) src(%dma_wait3A_53 : memref<624x128xf32, #tpu.memory_space<hbm>>) dst(%dma_wait3A_51 : memref<624x128xf32, #tpu.memory_space<vmem_shared>>)
        tpu.yield
      }) : () -> ()
    } else {
    }
    %eq3A = arith.constant 15 : i32
    %eq3A_3 = arith.cmpi eq, %arg1, %eq3A : i32
    %convert_element_type3A_4 = arith.extui %eq3A_3 : i1 to i32
    %cond3A_5 = arith.constant 0 : i32
    %cond3A_6 = arith.cmpi ne, %convert_element_type3A_4, %cond3A_5 : i32
    scf.if %cond3A_6 {
      "tpu.region"() ({
        %run_scoped3A = tpu.sem_alloc : memref<!tpu.dma_semaphore, #tpu.memory_space<semaphore_mem>>
        %dma_start3A_43 = arith.constant 9360 : i32
        %dma_start3A_44 = arith.constant 0 : i32
        %dma_start3A_45 = tpu.memref_slice %arg12[%dma_start3A_43, %dma_start3A_44] : memref<10000x128xf32, #tpu.memory_space<vmem_shared>> -> memref<640x128xf32, #tpu.memory_space<vmem_shared>>
        %dma_start3A_46 = arith.constant 9360 : i32
        %dma_start3A_47 = arith.constant 0 : i32
        %dma_start3A_48 = tpu.memref_slice %arg5[%dma_start3A_46, %dma_start3A_47] : memref<10000x128xf32, #tpu.memory_space<hbm>> -> memref<640x128xf32, #tpu.memory_space<hbm>>
        tpu.enqueue_dma source(%dma_start3A_48 : memref<640x128xf32, #tpu.memory_space<hbm>>) target(%dma_start3A_45 : memref<640x128xf32, #tpu.memory_space<vmem_shared>>) target_semaphore(%run_scoped3A : memref<!tpu.dma_semaphore, #tpu.memory_space<semaphore_mem>>)
        %dma_wait3A = arith.constant 9360 : i32
        %dma_wait3A_49 = arith.constant 0 : i32
        %dma_wait3A_50 = tpu.memref_slice %arg12[%dma_wait3A, %dma_wait3A_49] : memref<10000x128xf32, #tpu.memory_space<vmem_shared>> -> memref<640x128xf32, #tpu.memory_space<vmem_shared>>
        %dma_wait3A_51 = arith.constant 9360 : i32
        %dma_wait3A_52 = arith.constant 0 : i32
        %dma_wait3A_53 = tpu.memref_slice %arg5[%dma_wait3A_51, %dma_wait3A_52] : memref<10000x128xf32, #tpu.memory_space<hbm>> -> memref<640x128xf32, #tpu.memory_space<hbm>>
        tpu.wait_dma2 semaphore(%run_scoped3A : memref<!tpu.dma_semaphore, #tpu.memory_space<semaphore_mem>>) src(%dma_wait3A_53 : memref<640x128xf32, #tpu.memory_space<hbm>>) dst(%dma_wait3A_50 : memref<640x128xf32, #tpu.memory_space<vmem_shared>>)
        tpu.yield
      }) : () -> ()
    } else {
    }
    %dma_start3A = arith.constant 0 : i32
    %dma_start3A_7 = arith.constant 0 : i32
    %dma_start3A_8 = tpu.memref_slice %arg7[%dma_start3A, %dma_start3A_7] : memref<125x80xi32, #tpu.memory_space<vmem>> -> memref<1x80xi32, #tpu.memory_space<vmem>>
    %dma_start3A_9 = tpu.memref_squeeze %dma_start3A_8 : memref<1x80xi32, #tpu.memory_space<vmem>> -> memref<80xi32, #tpu.memory_space<vmem>>
    %dma_start3A_10 = arith.constant 0 : i32
    %dma_start3A_11 = arith.constant 0 : i32
    %dma_start3A_12 = tpu.memref_slice %arg2[%dma_start3A_10, %dma_start3A_11] : memref<10000x128xf32, #tpu.memory_space<hbm>> -> memref<10000x128xf32, #tpu.memory_space<hbm>>
    tpu.enqueue_indirect_dma source(%dma_start3A_12 : memref<10000x128xf32, #tpu.memory_space<hbm>>) target(%arg9 : memref<80x128xf32, #tpu.memory_space<vmem>>) offsets(%dma_start3A_9 : memref<80xi32, #tpu.memory_space<vmem>>) semaphore(%arg13 : memref<!tpu.dma_semaphore, #tpu.memory_space<semaphore_mem>>)
    %dma_start3A_13 = arith.constant 1 : i32
    %dma_start3A_14 = arith.constant 0 : i32
    %dma_start3A_15 = tpu.memref_slice %arg7[%dma_start3A_13, %dma_start3A_14] : memref<125x80xi32, #tpu.memory_space<vmem>> -> memref<1x80xi32, #tpu.memory_space<vmem>>
    %dma_start3A_16 = tpu.memref_squeeze %dma_start3A_15 : memref<1x80xi32, #tpu.memory_space<vmem>> -> memref<80xi32, #tpu.memory_space<vmem>>
    %dma_start3A_17 = arith.constant 0 : i32
    %dma_start3A_18 = arith.constant 0 : i32
    %dma_start3A_19 = tpu.memref_slice %arg2[%dma_start3A_17, %dma_start3A_18] : memref<10000x128xf32, #tpu.memory_space<hbm>> -> memref<10000x128xf32, #tpu.memory_space<hbm>>
    tpu.enqueue_indirect_dma source(%dma_start3A_19 : memref<10000x128xf32, #tpu.memory_space<hbm>>) target(%arg10 : memref<80x128xf32, #tpu.memory_space<vmem>>) offsets(%dma_start3A_16 : memref<80xi32, #tpu.memory_space<vmem>>) semaphore(%arg14 : memref<!tpu.dma_semaphore, #tpu.memory_space<semaphore_mem>>)
    %dma_start3A_20 = arith.constant 2 : i32
    %dma_start3A_21 = arith.constant 0 : i32
    %dma_start3A_22 = tpu.memref_slice %arg7[%dma_start3A_20, %dma_start3A_21] : memref<125x80xi32, #tpu.memory_space<vmem>> -> memref<1x80xi32, #tpu.memory_space<vmem>>
    %dma_start3A_23 = tpu.memref_squeeze %dma_start3A_22 : memref<1x80xi32, #tpu.memory_space<vmem>> -> memref<80xi32, #tpu.memory_space<vmem>>
    %dma_start3A_24 = arith.constant 0 : i32
    %dma_start3A_25 = arith.constant 0 : i32
    %dma_start3A_26 = tpu.memref_slice %arg2[%dma_start3A_24, %dma_start3A_25] : memref<10000x128xf32, #tpu.memory_space<hbm>> -> memref<10000x128xf32, #tpu.memory_space<hbm>>
    tpu.enqueue_indirect_dma source(%dma_start3A_26 : memref<10000x128xf32, #tpu.memory_space<hbm>>) target(%arg11 : memref<80x128xf32, #tpu.memory_space<vmem>>) offsets(%dma_start3A_23 : memref<80xi32, #tpu.memory_space<vmem>>) semaphore(%arg15 : memref<!tpu.dma_semaphore, #tpu.memory_space<semaphore_mem>>)
    %barrier3A = arith.constant 0 : index
    tpu.barrier barrier_id(%barrier3A)
    %scan3A = arith.constant 0 : i32
    %scan3A_27 = arith.constant 0 : i32
    %scan3A_28 = arith.constant 42 : i32
    %scan3A_29 = arith.addi %scan3A_27, %scan3A_28 : i32
    %scan3A_30 = arith.constant 1 : i32
    scf.for %scan3A_43 = %scan3A_27 to %scan3A_29 step %scan3A_30  : i32 {
      %mul3A_44 = arith.constant 3 : i32
      %mul3A_45 = arith.muli %scan3A_43, %mul3A_44 : i32
      %add3A_46 = arith.constant 0 : i32
      %add3A_47 = arith.addi %mul3A_45, %add3A_46 : i32
      %lt3A_48 = arith.constant 125 : i32
      %lt3A_49 = arith.cmpi slt, %add3A_47, %lt3A_48 : i32
      %convert_element_type3A_50 = arith.extui %lt3A_49 : i1 to i32
      %cond3A_51 = arith.constant 0 : i32
      %cond3A_52 = arith.cmpi ne, %convert_element_type3A_50, %cond3A_51 : i32
      scf.if %cond3A_52 {
        %dma_wait3A = arith.constant 0 : i32
        %dma_wait3A_71 = tpu.memref_slice %arg7[%add3A_47, %dma_wait3A] : memref<125x80xi32, #tpu.memory_space<vmem>> -> memref<1x80xi32, #tpu.memory_space<vmem>>
        %dma_wait3A_72 = tpu.memref_squeeze %dma_wait3A_71 : memref<1x80xi32, #tpu.memory_space<vmem>> -> memref<80xi32, #tpu.memory_space<vmem>>
        %dma_wait3A_73 = arith.constant 0 : i32
        %dma_wait3A_74 = arith.constant 0 : i32
        %dma_wait3A_75 = tpu.memref_slice %arg2[%dma_wait3A_73, %dma_wait3A_74] : memref<10000x128xf32, #tpu.memory_space<hbm>> -> memref<10000x128xf32, #tpu.memory_space<hbm>>
        tpu.wait_indirect_dma semaphore(%arg13 : memref<!tpu.dma_semaphore, #tpu.memory_space<semaphore_mem>>) src(%dma_wait3A_75 : memref<10000x128xf32, #tpu.memory_space<hbm>>) dst(%arg9 : memref<80x128xf32, #tpu.memory_space<vmem>>)
        "tpu.region"() ({
          %run_scoped3A = tpu.sem_alloc : memref<!tpu.dma_semaphore, #tpu.memory_space<semaphore_mem>>
          %dma_start3A_83 = arith.constant 0 : i32
          %dma_start3A_84 = tpu.memref_slice %arg8[%add3A_47, %dma_start3A_83] : memref<125x80xi32, #tpu.memory_space<vmem>> -> memref<1x80xi32, #tpu.memory_space<vmem>>
          %dma_start3A_85 = tpu.memref_squeeze %dma_start3A_84 : memref<1x80xi32, #tpu.memory_space<vmem>> -> memref<80xi32, #tpu.memory_space<vmem>>
          %dma_start3A_86 = arith.constant 0 : i32
          %dma_start3A_87 = arith.constant 0 : i32
          %dma_start3A_88 = tpu.memref_slice %arg12[%dma_start3A_86, %dma_start3A_87] : memref<10000x128xf32, #tpu.memory_space<vmem_shared>> -> memref<10000x128xf32, #tpu.memory_space<vmem_shared>>
          tpu.enqueue_indirect_dma source(%arg9 : memref<80x128xf32, #tpu.memory_space<vmem>>) target(%dma_start3A_88 : memref<10000x128xf32, #tpu.memory_space<vmem_shared>>) offsets(%dma_start3A_85 : memref<80xi32, #tpu.memory_space<vmem>>) semaphore(%run_scoped3A : memref<!tpu.dma_semaphore, #tpu.memory_space<semaphore_mem>>) {add = true}
          %dma_wait3A_89 = arith.constant 0 : i32
          %dma_wait3A_90 = tpu.memref_slice %arg8[%add3A_47, %dma_wait3A_89] : memref<125x80xi32, #tpu.memory_space<vmem>> -> memref<1x80xi32, #tpu.memory_space<vmem>>
          %dma_wait3A_91 = tpu.memref_squeeze %dma_wait3A_90 : memref<1x80xi32, #tpu.memory_space<vmem>> -> memref<80xi32, #tpu.memory_space<vmem>>
          %dma_wait3A_92 = arith.constant 0 : i32
          %dma_wait3A_93 = arith.constant 0 : i32
          %dma_wait3A_94 = tpu.memref_slice %arg12[%dma_wait3A_92, %dma_wait3A_93] : memref<10000x128xf32, #tpu.memory_space<vmem_shared>> -> memref<10000x128xf32, #tpu.memory_space<vmem_shared>>
          tpu.wait_indirect_dma semaphore(%run_scoped3A : memref<!tpu.dma_semaphore, #tpu.memory_space<semaphore_mem>>) src(%arg9 : memref<80x128xf32, #tpu.memory_space<vmem>>) dst(%dma_wait3A_94 : memref<10000x128xf32, #tpu.memory_space<vmem_shared>>)
          tpu.yield
        }) : () -> ()
        %add3A_76 = arith.constant 3 : i32
        %add3A_77 = arith.addi %add3A_47, %add3A_76 : i32
        %lt3A_78 = arith.constant 125 : i32
        %lt3A_79 = arith.cmpi slt, %add3A_77, %lt3A_78 : i32
        %convert_element_type3A_80 = arith.extui %lt3A_79 : i1 to i32
        %cond3A_81 = arith.constant 0 : i32
        %cond3A_82 = arith.cmpi ne, %convert_element_type3A_80, %cond3A_81 : i32
        scf.if %cond3A_82 {
          %add3A_83 = arith.constant 3 : i32
          %add3A_84 = arith.addi %add3A_47, %add3A_83 : i32
          %dma_start3A_85 = arith.constant 0 : i32
          %dma_start3A_86 = tpu.memref_slice %arg7[%add3A_84, %dma_start3A_85] : memref<125x80xi32, #tpu.memory_space<vmem>> -> memref<1x80xi32, #tpu.memory_space<vmem>>
          %dma_start3A_87 = tpu.memref_squeeze %dma_start3A_86 : memref<1x80xi32, #tpu.memory_space<vmem>> -> memref<80xi32, #tpu.memory_space<vmem>>
          %dma_start3A_88 = arith.constant 0 : i32
          %dma_start3A_89 = arith.constant 0 : i32
          %dma_start3A_90 = tpu.memref_slice %arg2[%dma_start3A_88, %dma_start3A_89] : memref<10000x128xf32, #tpu.memory_space<hbm>> -> memref<10000x128xf32, #tpu.memory_space<hbm>>
          tpu.enqueue_indirect_dma source(%dma_start3A_90 : memref<10000x128xf32, #tpu.memory_space<hbm>>) target(%arg9 : memref<80x128xf32, #tpu.memory_space<vmem>>) offsets(%dma_start3A_87 : memref<80xi32, #tpu.memory_space<vmem>>) semaphore(%arg13 : memref<!tpu.dma_semaphore, #tpu.memory_space<semaphore_mem>>)
        } else {
        }
      } else {
      }
      %mul3A_53 = arith.constant 3 : i32
      %mul3A_54 = arith.muli %scan3A_43, %mul3A_53 : i32
      %add3A_55 = arith.constant 1 : i32
      %add3A_56 = arith.addi %mul3A_54, %add3A_55 : i32
      %lt3A_57 = arith.constant 125 : i32
      %lt3A_58 = arith.cmpi slt, %add3A_56, %lt3A_57 : i32
      %convert_element_type3A_59 = arith.extui %lt3A_58 : i1 to i32
      %cond3A_60 = arith.constant 0 : i32
      %cond3A_61 = arith.cmpi ne, %convert_element_type3A_59, %cond3A_60 : i32
      scf.if %cond3A_61 {
        %dma_wait3A = arith.constant 0 : i32
        %dma_wait3A_71 = tpu.memref_slice %arg7[%add3A_56, %dma_wait3A] : memref<125x80xi32, #tpu.memory_space<vmem>> -> memref<1x80xi32, #tpu.memory_space<vmem>>
        %dma_wait3A_72 = tpu.memref_squeeze %dma_wait3A_71 : memref<1x80xi32, #tpu.memory_space<vmem>> -> memref<80xi32, #tpu.memory_space<vmem>>
        %dma_wait3A_73 = arith.constant 0 : i32
        %dma_wait3A_74 = arith.constant 0 : i32
        %dma_wait3A_75 = tpu.memref_slice %arg2[%dma_wait3A_73, %dma_wait3A_74] : memref<10000x128xf32, #tpu.memory_space<hbm>> -> memref<10000x128xf32, #tpu.memory_space<hbm>>
        tpu.wait_indirect_dma semaphore(%arg14 : memref<!tpu.dma_semaphore, #tpu.memory_space<semaphore_mem>>) src(%dma_wait3A_75 : memref<10000x128xf32, #tpu.memory_space<hbm>>) dst(%arg10 : memref<80x128xf32, #tpu.memory_space<vmem>>)
        "tpu.region"() ({
          %run_scoped3A = tpu.sem_alloc : memref<!tpu.dma_semaphore, #tpu.memory_space<semaphore_mem>>
          %dma_start3A_83 = arith.constant 0 : i32
          %dma_start3A_84 = tpu.memref_slice %arg8[%add3A_56, %dma_start3A_83] : memref<125x80xi32, #tpu.memory_space<vmem>> -> memref<1x80xi32, #tpu.memory_space<vmem>>
          %dma_start3A_85 = tpu.memref_squeeze %dma_start3A_84 : memref<1x80xi32, #tpu.memory_space<vmem>> -> memref<80xi32, #tpu.memory_space<vmem>>
          %dma_start3A_86 = arith.constant 0 : i32
          %dma_start3A_87 = arith.constant 0 : i32
          %dma_start3A_88 = tpu.memref_slice %arg12[%dma_start3A_86, %dma_start3A_87] : memref<10000x128xf32, #tpu.memory_space<vmem_shared>> -> memref<10000x128xf32, #tpu.memory_space<vmem_shared>>
          tpu.enqueue_indirect_dma source(%arg10 : memref<80x128xf32, #tpu.memory_space<vmem>>) target(%dma_start3A_88 : memref<10000x128xf32, #tpu.memory_space<vmem_shared>>) offsets(%dma_start3A_85 : memref<80xi32, #tpu.memory_space<vmem>>) semaphore(%run_scoped3A : memref<!tpu.dma_semaphore, #tpu.memory_space<semaphore_mem>>) {add = true}
          %dma_wait3A_89 = arith.constant 0 : i32
          %dma_wait3A_90 = tpu.memref_slice %arg8[%add3A_56, %dma_wait3A_89] : memref<125x80xi32, #tpu.memory_space<vmem>> -> memref<1x80xi32, #tpu.memory_space<vmem>>
          %dma_wait3A_91 = tpu.memref_squeeze %dma_wait3A_90 : memref<1x80xi32, #tpu.memory_space<vmem>> -> memref<80xi32, #tpu.memory_space<vmem>>
          %dma_wait3A_92 = arith.constant 0 : i32
          %dma_wait3A_93 = arith.constant 0 : i32
          %dma_wait3A_94 = tpu.memref_slice %arg12[%dma_wait3A_92, %dma_wait3A_93] : memref<10000x128xf32, #tpu.memory_space<vmem_shared>> -> memref<10000x128xf32, #tpu.memory_space<vmem_shared>>
          tpu.wait_indirect_dma semaphore(%run_scoped3A : memref<!tpu.dma_semaphore, #tpu.memory_space<semaphore_mem>>) src(%arg10 : memref<80x128xf32, #tpu.memory_space<vmem>>) dst(%dma_wait3A_94 : memref<10000x128xf32, #tpu.memory_space<vmem_shared>>)
          tpu.yield
        }) : () -> ()
        %add3A_76 = arith.constant 3 : i32
        %add3A_77 = arith.addi %add3A_56, %add3A_76 : i32
        %lt3A_78 = arith.constant 125 : i32
        %lt3A_79 = arith.cmpi slt, %add3A_77, %lt3A_78 : i32
        %convert_element_type3A_80 = arith.extui %lt3A_79 : i1 to i32
        %cond3A_81 = arith.constant 0 : i32
        %cond3A_82 = arith.cmpi ne, %convert_element_type3A_80, %cond3A_81 : i32
        scf.if %cond3A_82 {
          %add3A_83 = arith.constant 3 : i32
          %add3A_84 = arith.addi %add3A_56, %add3A_83 : i32
          %dma_start3A_85 = arith.constant 0 : i32
          %dma_start3A_86 = tpu.memref_slice %arg7[%add3A_84, %dma_start3A_85] : memref<125x80xi32, #tpu.memory_space<vmem>> -> memref<1x80xi32, #tpu.memory_space<vmem>>
          %dma_start3A_87 = tpu.memref_squeeze %dma_start3A_86 : memref<1x80xi32, #tpu.memory_space<vmem>> -> memref<80xi32, #tpu.memory_space<vmem>>
          %dma_start3A_88 = arith.constant 0 : i32
          %dma_start3A_89 = arith.constant 0 : i32
          %dma_start3A_90 = tpu.memref_slice %arg2[%dma_start3A_88, %dma_start3A_89] : memref<10000x128xf32, #tpu.memory_space<hbm>> -> memref<10000x128xf32, #tpu.memory_space<hbm>>
          tpu.enqueue_indirect_dma source(%dma_start3A_90 : memref<10000x128xf32, #tpu.memory_space<hbm>>) target(%arg10 : memref<80x128xf32, #tpu.memory_space<vmem>>) offsets(%dma_start3A_87 : memref<80xi32, #tpu.memory_space<vmem>>) semaphore(%arg14 : memref<!tpu.dma_semaphore, #tpu.memory_space<semaphore_mem>>)
        } else {
        }
      } else {
      }
      %mul3A_62 = arith.constant 3 : i32
      %mul3A_63 = arith.muli %scan3A_43, %mul3A_62 : i32
      %add3A_64 = arith.constant 2 : i32
      %add3A_65 = arith.addi %mul3A_63, %add3A_64 : i32
      %lt3A_66 = arith.constant 125 : i32
      %lt3A_67 = arith.cmpi slt, %add3A_65, %lt3A_66 : i32
      %convert_element_type3A_68 = arith.extui %lt3A_67 : i1 to i32
      %cond3A_69 = arith.constant 0 : i32
      %cond3A_70 = arith.cmpi ne, %convert_element_type3A_68, %cond3A_69 : i32
      scf.if %cond3A_70 {
        %dma_wait3A = arith.constant 0 : i32
        %dma_wait3A_71 = tpu.memref_slice %arg7[%add3A_65, %dma_wait3A] : memref<125x80xi32, #tpu.memory_space<vmem>> -> memref<1x80xi32, #tpu.memory_space<vmem>>
        %dma_wait3A_72 = tpu.memref_squeeze %dma_wait3A_71 : memref<1x80xi32, #tpu.memory_space<vmem>> -> memref<80xi32, #tpu.memory_space<vmem>>
        %dma_wait3A_73 = arith.constant 0 : i32
        %dma_wait3A_74 = arith.constant 0 : i32
        %dma_wait3A_75 = tpu.memref_slice %arg2[%dma_wait3A_73, %dma_wait3A_74] : memref<10000x128xf32, #tpu.memory_space<hbm>> -> memref<10000x128xf32, #tpu.memory_space<hbm>>
        tpu.wait_indirect_dma semaphore(%arg15 : memref<!tpu.dma_semaphore, #tpu.memory_space<semaphore_mem>>) src(%dma_wait3A_75 : memref<10000x128xf32, #tpu.memory_space<hbm>>) dst(%arg11 : memref<80x128xf32, #tpu.memory_space<vmem>>)
        "tpu.region"() ({
          %run_scoped3A = tpu.sem_alloc : memref<!tpu.dma_semaphore, #tpu.memory_space<semaphore_mem>>
          %dma_start3A_83 = arith.constant 0 : i32
          %dma_start3A_84 = tpu.memref_slice %arg8[%add3A_65, %dma_start3A_83] : memref<125x80xi32, #tpu.memory_space<vmem>> -> memref<1x80xi32, #tpu.memory_space<vmem>>
          %dma_start3A_85 = tpu.memref_squeeze %dma_start3A_84 : memref<1x80xi32, #tpu.memory_space<vmem>> -> memref<80xi32, #tpu.memory_space<vmem>>
          %dma_start3A_86 = arith.constant 0 : i32
          %dma_start3A_87 = arith.constant 0 : i32
          %dma_start3A_88 = tpu.memref_slice %arg12[%dma_start3A_86, %dma_start3A_87] : memref<10000x128xf32, #tpu.memory_space<vmem_shared>> -> memref<10000x128xf32, #tpu.memory_space<vmem_shared>>
          tpu.enqueue_indirect_dma source(%arg11 : memref<80x128xf32, #tpu.memory_space<vmem>>) target(%dma_start3A_88 : memref<10000x128xf32, #tpu.memory_space<vmem_shared>>) offsets(%dma_start3A_85 : memref<80xi32, #tpu.memory_space<vmem>>) semaphore(%run_scoped3A : memref<!tpu.dma_semaphore, #tpu.memory_space<semaphore_mem>>) {add = true}
          %dma_wait3A_89 = arith.constant 0 : i32
          %dma_wait3A_90 = tpu.memref_slice %arg8[%add3A_65, %dma_wait3A_89] : memref<125x80xi32, #tpu.memory_space<vmem>> -> memref<1x80xi32, #tpu.memory_space<vmem>>
          %dma_wait3A_91 = tpu.memref_squeeze %dma_wait3A_90 : memref<1x80xi32, #tpu.memory_space<vmem>> -> memref<80xi32, #tpu.memory_space<vmem>>
          %dma_wait3A_92 = arith.constant 0 : i32
          %dma_wait3A_93 = arith.constant 0 : i32
          %dma_wait3A_94 = tpu.memref_slice %arg12[%dma_wait3A_92, %dma_wait3A_93] : memref<10000x128xf32, #tpu.memory_space<vmem_shared>> -> memref<10000x128xf32, #tpu.memory_space<vmem_shared>>
          tpu.wait_indirect_dma semaphore(%run_scoped3A : memref<!tpu.dma_semaphore, #tpu.memory_space<semaphore_mem>>) src(%arg11 : memref<80x128xf32, #tpu.memory_space<vmem>>) dst(%dma_wait3A_94 : memref<10000x128xf32, #tpu.memory_space<vmem_shared>>)
          tpu.yield
        }) : () -> ()
        %add3A_76 = arith.constant 3 : i32
        %add3A_77 = arith.addi %add3A_65, %add3A_76 : i32
        %lt3A_78 = arith.constant 125 : i32
        %lt3A_79 = arith.cmpi slt, %add3A_77, %lt3A_78 : i32
        %convert_element_type3A_80 = arith.extui %lt3A_79 : i1 to i32
        %cond3A_81 = arith.constant 0 : i32
        %cond3A_82 = arith.cmpi ne, %convert_element_type3A_80, %cond3A_81 : i32
        scf.if %cond3A_82 {
          %add3A_83 = arith.constant 3 : i32
          %add3A_84 = arith.addi %add3A_65, %add3A_83 : i32
          %dma_start3A_85 = arith.constant 0 : i32
          %dma_start3A_86 = tpu.memref_slice %arg7[%add3A_84, %dma_start3A_85] : memref<125x80xi32, #tpu.memory_space<vmem>> -> memref<1x80xi32, #tpu.memory_space<vmem>>
          %dma_start3A_87 = tpu.memref_squeeze %dma_start3A_86 : memref<1x80xi32, #tpu.memory_space<vmem>> -> memref<80xi32, #tpu.memory_space<vmem>>
          %dma_start3A_88 = arith.constant 0 : i32
          %dma_start3A_89 = arith.constant 0 : i32
          %dma_start3A_90 = tpu.memref_slice %arg2[%dma_start3A_88, %dma_start3A_89] : memref<10000x128xf32, #tpu.memory_space<hbm>> -> memref<10000x128xf32, #tpu.memory_space<hbm>>
          tpu.enqueue_indirect_dma source(%dma_start3A_90 : memref<10000x128xf32, #tpu.memory_space<hbm>>) target(%arg11 : memref<80x128xf32, #tpu.memory_space<vmem>>) offsets(%dma_start3A_87 : memref<80xi32, #tpu.memory_space<vmem>>) semaphore(%arg15 : memref<!tpu.dma_semaphore, #tpu.memory_space<semaphore_mem>>)
        } else {
        }
      } else {
      }
    }
    %scan3A_31 = arith.constant 42 : i32
    %barrier3A_32 = arith.constant 0 : index
    tpu.barrier barrier_id(%barrier3A_32)
    %lt3A_33 = arith.constant 15 : i32
    %lt3A_34 = arith.cmpi slt, %arg1, %lt3A_33 : i32
    %convert_element_type3A_35 = arith.extui %lt3A_34 : i1 to i32
    %cond3A_36 = arith.constant 0 : i32
    %cond3A_37 = arith.cmpi ne, %convert_element_type3A_35, %cond3A_36 : i32
    scf.if %cond3A_37 {
      %mul3A_43 = arith.constant 624 : i32
      %mul3A_44 = arith.muli %arg1, %mul3A_43 : i32
      %mul3A_45 = arith.constant 624 : i32
      %mul3A_46 = arith.muli %arg1, %mul3A_45 : i32
      "tpu.region"() ({
        %run_scoped3A = tpu.sem_alloc : memref<!tpu.dma_semaphore, #tpu.memory_space<semaphore_mem>>
        %dma_start3A_47 = arith.constant 0 : i32
        %dma_start3A_48 = tpu.memref_slice %arg6[%arg0, %mul3A_46, %dma_start3A_47] : memref<2x10000x128xf32, #tpu.memory_space<hbm>> -> memref<1x624x128xf32, #tpu.memory_space<hbm>>
        %dma_start3A_49 = tpu.memref_squeeze %dma_start3A_48 : memref<1x624x128xf32, #tpu.memory_space<hbm>> -> memref<624x128xf32, #tpu.memory_space<hbm>>
        %dma_start3A_50 = arith.constant 0 : i32
        %dma_start3A_51 = tpu.memref_slice %arg12[%mul3A_44, %dma_start3A_50] : memref<10000x128xf32, #tpu.memory_space<vmem_shared>> -> memref<624x128xf32, #tpu.memory_space<vmem_shared>>
        tpu.enqueue_dma source(%dma_start3A_51 : memref<624x128xf32, #tpu.memory_space<vmem_shared>>) target(%dma_start3A_49 : memref<624x128xf32, #tpu.memory_space<hbm>>) target_semaphore(%run_scoped3A : memref<!tpu.dma_semaphore, #tpu.memory_space<semaphore_mem>>)
        %dma_wait3A = arith.constant 0 : i32
        %dma_wait3A_52 = tpu.memref_slice %arg6[%arg0, %mul3A_46, %dma_wait3A] : memref<2x10000x128xf32, #tpu.memory_space<hbm>> -> memref<1x624x128xf32, #tpu.memory_space<hbm>>
        %dma_wait3A_53 = tpu.memref_squeeze %dma_wait3A_52 : memref<1x624x128xf32, #tpu.memory_space<hbm>> -> memref<624x128xf32, #tpu.memory_space<hbm>>
        %dma_wait3A_54 = arith.constant 0 : i32
        %dma_wait3A_55 = tpu.memref_slice %arg12[%mul3A_44, %dma_wait3A_54] : memref<10000x128xf32, #tpu.memory_space<vmem_shared>> -> memref<624x128xf32, #tpu.memory_space<vmem_shared>>
        tpu.wait_dma2 semaphore(%run_scoped3A : memref<!tpu.dma_semaphore, #tpu.memory_space<semaphore_mem>>) src(%dma_wait3A_55 : memref<624x128xf32, #tpu.memory_space<vmem_shared>>) dst(%dma_wait3A_53 : memref<624x128xf32, #tpu.memory_space<hbm>>)
        tpu.yield
      }) : () -> ()
    } else {
    }
    %eq3A_38 = arith.constant 15 : i32
    %eq3A_39 = arith.cmpi eq, %arg1, %eq3A_38 : i32
    %convert_element_type3A_40 = arith.extui %eq3A_39 : i1 to i32
    %cond3A_41 = arith.constant 0 : i32
    %cond3A_42 = arith.cmpi ne, %convert_element_type3A_40, %cond3A_41 : i32
    scf.if %cond3A_42 {
      "tpu.region"() ({
        %run_scoped3A = tpu.sem_alloc : memref<!tpu.dma_semaphore, #tpu.memory_space<semaphore_mem>>
        %dma_start3A_43 = arith.constant 9360 : i32
        %dma_start3A_44 = arith.constant 0 : i32
        %dma_start3A_45 = tpu.memref_slice %arg6[%arg0, %dma_start3A_43, %dma_start3A_44] : memref<2x10000x128xf32, #tpu.memory_space<hbm>> -> memref<1x640x128xf32, #tpu.memory_space<hbm>>
        %dma_start3A_46 = tpu.memref_squeeze %dma_start3A_45 : memref<1x640x128xf32, #tpu.memory_space<hbm>> -> memref<640x128xf32, #tpu.memory_space<hbm>>
        %dma_start3A_47 = arith.constant 9360 : i32
        %dma_start3A_48 = arith.constant 0 : i32
        %dma_start3A_49 = tpu.memref_slice %arg12[%dma_start3A_47, %dma_start3A_48] : memref<10000x128xf32, #tpu.memory_space<vmem_shared>> -> memref<640x128xf32, #tpu.memory_space<vmem_shared>>
        tpu.enqueue_dma source(%dma_start3A_49 : memref<640x128xf32, #tpu.memory_space<vmem_shared>>) target(%dma_start3A_46 : memref<640x128xf32, #tpu.memory_space<hbm>>) target_semaphore(%run_scoped3A : memref<!tpu.dma_semaphore, #tpu.memory_space<semaphore_mem>>)
        %dma_wait3A = arith.constant 9360 : i32
        %dma_wait3A_50 = arith.constant 0 : i32
        %dma_wait3A_51 = tpu.memref_slice %arg6[%arg0, %dma_wait3A, %dma_wait3A_50] : memref<2x10000x128xf32, #tpu.memory_space<hbm>> -> memref<1x640x128xf32, #tpu.memory_space<hbm>>
        %dma_wait3A_52 = tpu.memref_squeeze %dma_wait3A_51 : memref<1x640x128xf32, #tpu.memory_space<hbm>> -> memref<640x128xf32, #tpu.memory_space<hbm>>
        %dma_wait3A_53 = arith.constant 9360 : i32
        %dma_wait3A_54 = arith.constant 0 : i32
        %dma_wait3A_55 = tpu.memref_slice %arg12[%dma_wait3A_53, %dma_wait3A_54] : memref<10000x128xf32, #tpu.memory_space<vmem_shared>> -> memref<640x128xf32, #tpu.memory_space<vmem_shared>>
        tpu.wait_dma2 semaphore(%run_scoped3A : memref<!tpu.dma_semaphore, #tpu.memory_space<semaphore_mem>>) src(%dma_wait3A_55 : memref<640x128xf32, #tpu.memory_space<vmem_shared>>) dst(%dma_wait3A_52 : memref<640x128xf32, #tpu.memory_space<hbm>>)
        tpu.yield
      }) : () -> ()
    } else {
    }
    return
  }
}

module attributes {stable_mosaic.version = 14 : i64} {
  func.func @_tc0_body(%arg0: i32, %arg1: memref<2x2000x16xf32, #tpu.memory_space<vmem>>, %arg2: memref<2000x128xf32, #tpu.memory_space<vmem>>, %arg3: memref<128x128xf32, #tpu.memory_space<vmem>>, %arg4: memref<2000x128xf32, #tpu.memory_space<vmem>>, %arg5: memref<2000x128xf32, #tpu.memory_space<vmem>>) attributes {dimension_semantics = [#tpu.dimension_semantics<arbitrary>], iteration_bounds = array<i64: 5>, scalar_prefetch = 0 : i64, scratch_operands = 0 : i64, tpu.core_type = #tpu.core_type<tc>, window_params = [{transform_indices = @transform_0, window_bounds = array<i64: 2, 2000, 16>}, {transform_indices = @transform_1, window_bounds = array<i64: 2000, 128>}, {pipeline_mode = #tpu.pipeline_mode<synchronous>, transform_indices = @transform_2, window_bounds = array<i64: 128, 128>}, {transform_indices = @transform_3, window_bounds = array<i64: 2000, 128>}, {transform_indices = @transform_4, window_bounds = array<i64: 2000, 128>}]} {
    %get3A = arith.constant 0 : index
    %get3A_0 = arith.constant 0 : index
    %get3A_1 = arith.constant 0 : index
    %get3A_2 = vector.load %arg1[%get3A, %get3A_0, %get3A_1] : memref<2x2000x16xf32, #tpu.memory_space<vmem>>, vector<2x2000x16xf32>
    %slice3A = vector.extract_strided_slice %get3A_2 {offsets = [0, 0, 0], sizes = [1, 2000, 1], strides = [1, 1, 1]} : vector<2x2000x16xf32> to vector<1x2000x1xf32>
    %squeeze3A = vector.shape_cast %slice3A : vector<1x2000x1xf32> to vector<2000x1xf32>
    %slice3A_3 = vector.extract_strided_slice %get3A_2 {offsets = [1, 0, 0], sizes = [1, 2000, 1], strides = [1, 1, 1]} : vector<2x2000x16xf32> to vector<1x2000x1xf32>
    %squeeze3A_4 = vector.shape_cast %slice3A_3 : vector<1x2000x1xf32> to vector<2000x1xf32>
    %add3A = arith.addf %squeeze3A, %squeeze3A_4 : vector<2000x1xf32>
    %add3A_5 = arith.constant 1.000000e+00 : f32
    %add3A_6 = vector.broadcast %add3A_5 : f32 to vector<2000x1xf32>
    %add3A_7 = arith.addf %add3A, %add3A_6 : vector<2000x1xf32>
    %rsqrt3A = math.rsqrt %add3A_7 : vector<2000x1xf32>
    %broadcast_in_dim3A = vector.shape_cast %rsqrt3A : vector<2000x1xf32> to vector<2000x1xf32>
    %broadcast_in_dim3A_8 = vector.broadcast %broadcast_in_dim3A : vector<2000x1xf32> to vector<2000x128xf32>
    %swap3A = arith.constant 0 : index
    %swap3A_9 = arith.constant 0 : index
    %swap3A_10 = vector.load %arg5[%swap3A, %swap3A_9] : memref<2000x128xf32, #tpu.memory_space<vmem>>, vector<2000x128xf32>
    tpu.vector_store %arg5[%swap3A, %swap3A_9], %broadcast_in_dim3A_8 {strides = array<i32>} : memref<2000x128xf32, #tpu.memory_space<vmem>>, vector<2000x128xf32>,
    %get3A_11 = arith.constant 0 : index
    %get3A_12 = arith.constant 0 : index
    %get3A_13 = vector.load %arg2[%get3A_11, %get3A_12] : memref<2000x128xf32, #tpu.memory_space<vmem>>, vector<2000x128xf32>
    %get3A_14 = arith.constant 0 : index
    %get3A_15 = arith.constant 0 : index
    %get3A_16 = vector.load %arg3[%get3A_14, %get3A_15] : memref<128x128xf32, #tpu.memory_space<vmem>>, vector<128x128xf32>
    %dot_general3A = arith.constant dense<0.000000e+00> : vector<2000x128xf32>
    %dot_general3A_17 = tpu.matmul %get3A_13, %get3A_16, %dot_general3A {dimension_numbers = #tpu.dot_dimension_numbers<[1], [0], [0], [1], [0, 0, 1, 1], [], []>, transpose_lhs_hint = false} : vector<2000x128xf32>, vector<128x128xf32>, vector<2000x128xf32> -> vector<2000x128xf32>
    %mul3A = arith.mulf %broadcast_in_dim3A_8, %dot_general3A_17 : vector<2000x128xf32>
    %swap3A_18 = arith.constant 0 : index
    %swap3A_19 = arith.constant 0 : index
    %swap3A_20 = vector.load %arg4[%swap3A_18, %swap3A_19] : memref<2000x128xf32, #tpu.memory_space<vmem>>, vector<2000x128xf32>
    tpu.vector_store %arg4[%swap3A_18, %swap3A_19], %mul3A {strides = array<i32>} : memref<2000x128xf32, #tpu.memory_space<vmem>>, vector<2000x128xf32>,
    return
  }
  func.func @transform_0(%arg0: i32) -> (i32, i32, i32) {
    %c0_i32 = arith.constant 0 : i32
    %c0_i32_0 = arith.constant 0 : i32
    %c0_i32_1 = arith.constant 0 : i32
    return %c0_i32, %arg0, %c0_i32_0 : i32, i32, i32
  }
  func.func @transform_1(%arg0: i32) -> (i32, i32) {
    %c0_i32 = arith.constant 0 : i32
    %c0_i32_0 = arith.constant 0 : i32
    return %arg0, %c0_i32 : i32, i32
  }
  func.func @transform_2(%arg0: i32) -> (i32, i32) {
    %c0_i32 = arith.constant 0 : i32
    %c0_i32_0 = arith.constant 0 : i32
    %c0_i32_1 = arith.constant 0 : i32
    return %c0_i32, %c0_i32_0 : i32, i32
  }
  func.func @transform_3(%arg0: i32) -> (i32, i32) {
    %c0_i32 = arith.constant 0 : i32
    %c0_i32_0 = arith.constant 0 : i32
    return %arg0, %c0_i32 : i32, i32
  }
  func.func @transform_4(%arg0: i32) -> (i32, i32) {
    %c0_i32 = arith.constant 0 : i32
    %c0_i32_0 = arith.constant 0 : i32
    return %arg0, %c0_i32 : i32, i32
  }
}

module attributes {stable_mosaic.version = 14 : i64} {
  func.func @_tcab_body(%arg0: i32, %arg1: memref<2000x128xf32, #tpu.memory_space<vmem>>, %arg2: memref<2000x128xf32, #tpu.memory_space<vmem>>, %arg3: memref<2000x128xf32, #tpu.memory_space<vmem>>, %arg4: memref<2000x128xf32, #tpu.memory_space<vmem>>, %arg5: memref<1x128xf32, #tpu.memory_space<vmem>>, %arg6: memref<1x128xf32, #tpu.memory_space<vmem>>, %arg7: memref<1x128xf32, #tpu.memory_space<vmem>>, %arg8: memref<128x128xf32, #tpu.memory_space<vmem>>, %arg9: memref<2000x128xf32, #tpu.memory_space<vmem>>, %arg10: memref<10000x128xf32, #tpu.memory_space<vmem>>, %arg11: memref<2x128xf32, #tpu.memory_space<vmem>>) attributes {dimension_semantics = [#tpu.dimension_semantics<arbitrary>], iteration_bounds = array<i64: 10>, scalar_prefetch = 0 : i64, scratch_operands = 2 : i64, tpu.core_type = #tpu.core_type<tc>, window_params = [{transform_indices = @transform_0, window_bounds = array<i64: 2000, 128>}, {transform_indices = @transform_1, window_bounds = array<i64: 2000, 128>}, {transform_indices = @transform_2, window_bounds = array<i64: 2000, 128>}, {transform_indices = @transform_3, window_bounds = array<i64: 2000, 128>}, {pipeline_mode = #tpu.pipeline_mode<synchronous>, transform_indices = @transform_4, window_bounds = array<i64: 1, 128>}, {pipeline_mode = #tpu.pipeline_mode<synchronous>, transform_indices = @transform_5, window_bounds = array<i64: 1, 128>}, {pipeline_mode = #tpu.pipeline_mode<synchronous>, transform_indices = @transform_6, window_bounds = array<i64: 1, 128>}, {pipeline_mode = #tpu.pipeline_mode<synchronous>, transform_indices = @transform_7, window_bounds = array<i64: 128, 128>}, {transform_indices = @transform_8, window_bounds = array<i64: 2000, 128>}]} {
    %lt3A = arith.constant 5 : i32
    %lt3A_0 = arith.cmpi slt, %arg0, %lt3A : i32
    %convert_element_type3A = arith.extui %lt3A_0 : i1 to i32
    %cond3A = arith.constant 0 : i32
    %cond3A_1 = arith.cmpi ne, %convert_element_type3A, %cond3A : i32
    scf.if %cond3A_1 {
      %get3A = arith.constant 0 : index
      %get3A_6 = arith.constant 0 : index
      %get3A_7 = vector.load %arg4[%get3A, %get3A_6] : memref<2000x128xf32, #tpu.memory_space<vmem>>, vector<2000x128xf32>
      %get3A_8 = arith.constant 0 : index
      %get3A_9 = arith.constant 0 : index
      %get3A_10 = vector.load %arg1[%get3A_8, %get3A_9] : memref<2000x128xf32, #tpu.memory_space<vmem>>, vector<2000x128xf32>
      %get3A_11 = arith.constant 0 : index
      %get3A_12 = arith.constant 0 : index
      %get3A_13 = vector.load %arg2[%get3A_11, %get3A_12] : memref<2000x128xf32, #tpu.memory_space<vmem>>, vector<2000x128xf32>
      %add3A = arith.addf %get3A_10, %get3A_13 : vector<2000x128xf32>
      %get3A_14 = arith.constant 0 : index
      %get3A_15 = arith.constant 0 : index
      %get3A_16 = vector.load %arg3[%get3A_14, %get3A_15] : memref<2000x128xf32, #tpu.memory_space<vmem>>, vector<2000x128xf32>
      %add3A_17 = arith.addf %add3A, %get3A_16 : vector<2000x128xf32>
      %mul3A = arith.mulf %get3A_7, %add3A_17 : vector<2000x128xf32>
      %get3A_18 = arith.constant 0 : index
      %get3A_19 = arith.constant 0 : index
      %get3A_20 = vector.load %arg5[%get3A_18, %get3A_19] : memref<1x128xf32, #tpu.memory_space<vmem>>, vector<1x128xf32>
      %add3A_21 = vector.broadcast %get3A_20 : vector<1x128xf32> to vector<2000x128xf32>
      %add3A_22 = arith.addf %mul3A, %add3A_21 : vector<2000x128xf32>
      %mul3A_23 = arith.constant 2000 : i32
      %mul3A_24 = arith.muli %arg0, %mul3A_23 : i32
      %swap3A = arith.index_cast %mul3A_24 : i32 to index
      %swap3A_25 = arith.constant 0 : index
      %swap3A_26 = vector.load %arg10[%swap3A, %swap3A_25] : memref<10000x128xf32, #tpu.memory_space<vmem>>, vector<2000x128xf32>
      tpu.vector_store %arg10[%swap3A, %swap3A_25], %add3A_22 {strides = array<i32>} : memref<10000x128xf32, #tpu.memory_space<vmem>>, vector<2000x128xf32>,
      %reduce_sum3A = arith.constant dense<0.000000e+00> : vector<128xf32>
      %reduce_sum3A_27 = vector.multi_reduction <add>, %add3A_22, %reduce_sum3A [0] : vector<2000x128xf32> to vector<128xf32>
      %broadcast_in_dim3A = vector.shape_cast %reduce_sum3A_27 : vector<128xf32> to vector<1x128xf32>
      %mul3A_28 = arith.mulf %add3A_22, %add3A_22 : vector<2000x128xf32>
      %reduce_sum3A_29 = arith.constant dense<0.000000e+00> : vector<128xf32>
      %reduce_sum3A_30 = vector.multi_reduction <add>, %mul3A_28, %reduce_sum3A_29 [0] : vector<2000x128xf32> to vector<128xf32>
      %broadcast_in_dim3A_31 = vector.shape_cast %reduce_sum3A_30 : vector<128xf32> to vector<1x128xf32>
      %concatenate3A = tpu.concatenate %broadcast_in_dim3A, %broadcast_in_dim3A_31 in 0 : vector<1x128xf32>, vector<1x128xf32> -> vector<2x128xf32>
      %eq3A = arith.constant 0 : i32
      %eq3A_32 = arith.cmpi eq, %arg0, %eq3A : i32
      %convert_element_type3A_33 = arith.extui %eq3A_32 : i1 to i32
      %cond3A_34 = arith.constant 0 : i32
      %cond3A_35 = arith.cmpi ne, %convert_element_type3A_33, %cond3A_34 : i32
      scf.if %cond3A_35 {
        %swap3A_40 = arith.constant 0 : index
        %swap3A_41 = arith.constant 0 : index
        %swap3A_42 = vector.load %arg11[%swap3A_40, %swap3A_41] : memref<2x128xf32, #tpu.memory_space<vmem>>, vector<2x128xf32>
        tpu.vector_store %arg11[%swap3A_40, %swap3A_41], %concatenate3A {strides = array<i32>} : memref<2x128xf32, #tpu.memory_space<vmem>>, vector<2x128xf32>,
      } else {
      }
      %gt3A = arith.constant 0 : i32
      %gt3A_36 = arith.cmpi sgt, %arg0, %gt3A : i32
      %convert_element_type3A_37 = arith.extui %gt3A_36 : i1 to i32
      %cond3A_38 = arith.constant 0 : i32
      %cond3A_39 = arith.cmpi ne, %convert_element_type3A_37, %cond3A_38 : i32
      scf.if %cond3A_39 {
        %get3A_40 = arith.constant 0 : index
        %get3A_41 = arith.constant 0 : index
        %get3A_42 = vector.load %arg11[%get3A_40, %get3A_41] : memref<2x128xf32, #tpu.memory_space<vmem>>, vector<2x128xf32>
        %add3A_43 = arith.addf %get3A_42, %concatenate3A : vector<2x128xf32>
        %swap3A_44 = arith.constant 0 : index
        %swap3A_45 = arith.constant 0 : index
        %swap3A_46 = vector.load %arg11[%swap3A_44, %swap3A_45] : memref<2x128xf32, #tpu.memory_space<vmem>>, vector<2x128xf32>
        tpu.vector_store %arg11[%swap3A_44, %swap3A_45], %add3A_43 {strides = array<i32>} : memref<2x128xf32, #tpu.memory_space<vmem>>, vector<2x128xf32>,
      } else {
      }
    } else {
    }
    %ge3A = arith.constant 5 : i32
    %ge3A_2 = arith.cmpi sge, %arg0, %ge3A : i32
    %convert_element_type3A_3 = arith.extui %ge3A_2 : i1 to i32
    %cond3A_4 = arith.constant 0 : i32
    %cond3A_5 = arith.cmpi ne, %convert_element_type3A_3, %cond3A_4 : i32
    scf.if %cond3A_5 {
      %get3A = arith.constant 0 : index
      %get3A_6 = arith.constant 0 : index
      %get3A_7 = vector.load %arg11[%get3A, %get3A_6] : memref<2x128xf32, #tpu.memory_space<vmem>>, vector<2x128xf32>
      %slice3A = vector.extract_strided_slice %get3A_7 {offsets = [0, 0], sizes = [1, 128], strides = [1, 1]} : vector<2x128xf32> to vector<1x128xf32>
      %div3A = arith.constant 1.000000e+04 : f32
      %div3A_8 = vector.broadcast %div3A : f32 to vector<1x128xf32>
      %div3A_9 = arith.divf %slice3A, %div3A_8 : vector<1x128xf32>
      %slice3A_10 = vector.extract_strided_slice %get3A_7 {offsets = [1, 0], sizes = [1, 128], strides = [1, 1]} : vector<2x128xf32> to vector<1x128xf32>
      %div3A_11 = arith.constant 1.000000e+04 : f32
      %div3A_12 = vector.broadcast %div3A_11 : f32 to vector<1x128xf32>
      %div3A_13 = arith.divf %slice3A_10, %div3A_12 : vector<1x128xf32>
      %mul3A = arith.mulf %div3A_9, %div3A_9 : vector<1x128xf32>
      %sub3A = arith.subf %div3A_13, %mul3A : vector<1x128xf32>
      %sub3A_14 = arith.constant 5 : i32
      %sub3A_15 = arith.subi %arg0, %sub3A_14 : i32
      %mul3A_16 = arith.constant 2000 : i32
      %mul3A_17 = arith.muli %sub3A_15, %mul3A_16 : i32
      %get3A_18 = arith.index_cast %mul3A_17 : i32 to index
      %get3A_19 = arith.constant 0 : index
      %get3A_20 = vector.load %arg10[%get3A_18, %get3A_19] : memref<10000x128xf32, #tpu.memory_space<vmem>>, vector<2000x128xf32>
      %sub3A_21 = vector.broadcast %div3A_9 : vector<1x128xf32> to vector<2000x128xf32>
      %sub3A_22 = arith.subf %get3A_20, %sub3A_21 : vector<2000x128xf32>
      %add3A = arith.constant 9.99999974E-6 : f32
      %add3A_23 = vector.broadcast %add3A : f32 to vector<1x128xf32>
      %add3A_24 = arith.addf %sub3A, %add3A_23 : vector<1x128xf32>
      %rsqrt3A = math.rsqrt %add3A_24 : vector<1x128xf32>
      %mul3A_25 = vector.broadcast %rsqrt3A : vector<1x128xf32> to vector<2000x128xf32>
      %mul3A_26 = arith.mulf %sub3A_22, %mul3A_25 : vector<2000x128xf32>
      %get3A_27 = arith.constant 0 : index
      %get3A_28 = arith.constant 0 : index
      %get3A_29 = vector.load %arg6[%get3A_27, %get3A_28] : memref<1x128xf32, #tpu.memory_space<vmem>>, vector<1x128xf32>
      %mul3A_30 = vector.broadcast %get3A_29 : vector<1x128xf32> to vector<2000x128xf32>
      %mul3A_31 = arith.mulf %mul3A_26, %mul3A_30 : vector<2000x128xf32>
      %get3A_32 = arith.constant 0 : index
      %get3A_33 = arith.constant 0 : index
      %get3A_34 = vector.load %arg7[%get3A_32, %get3A_33] : memref<1x128xf32, #tpu.memory_space<vmem>>, vector<1x128xf32>
      %add3A_35 = vector.broadcast %get3A_34 : vector<1x128xf32> to vector<2000x128xf32>
      %add3A_36 = arith.addf %mul3A_31, %add3A_35 : vector<2000x128xf32>
      %max3A = arith.constant 0.000000e+00 : f32
      %max3A_37 = vector.broadcast %max3A : f32 to vector<2000x128xf32>
      %max3A_38 = arith.maximumf %add3A_36, %max3A_37 : vector<2000x128xf32>
      %get3A_39 = arith.constant 0 : index
      %get3A_40 = arith.constant 0 : index
      %get3A_41 = vector.load %arg4[%get3A_39, %get3A_40] : memref<2000x128xf32, #tpu.memory_space<vmem>>, vector<2000x128xf32>
      %get3A_42 = arith.constant 0 : index
      %get3A_43 = arith.constant 0 : index
      %get3A_44 = vector.load %arg8[%get3A_42, %get3A_43] : memref<128x128xf32, #tpu.memory_space<vmem>>, vector<128x128xf32>
      %dot_general3A = arith.constant dense<0.000000e+00> : vector<2000x128xf32>
      %dot_general3A_45 = tpu.matmul %max3A_38, %get3A_44, %dot_general3A {dimension_numbers = #tpu.dot_dimension_numbers<[1], [0], [0], [1], [0, 0, 1, 1], [], []>, transpose_lhs_hint = false} : vector<2000x128xf32>, vector<128x128xf32>, vector<2000x128xf32> -> vector<2000x128xf32>
      %mul3A_46 = arith.mulf %get3A_41, %dot_general3A_45 : vector<2000x128xf32>
      %swap3A = arith.constant 0 : index
      %swap3A_47 = arith.constant 0 : index
      %swap3A_48 = vector.load %arg9[%swap3A, %swap3A_47] : memref<2000x128xf32, #tpu.memory_space<vmem>>, vector<2000x128xf32>
      tpu.vector_store %arg9[%swap3A, %swap3A_47], %mul3A_46 {strides = array<i32>} : memref<2000x128xf32, #tpu.memory_space<vmem>>, vector<2000x128xf32>,
    } else {
    }
    return
  }
  func.func @transform_0(%arg0: i32) -> (i32, i32) {
    %lt3A = arith.constant 5 : i32
    %lt3A_0 = arith.cmpi slt, %arg0, %lt3A : i32
    %jit3A = arith.constant 4 : i32
    %select_n3A = arith.select %lt3A_0, %arg0, %jit3A : i32
    %c0_i32 = arith.constant 0 : i32
    %c0_i32_1 = arith.constant 0 : i32
    return %select_n3A, %c0_i32 : i32, i32
  }
  func.func @transform_1(%arg0: i32) -> (i32, i32) {
    %lt3A = arith.constant 5 : i32
    %lt3A_0 = arith.cmpi slt, %arg0, %lt3A : i32
    %jit3A = arith.constant 4 : i32
    %select_n3A = arith.select %lt3A_0, %arg0, %jit3A : i32
    %c0_i32 = arith.constant 0 : i32
    %c0_i32_1 = arith.constant 0 : i32
    return %select_n3A, %c0_i32 : i32, i32
  }
  func.func @transform_2(%arg0: i32) -> (i32, i32) {
    %lt3A = arith.constant 5 : i32
    %lt3A_0 = arith.cmpi slt, %arg0, %lt3A : i32
    %jit3A = arith.constant 4 : i32
    %select_n3A = arith.select %lt3A_0, %arg0, %jit3A : i32
    %c0_i32 = arith.constant 0 : i32
    %c0_i32_1 = arith.constant 0 : i32
    return %select_n3A, %c0_i32 : i32, i32
  }
  func.func @transform_3(%arg0: i32) -> (i32, i32) {
    %lt3A = arith.constant 5 : i32
    %lt3A_0 = arith.cmpi slt, %arg0, %lt3A : i32
    %sub3A = arith.constant 5 : i32
    %sub3A_1 = arith.subi %arg0, %sub3A : i32
    %select_n3A = arith.select %lt3A_0, %arg0, %sub3A_1 : i32
    %c0_i32 = arith.constant 0 : i32
    %c0_i32_2 = arith.constant 0 : i32
    return %select_n3A, %c0_i32 : i32, i32
  }
  func.func @transform_4(%arg0: i32) -> (i32, i32) {
    %c0_i32 = arith.constant 0 : i32
    %c0_i32_0 = arith.constant 0 : i32
    %c0_i32_1 = arith.constant 0 : i32
    return %c0_i32, %c0_i32_0 : i32, i32
  }
  func.func @transform_5(%arg0: i32) -> (i32, i32) {
    %c0_i32 = arith.constant 0 : i32
    %c0_i32_0 = arith.constant 0 : i32
    %c0_i32_1 = arith.constant 0 : i32
    return %c0_i32, %c0_i32_0 : i32, i32
  }
  func.func @transform_6(%arg0: i32) -> (i32, i32) {
    %c0_i32 = arith.constant 0 : i32
    %c0_i32_0 = arith.constant 0 : i32
    %c0_i32_1 = arith.constant 0 : i32
    return %c0_i32, %c0_i32_0 : i32, i32
  }
  func.func @transform_7(%arg0: i32) -> (i32, i32) {
    %c0_i32 = arith.constant 0 : i32
    %c0_i32_0 = arith.constant 0 : i32
    %c0_i32_1 = arith.constant 0 : i32
    return %c0_i32, %c0_i32_0 : i32, i32
  }
  func.func @transform_8(%arg0: i32) -> (i32, i32) {
    %lt3A = arith.constant 5 : i32
    %lt3A_0 = arith.cmpi slt, %arg0, %lt3A : i32
    %sub3A = arith.constant 5 : i32
    %sub3A_1 = arith.subi %arg0, %sub3A : i32
    %jit3A = arith.constant 0 : i32
    %select_n3A = arith.select %lt3A_0, %jit3A, %sub3A_1 : i32
    %c0_i32 = arith.constant 0 : i32
    %c0_i32_2 = arith.constant 0 : i32
    return %select_n3A, %c0_i32 : i32, i32
  }
}

module attributes {stable_mosaic.version = 14 : i64} {
  func.func @_tcaf_body(%arg0: i32, %arg1: memref<2000x128xf32, #tpu.memory_space<vmem>>, %arg2: memref<2000x128xf32, #tpu.memory_space<vmem>>, %arg3: memref<2000x128xf32, #tpu.memory_space<vmem>>, %arg4: memref<2000x128xf32, #tpu.memory_space<vmem>>, %arg5: memref<1x128xf32, #tpu.memory_space<vmem>>, %arg6: memref<1x128xf32, #tpu.memory_space<vmem>>, %arg7: memref<1x128xf32, #tpu.memory_space<vmem>>, %arg8: memref<2000x1xi32, #tpu.memory_space<vmem>>, %arg9: memref<1x1x2000xi32, #tpu.memory_space<vmem>>, %arg10: memref<64x256xf32, #tpu.memory_space<vmem>>, %arg11: memref<10000x128xf32, #tpu.memory_space<vmem>>, %arg12: memref<2x128xf32, #tpu.memory_space<vmem>>, %arg13: memref<64x128xf32, #tpu.memory_space<vmem>>, %arg14: memref<64x1xf32, #tpu.memory_space<vmem>>, %arg15: memref<64x128xf32, #tpu.memory_space<vmem>>) attributes {dimension_semantics = [#tpu.dimension_semantics<arbitrary>], iteration_bounds = array<i64: 10>, scalar_prefetch = 0 : i64, scratch_operands = 5 : i64, tpu.core_type = #tpu.core_type<tc>, window_params = [{transform_indices = @transform_0, window_bounds = array<i64: 2000, 128>}, {transform_indices = @transform_1, window_bounds = array<i64: 2000, 128>}, {transform_indices = @transform_2, window_bounds = array<i64: 2000, 128>}, {transform_indices = @transform_3, window_bounds = array<i64: 2000, 128>}, {pipeline_mode = #tpu.pipeline_mode<synchronous>, transform_indices = @transform_4, window_bounds = array<i64: 1, 128>}, {pipeline_mode = #tpu.pipeline_mode<synchronous>, transform_indices = @transform_5, window_bounds = array<i64: 1, 128>}, {pipeline_mode = #tpu.pipeline_mode<synchronous>, transform_indices = @transform_6, window_bounds = array<i64: 1, 128>}, {transform_indices = @transform_7, window_bounds = array<i64: 2000, 1>}, {transform_indices = @transform_8, window_bounds = array<i64: 1, 1, 2000>}, {pipeline_mode = #tpu.pipeline_mode<synchronous>, transform_indices = @transform_9, window_bounds = array<i64: 64, 256>}]} {
    %lt3A = arith.constant 5 : i32
    %lt3A_0 = arith.cmpi slt, %arg0, %lt3A : i32
    %convert_element_type3A = arith.extui %lt3A_0 : i1 to i32
    %cond3A = arith.constant 0 : i32
    %cond3A_1 = arith.cmpi ne, %convert_element_type3A, %cond3A : i32
    scf.if %cond3A_1 {
      %get3A = arith.constant 0 : index
      %get3A_6 = arith.constant 0 : index
      %get3A_7 = vector.load %arg4[%get3A, %get3A_6] : memref<2000x128xf32, #tpu.memory_space<vmem>>, vector<2000x128xf32>
      %get3A_8 = arith.constant 0 : index
      %get3A_9 = arith.constant 0 : index
      %get3A_10 = vector.load %arg1[%get3A_8, %get3A_9] : memref<2000x128xf32, #tpu.memory_space<vmem>>, vector<2000x128xf32>
      %get3A_11 = arith.constant 0 : index
      %get3A_12 = arith.constant 0 : index
      %get3A_13 = vector.load %arg2[%get3A_11, %get3A_12] : memref<2000x128xf32, #tpu.memory_space<vmem>>, vector<2000x128xf32>
      %add3A = arith.addf %get3A_10, %get3A_13 : vector<2000x128xf32>
      %get3A_14 = arith.constant 0 : index
      %get3A_15 = arith.constant 0 : index
      %get3A_16 = vector.load %arg3[%get3A_14, %get3A_15] : memref<2000x128xf32, #tpu.memory_space<vmem>>, vector<2000x128xf32>
      %add3A_17 = arith.addf %add3A, %get3A_16 : vector<2000x128xf32>
      %mul3A = arith.mulf %get3A_7, %add3A_17 : vector<2000x128xf32>
      %get3A_18 = arith.constant 0 : index
      %get3A_19 = arith.constant 0 : index
      %get3A_20 = vector.load %arg5[%get3A_18, %get3A_19] : memref<1x128xf32, #tpu.memory_space<vmem>>, vector<1x128xf32>
      %add3A_21 = vector.broadcast %get3A_20 : vector<1x128xf32> to vector<2000x128xf32>
      %add3A_22 = arith.addf %mul3A, %add3A_21 : vector<2000x128xf32>
      %mul3A_23 = arith.constant 2000 : i32
      %mul3A_24 = arith.muli %arg0, %mul3A_23 : i32
      %swap3A = arith.index_cast %mul3A_24 : i32 to index
      %swap3A_25 = arith.constant 0 : index
      %swap3A_26 = vector.load %arg11[%swap3A, %swap3A_25] : memref<10000x128xf32, #tpu.memory_space<vmem>>, vector<2000x128xf32>
      tpu.vector_store %arg11[%swap3A, %swap3A_25], %add3A_22 {strides = array<i32>} : memref<10000x128xf32, #tpu.memory_space<vmem>>, vector<2000x128xf32>,
      %reduce_sum3A = arith.constant dense<0.000000e+00> : vector<128xf32>
      %reduce_sum3A_27 = vector.multi_reduction <add>, %add3A_22, %reduce_sum3A [0] : vector<2000x128xf32> to vector<128xf32>
      %broadcast_in_dim3A = vector.shape_cast %reduce_sum3A_27 : vector<128xf32> to vector<1x128xf32>
      %mul3A_28 = arith.mulf %add3A_22, %add3A_22 : vector<2000x128xf32>
      %reduce_sum3A_29 = arith.constant dense<0.000000e+00> : vector<128xf32>
      %reduce_sum3A_30 = vector.multi_reduction <add>, %mul3A_28, %reduce_sum3A_29 [0] : vector<2000x128xf32> to vector<128xf32>
      %broadcast_in_dim3A_31 = vector.shape_cast %reduce_sum3A_30 : vector<128xf32> to vector<1x128xf32>
      %concatenate3A = tpu.concatenate %broadcast_in_dim3A, %broadcast_in_dim3A_31 in 0 : vector<1x128xf32>, vector<1x128xf32> -> vector<2x128xf32>
      %eq3A = arith.constant 0 : i32
      %eq3A_32 = arith.cmpi eq, %arg0, %eq3A : i32
      %convert_element_type3A_33 = arith.extui %eq3A_32 : i1 to i32
      %cond3A_34 = arith.constant 0 : i32
      %cond3A_35 = arith.cmpi ne, %convert_element_type3A_33, %cond3A_34 : i32
      scf.if %cond3A_35 {
        %swap3A_40 = arith.constant 0 : index
        %swap3A_41 = arith.constant 0 : index
        %swap3A_42 = vector.load %arg12[%swap3A_40, %swap3A_41] : memref<2x128xf32, #tpu.memory_space<vmem>>, vector<2x128xf32>
        tpu.vector_store %arg12[%swap3A_40, %swap3A_41], %concatenate3A {strides = array<i32>} : memref<2x128xf32, #tpu.memory_space<vmem>>, vector<2x128xf32>,
      } else {
      }
      %gt3A = arith.constant 0 : i32
      %gt3A_36 = arith.cmpi sgt, %arg0, %gt3A : i32
      %convert_element_type3A_37 = arith.extui %gt3A_36 : i1 to i32
      %cond3A_38 = arith.constant 0 : i32
      %cond3A_39 = arith.cmpi ne, %convert_element_type3A_37, %cond3A_38 : i32
      scf.if %cond3A_39 {
        %get3A_40 = arith.constant 0 : index
        %get3A_41 = arith.constant 0 : index
        %get3A_42 = vector.load %arg12[%get3A_40, %get3A_41] : memref<2x128xf32, #tpu.memory_space<vmem>>, vector<2x128xf32>
        %add3A_43 = arith.addf %get3A_42, %concatenate3A : vector<2x128xf32>
        %swap3A_44 = arith.constant 0 : index
        %swap3A_45 = arith.constant 0 : index
        %swap3A_46 = vector.load %arg12[%swap3A_44, %swap3A_45] : memref<2x128xf32, #tpu.memory_space<vmem>>, vector<2x128xf32>
        tpu.vector_store %arg12[%swap3A_44, %swap3A_45], %add3A_43 {strides = array<i32>} : memref<2x128xf32, #tpu.memory_space<vmem>>, vector<2x128xf32>,
      } else {
      }
    } else {
    }
    %ge3A = arith.constant 5 : i32
    %ge3A_2 = arith.cmpi sge, %arg0, %ge3A : i32
    %convert_element_type3A_3 = arith.extui %ge3A_2 : i1 to i32
    %cond3A_4 = arith.constant 0 : i32
    %cond3A_5 = arith.cmpi ne, %convert_element_type3A_3, %cond3A_4 : i32
    scf.if %cond3A_5 {
      %get3A = arith.constant 0 : index
      %get3A_6 = arith.constant 0 : index
      %get3A_7 = vector.load %arg12[%get3A, %get3A_6] : memref<2x128xf32, #tpu.memory_space<vmem>>, vector<2x128xf32>
      %slice3A = vector.extract_strided_slice %get3A_7 {offsets = [0, 0], sizes = [1, 128], strides = [1, 1]} : vector<2x128xf32> to vector<1x128xf32>
      %div3A = arith.constant 1.000000e+04 : f32
      %div3A_8 = vector.broadcast %div3A : f32 to vector<1x128xf32>
      %div3A_9 = arith.divf %slice3A, %div3A_8 : vector<1x128xf32>
      %slice3A_10 = vector.extract_strided_slice %get3A_7 {offsets = [1, 0], sizes = [1, 128], strides = [1, 1]} : vector<2x128xf32> to vector<1x128xf32>
      %div3A_11 = arith.constant 1.000000e+04 : f32
      %div3A_12 = vector.broadcast %div3A_11 : f32 to vector<1x128xf32>
      %div3A_13 = arith.divf %slice3A_10, %div3A_12 : vector<1x128xf32>
      %mul3A = arith.mulf %div3A_9, %div3A_9 : vector<1x128xf32>
      %sub3A = arith.subf %div3A_13, %mul3A : vector<1x128xf32>
      %sub3A_14 = arith.constant 5 : i32
      %sub3A_15 = arith.subi %arg0, %sub3A_14 : i32
      %mul3A_16 = arith.constant 2000 : i32
      %mul3A_17 = arith.muli %sub3A_15, %mul3A_16 : i32
      %get3A_18 = arith.index_cast %mul3A_17 : i32 to index
      %get3A_19 = arith.constant 0 : index
      %get3A_20 = vector.load %arg11[%get3A_18, %get3A_19] : memref<10000x128xf32, #tpu.memory_space<vmem>>, vector<2000x128xf32>
      %sub3A_21 = vector.broadcast %div3A_9 : vector<1x128xf32> to vector<2000x128xf32>
      %sub3A_22 = arith.subf %get3A_20, %sub3A_21 : vector<2000x128xf32>
      %add3A = arith.constant 9.99999974E-6 : f32
      %add3A_23 = vector.broadcast %add3A : f32 to vector<1x128xf32>
      %add3A_24 = arith.addf %sub3A, %add3A_23 : vector<1x128xf32>
      %rsqrt3A = math.rsqrt %add3A_24 : vector<1x128xf32>
      %mul3A_25 = vector.broadcast %rsqrt3A : vector<1x128xf32> to vector<2000x128xf32>
      %mul3A_26 = arith.mulf %sub3A_22, %mul3A_25 : vector<2000x128xf32>
      %get3A_27 = arith.constant 0 : index
      %get3A_28 = arith.constant 0 : index
      %get3A_29 = vector.load %arg6[%get3A_27, %get3A_28] : memref<1x128xf32, #tpu.memory_space<vmem>>, vector<1x128xf32>
      %mul3A_30 = vector.broadcast %get3A_29 : vector<1x128xf32> to vector<2000x128xf32>
      %mul3A_31 = arith.mulf %mul3A_26, %mul3A_30 : vector<2000x128xf32>
      %get3A_32 = arith.constant 0 : index
      %get3A_33 = arith.constant 0 : index
      %get3A_34 = vector.load %arg7[%get3A_32, %get3A_33] : memref<1x128xf32, #tpu.memory_space<vmem>>, vector<1x128xf32>
      %add3A_35 = vector.broadcast %get3A_34 : vector<1x128xf32> to vector<2000x128xf32>
      %add3A_36 = arith.addf %mul3A_31, %add3A_35 : vector<2000x128xf32>
      %max3A = arith.constant 0.000000e+00 : f32
      %max3A_37 = vector.broadcast %max3A : f32 to vector<2000x128xf32>
      %max3A_38 = arith.maximumf %add3A_36, %max3A_37 : vector<2000x128xf32>
      %eq3A = arith.constant 5 : i32
      %eq3A_39 = arith.cmpi eq, %arg0, %eq3A : i32
      %convert_element_type3A_40 = arith.extui %eq3A_39 : i1 to i32
      %cond3A_41 = arith.constant 0 : i32
      %cond3A_42 = arith.cmpi ne, %convert_element_type3A_40, %cond3A_41 : i32
      scf.if %cond3A_42 {
        %broadcast_in_dim3A_94 = arith.constant 0.000000e+00 : f32
        %broadcast_in_dim3A_95 = vector.broadcast %broadcast_in_dim3A_94 : f32 to vector<64x128xf32>
        %swap3A_96 = arith.constant 0 : index
        %swap3A_97 = arith.constant 0 : index
        %swap3A_98 = vector.load %arg13[%swap3A_96, %swap3A_97] : memref<64x128xf32, #tpu.memory_space<vmem>>, vector<64x128xf32>
        tpu.vector_store %arg13[%swap3A_96, %swap3A_97], %broadcast_in_dim3A_95 {strides = array<i32>} : memref<64x128xf32, #tpu.memory_space<vmem>>, vector<64x128xf32>,
        %broadcast_in_dim3A_99 = arith.constant 0.000000e+00 : f32
        %broadcast_in_dim3A_100 = vector.broadcast %broadcast_in_dim3A_99 : f32 to vector<64x1xf32>
        %swap3A_101 = arith.constant 0 : index
        %swap3A_102 = arith.constant 0 : index
        %swap3A_103 = vector.load %arg14[%swap3A_101, %swap3A_102] : memref<64x1xf32, #tpu.memory_space<vmem>>, vector<64x1xf32>
        tpu.vector_store %arg14[%swap3A_101, %swap3A_102], %broadcast_in_dim3A_100 {strides = array<i32>} : memref<64x1xf32, #tpu.memory_space<vmem>>, vector<64x1xf32>,
        %broadcast_in_dim3A_104 = arith.constant 0xFF800000 : f32
        %broadcast_in_dim3A_105 = vector.broadcast %broadcast_in_dim3A_104 : f32 to vector<64x128xf32>
        %swap3A_106 = arith.constant 0 : index
        %swap3A_107 = arith.constant 0 : index
        %swap3A_108 = vector.load %arg15[%swap3A_106, %swap3A_107] : memref<64x128xf32, #tpu.memory_space<vmem>>, vector<64x128xf32>
        tpu.vector_store %arg15[%swap3A_106, %swap3A_107], %broadcast_in_dim3A_105 {strides = array<i32>} : memref<64x128xf32, #tpu.memory_space<vmem>>, vector<64x128xf32>,
      } else {
      }
      %get3A_43 = arith.constant 0 : index
      %get3A_44 = arith.constant 0 : index
      %get3A_45 = arith.constant 0 : index
      %get3A_46 = vector.load %arg9[%get3A_43, %get3A_44, %get3A_45] : memref<1x1x2000xi32, #tpu.memory_space<vmem>>, vector<1x1x2000xi32>
      %get3A_47 = vector.shape_cast %get3A_46 : vector<1x1x2000xi32> to vector<1x2000xi32>
      %iota3A = tpu.iota {dimensions = array<i32: 0>} : vector<64x1xi32>
      %eq3A_48 = vector.broadcast %get3A_47 : vector<1x2000xi32> to vector<64x2000xi32>
      %eq3A_49 = vector.broadcast %iota3A : vector<64x1xi32> to vector<64x2000xi32>
      %eq3A_50 = arith.cmpi eq, %eq3A_48, %eq3A_49 : vector<64x2000xi32>
      %convert_element_type3A_51 = arith.extui %eq3A_50 : vector<64x2000xi1> to vector<64x2000xi32>
      %convert_element_type3A_52 = arith.sitofp %convert_element_type3A_51 : vector<64x2000xi32> to vector<64x2000xf32>
      %get3A_53 = arith.constant 0 : index
      %get3A_54 = arith.constant 0 : index
      %get3A_55 = vector.load %arg13[%get3A_53, %get3A_54] : memref<64x128xf32, #tpu.memory_space<vmem>>, vector<64x128xf32>
      %dot_general3A = arith.constant dense<0.000000e+00> : vector<64x128xf32>
      %dot_general3A_56 = tpu.matmul %convert_element_type3A_52, %max3A_38, %dot_general3A {dimension_numbers = #tpu.dot_dimension_numbers<[1], [0], [0], [1], [0, 0, 1, 1], [], []>, transpose_lhs_hint = false} : vector<64x2000xf32>, vector<2000x128xf32>, vector<64x128xf32> -> vector<64x128xf32>
      %add3A_57 = arith.addf %get3A_55, %dot_general3A_56 : vector<64x128xf32>
      %swap3A = arith.constant 0 : index
      %swap3A_58 = arith.constant 0 : index
      %swap3A_59 = vector.load %arg13[%swap3A, %swap3A_58] : memref<64x128xf32, #tpu.memory_space<vmem>>, vector<64x128xf32>
      tpu.vector_store %arg13[%swap3A, %swap3A_58], %add3A_57 {strides = array<i32>} : memref<64x128xf32, #tpu.memory_space<vmem>>, vector<64x128xf32>,
      %get3A_60 = arith.constant 0 : index
      %get3A_61 = arith.constant 0 : index
      %get3A_62 = vector.load %arg14[%get3A_60, %get3A_61] : memref<64x1xf32, #tpu.memory_space<vmem>>, vector<64x1xf32>
      %reduce_sum3A = arith.constant dense<0.000000e+00> : vector<64xf32>
      %reduce_sum3A_63 = vector.multi_reduction <add>, %convert_element_type3A_52, %reduce_sum3A [1] : vector<64x2000xf32> to vector<64xf32>
      %broadcast_in_dim3A = vector.shape_cast %reduce_sum3A_63 : vector<64xf32> to vector<64x1xf32>
      %add3A_64 = arith.addf %get3A_62, %broadcast_in_dim3A : vector<64x1xf32>
      %swap3A_65 = arith.constant 0 : index
      %swap3A_66 = arith.constant 0 : index
      %swap3A_67 = vector.load %arg14[%swap3A_65, %swap3A_66] : memref<64x1xf32, #tpu.memory_space<vmem>>, vector<64x1xf32>
      tpu.vector_store %arg14[%swap3A_65, %swap3A_66], %add3A_64 {strides = array<i32>} : memref<64x1xf32, #tpu.memory_space<vmem>>, vector<64x1xf32>,
      %get3A_68 = arith.constant 0 : index
      %get3A_69 = arith.constant 0 : index
      %get3A_70 = vector.load %arg8[%get3A_68, %get3A_69] : memref<2000x1xi32, #tpu.memory_space<vmem>>, vector<2000x1xi32>
      %reduce_min3A = vector.shape_cast %get3A_70 : vector<2000x1xi32> to vector<1x2000x1xi32>
      %reduce_min3A_71 = arith.constant dense<2147483647> : vector<1xi32>
      %reduce_min3A_72 = vector.multi_reduction <minsi>, %reduce_min3A, %reduce_min3A_71 [1, 2] : vector<1x2000x1xi32> to vector<1xi32>
      %reduce_min3A_73 = vector.shape_cast %reduce_min3A_72 : vector<1xi32> to vector<1x1x1xi32>
      %reduce_min3A_74 = vector.extract %reduce_min3A_73[0, 0, 0] : i32 from vector<1x1x1xi32>
      %reduce_max3A = vector.shape_cast %get3A_70 : vector<2000x1xi32> to vector<1x2000x1xi32>
      %reduce_max3A_75 = arith.constant dense<-2147483648> : vector<1xi32>
      %reduce_max3A_76 = vector.multi_reduction <maxsi>, %reduce_max3A, %reduce_max3A_75 [1, 2] : vector<1x2000x1xi32> to vector<1xi32>
      %reduce_max3A_77 = vector.shape_cast %reduce_max3A_76 : vector<1xi32> to vector<1x1x1xi32>
      %reduce_max3A_78 = vector.extract %reduce_max3A_77[0, 0, 0] : i32 from vector<1x1x1xi32>
      %add3A_79 = arith.constant 1 : i32
      %add3A_80 = arith.addi %reduce_max3A_78, %add3A_79 : i32
      %while3A = arith.constant 0 : i32
      %while3A_81 = arith.subi %add3A_80, %reduce_min3A_74 : i32
      %while3A_82 = arith.addi %reduce_min3A_74, %while3A_81 : i32
      %while3A_83 = arith.constant 1 : i32
      %while3A_84 = arith.divsi %while3A_81, %while3A_83 : i32
      %while3A_85 = arith.muli %while3A_84, %while3A_83 : i32
      %while3A_86 = arith.addi %reduce_min3A_74, %while3A_85 : i32
      %while3A_87 = arith.constant 1 : i32
      scf.for %while3A_94 = %reduce_min3A_74 to %while3A_86 step %while3A_87  : i32 {
        %eq3A_95 = vector.broadcast %while3A_94 : i32 to vector<2000x1xi32>
        %eq3A_96 = arith.cmpi eq, %get3A_70, %eq3A_95 : vector<2000x1xi32>
        %jit3A = arith.constant 0xFF800000 : f32
        %broadcast_in_dim3A_97 = vector.shape_cast %eq3A_96 : vector<2000x1xi1> to vector<2000x1xi1>
        %broadcast_in_dim3A_98 = vector.broadcast %broadcast_in_dim3A_97 : vector<2000x1xi1> to vector<2000x128xi1>
        %broadcast_in_dim3A_99 = vector.broadcast %jit3A : f32 to vector<2000x128xf32>
        %select_n3A = arith.select %broadcast_in_dim3A_98, %max3A_38, %broadcast_in_dim3A_99 : vector<2000x128xi1>, vector<2000x128xf32>
        %reduce_max3A_100 = arith.constant dense<0xFF800000> : vector<128xf32>
        %reduce_max3A_101 = vector.multi_reduction <maximumf>, %select_n3A, %reduce_max3A_100 [0] : vector<2000x128xf32> to vector<128xf32>
        %broadcast_in_dim3A_102 = vector.shape_cast %reduce_max3A_101 : vector<128xf32> to vector<1x128xf32>
        %get3A_103 = arith.index_cast %while3A_94 : i32 to index
        %get3A_104 = arith.constant 0 : index
        %get3A_105 = vector.load %arg15[%get3A_103, %get3A_104] : memref<64x128xf32, #tpu.memory_space<vmem>>, vector<1x128xf32>
        %max3A_106 = arith.maximumf %get3A_105, %broadcast_in_dim3A_102 : vector<1x128xf32>
        %swap3A_107 = arith.index_cast %while3A_94 : i32 to index
        %swap3A_108 = arith.constant 0 : index
        %swap3A_109 = vector.load %arg15[%swap3A_107, %swap3A_108] : memref<64x128xf32, #tpu.memory_space<vmem>>, vector<1x128xf32>
        tpu.vector_store %arg15[%swap3A_107, %swap3A_108], %max3A_106 {strides = array<i32>} : memref<64x128xf32, #tpu.memory_space<vmem>>, vector<1x128xf32>,
      }
      %while3A_88 = arith.constant 1 : i32
      scf.for %while3A_94 = %while3A_86 to %while3A_82 step %while3A_88  : i32 {
        %eq3A_95 = vector.broadcast %while3A_94 : i32 to vector<2000x1xi32>
        %eq3A_96 = arith.cmpi eq, %get3A_70, %eq3A_95 : vector<2000x1xi32>
        %jit3A = arith.constant 0xFF800000 : f32
        %broadcast_in_dim3A_97 = vector.shape_cast %eq3A_96 : vector<2000x1xi1> to vector<2000x1xi1>
        %broadcast_in_dim3A_98 = vector.broadcast %broadcast_in_dim3A_97 : vector<2000x1xi1> to vector<2000x128xi1>
        %broadcast_in_dim3A_99 = vector.broadcast %jit3A : f32 to vector<2000x128xf32>
        %select_n3A = arith.select %broadcast_in_dim3A_98, %max3A_38, %broadcast_in_dim3A_99 : vector<2000x128xi1>, vector<2000x128xf32>
        %reduce_max3A_100 = arith.constant dense<0xFF800000> : vector<128xf32>
        %reduce_max3A_101 = vector.multi_reduction <maximumf>, %select_n3A, %reduce_max3A_100 [0] : vector<2000x128xf32> to vector<128xf32>
        %broadcast_in_dim3A_102 = vector.shape_cast %reduce_max3A_101 : vector<128xf32> to vector<1x128xf32>
        %get3A_103 = arith.index_cast %while3A_94 : i32 to index
        %get3A_104 = arith.constant 0 : index
        %get3A_105 = vector.load %arg15[%get3A_103, %get3A_104] : memref<64x128xf32, #tpu.memory_space<vmem>>, vector<1x128xf32>
        %max3A_106 = arith.maximumf %get3A_105, %broadcast_in_dim3A_102 : vector<1x128xf32>
        %swap3A_107 = arith.index_cast %while3A_94 : i32 to index
        %swap3A_108 = arith.constant 0 : index
        %swap3A_109 = vector.load %arg15[%swap3A_107, %swap3A_108] : memref<64x128xf32, #tpu.memory_space<vmem>>, vector<1x128xf32>
        tpu.vector_store %arg15[%swap3A_107, %swap3A_108], %max3A_106 {strides = array<i32>} : memref<64x128xf32, #tpu.memory_space<vmem>>, vector<1x128xf32>,
      }
      %eq3A_89 = arith.constant 9 : i32
      %eq3A_90 = arith.cmpi eq, %arg0, %eq3A_89 : i32
      %convert_element_type3A_91 = arith.extui %eq3A_90 : i1 to i32
      %cond3A_92 = arith.constant 0 : i32
      %cond3A_93 = arith.cmpi ne, %convert_element_type3A_91, %cond3A_92 : i32
      scf.if %cond3A_93 {
        %get3A_94 = arith.constant 0 : index
        %get3A_95 = arith.constant 0 : index
        %get3A_96 = vector.load %arg13[%get3A_94, %get3A_95] : memref<64x128xf32, #tpu.memory_space<vmem>>, vector<64x128xf32>
        %get3A_97 = arith.constant 0 : index
        %get3A_98 = arith.constant 0 : index
        %get3A_99 = vector.load %arg14[%get3A_97, %get3A_98] : memref<64x1xf32, #tpu.memory_space<vmem>>, vector<64x1xf32>
        %max3A_100 = arith.constant 1.000000e+00 : f32
        %max3A_101 = vector.broadcast %max3A_100 : f32 to vector<64x1xf32>
        %max3A_102 = arith.maximumf %get3A_99, %max3A_101 : vector<64x1xf32>
        %div3A_103 = vector.broadcast %max3A_102 : vector<64x1xf32> to vector<64x128xf32>
        %div3A_104 = arith.divf %get3A_96, %div3A_103 : vector<64x128xf32>
        %get3A_105 = arith.constant 0 : index
        %get3A_106 = arith.constant 0 : index
        %get3A_107 = vector.load %arg15[%get3A_105, %get3A_106] : memref<64x128xf32, #tpu.memory_space<vmem>>, vector<64x128xf32>
        %concatenate3A = tpu.concatenate %div3A_104, %get3A_107 in 1 : vector<64x128xf32>, vector<64x128xf32> -> vector<64x256xf32>
        %swap3A_108 = arith.constant 0 : index
        %swap3A_109 = arith.constant 0 : index
        %swap3A_110 = vector.load %arg10[%swap3A_108, %swap3A_109] : memref<64x256xf32, #tpu.memory_space<vmem>>, vector<64x256xf32>
        tpu.vector_store %arg10[%swap3A_108, %swap3A_109], %concatenate3A {strides = array<i32>} : memref<64x256xf32, #tpu.memory_space<vmem>>, vector<64x256xf32>,
      } else {
      }
    } else {
    }
    return
  }
  func.func @transform_0(%arg0: i32) -> (i32, i32) {
    %lt3A = arith.constant 5 : i32
    %lt3A_0 = arith.cmpi slt, %arg0, %lt3A : i32
    %jit3A = arith.constant 4 : i32
    %select_n3A = arith.select %lt3A_0, %arg0, %jit3A : i32
    %c0_i32 = arith.constant 0 : i32
    %c0_i32_1 = arith.constant 0 : i32
    return %select_n3A, %c0_i32 : i32, i32
  }
  func.func @transform_1(%arg0: i32) -> (i32, i32) {
    %lt3A = arith.constant 5 : i32
    %lt3A_0 = arith.cmpi slt, %arg0, %lt3A : i32
    %jit3A = arith.constant 4 : i32
    %select_n3A = arith.select %lt3A_0, %arg0, %jit3A : i32
    %c0_i32 = arith.constant 0 : i32
    %c0_i32_1 = arith.constant 0 : i32
    return %select_n3A, %c0_i32 : i32, i32
  }
  func.func @transform_2(%arg0: i32) -> (i32, i32) {
    %lt3A = arith.constant 5 : i32
    %lt3A_0 = arith.cmpi slt, %arg0, %lt3A : i32
    %jit3A = arith.constant 4 : i32
    %select_n3A = arith.select %lt3A_0, %arg0, %jit3A : i32
    %c0_i32 = arith.constant 0 : i32
    %c0_i32_1 = arith.constant 0 : i32
    return %select_n3A, %c0_i32 : i32, i32
  }
  func.func @transform_3(%arg0: i32) -> (i32, i32) {
    %lt3A = arith.constant 5 : i32
    %lt3A_0 = arith.cmpi slt, %arg0, %lt3A : i32
    %jit3A = arith.constant 4 : i32
    %select_n3A = arith.select %lt3A_0, %arg0, %jit3A : i32
    %c0_i32 = arith.constant 0 : i32
    %c0_i32_1 = arith.constant 0 : i32
    return %select_n3A, %c0_i32 : i32, i32
  }
  func.func @transform_4(%arg0: i32) -> (i32, i32) {
    %c0_i32 = arith.constant 0 : i32
    %c0_i32_0 = arith.constant 0 : i32
    %c0_i32_1 = arith.constant 0 : i32
    return %c0_i32, %c0_i32_0 : i32, i32
  }
  func.func @transform_5(%arg0: i32) -> (i32, i32) {
    %c0_i32 = arith.constant 0 : i32
    %c0_i32_0 = arith.constant 0 : i32
    %c0_i32_1 = arith.constant 0 : i32
    return %c0_i32, %c0_i32_0 : i32, i32
  }
  func.func @transform_6(%arg0: i32) -> (i32, i32) {
    %c0_i32 = arith.constant 0 : i32
    %c0_i32_0 = arith.constant 0 : i32
    %c0_i32_1 = arith.constant 0 : i32
    return %c0_i32, %c0_i32_0 : i32, i32
  }
  func.func @transform_7(%arg0: i32) -> (i32, i32) {
    %lt3A = arith.constant 5 : i32
    %lt3A_0 = arith.cmpi slt, %arg0, %lt3A : i32
    %sub3A = arith.constant 5 : i32
    %sub3A_1 = arith.subi %arg0, %sub3A : i32
    %jit3A = arith.constant 0 : i32
    %select_n3A = arith.select %lt3A_0, %jit3A, %sub3A_1 : i32
    %c0_i32 = arith.constant 0 : i32
    %c0_i32_2 = arith.constant 0 : i32
    return %select_n3A, %c0_i32 : i32, i32
  }
  func.func @transform_8(%arg0: i32) -> (i32, i32, i32) {
    %lt3A = arith.constant 5 : i32
    %lt3A_0 = arith.cmpi slt, %arg0, %lt3A : i32
    %sub3A = arith.constant 5 : i32
    %sub3A_1 = arith.subi %arg0, %sub3A : i32
    %jit3A = arith.constant 0 : i32
    %select_n3A = arith.select %lt3A_0, %jit3A, %sub3A_1 : i32
    %c0_i32 = arith.constant 0 : i32
    %c0_i32_2 = arith.constant 0 : i32
    %c0_i32_3 = arith.constant 0 : i32
    return %select_n3A, %c0_i32, %c0_i32_2 : i32, i32, i32
  }
  func.func @transform_9(%arg0: i32) -> (i32, i32) {
    %c0_i32 = arith.constant 0 : i32
    %c0_i32_0 = arith.constant 0 : i32
    %c0_i32_1 = arith.constant 0 : i32
    return %c0_i32, %c0_i32_0 : i32, i32
  }
}

</mosaic_0001>

<sc_bundles>
// kernel: kernel.10.cloned.1.call-start
scs
__scs_entry_jumppad:
0x0: {  	(pc) =	sbr.rel $0x88, $3  }
0x1: {  	(tag) =	ssettag $0x0;
	lr =	simm.s32 $0x1  }
0x2: {  	[smem:$0x3F92] =	sst lr;
	_ =	strace $0xD0000000  }
0x3: {  	_ = 	snop  }
0x4: {  	_ = 	snop  }
0x5: {  	_ = 	snop  }
0x6: {  	_ = 	snop  }
0x7: {  	_ = 	snop  }
__scs_overlays_trampoline_lowered:
0x8: {  	[smem:$0x3FA1] =	sst s0  }
0x9: {  	[smem:$0x3FA2] =	sst s1  }
0xa: {  	[smem:$0x3FA3] =	sst s2  }
0xb: {  	[smem:$0x3FA4] =	sst s3  }
0xc: {  	[smem:$0x3FA5] =	sst s4  }
0xd: {  	[smem:$0x3FA6] =	sst s5  }
0xe: {  	[smem:$0x3FA7] =	sst s6  }
0xf: {  	[smem:$0x3FA8] =	sst s7  }
0x10: {  	[smem:$0x3FA9] =	sst s8  }
0x11: {  	[smem:$0x3FAA] =	sst s9;
	s0 =	simm.s32 @!p0 $0x0  }
0x12: {  	s1 =	sld [smem:$0x3F90];
	s0 =	simm.s32 @p0 $0x1  }
0x13: {  	[smem:$0x3FAB] =	sst s0;
	s0 =	simm.s32 @!p1 $0x0  }
0x14: {  	s2 =	sld [smem:$0x3F8F];
	s0 =	simm.s32 @p1 $0x1  }
0x15: {  	[smem:$0x3FAC] =	sst s0;
	s0 =	simm.s32 @!p2 $0x0  }
0x16: {  	s3 =	sld [smem:$0x3FDB];
	s0 =	simm.s32 @p2 $0x1  }
0x17: {  	s4 =	simm.s32 $0x1BF5;
	[smem:$0x3FAE] =	sst s0  }
0x18: {  	s0 =	sld [smem:$0x3F91];
	_ =	swait.ge [sflag:s4], $0x0  }
0x19: {  	s7 =	sld [smem:$0x3F92]  }
0x1a: {  	s8 =	sadd.s32 $0xFFFFE003, lr  }
0x1b: {  	s9 =	sadd.s32 $0xFFFFFEF7, lr;
	s5 =	simm.s32 $0xFFFFFFFF;
	p2 =	slt.u32 s8, $0xFFFFF086  }
0x1c: {  	p1 =	slt.u32 s9, $0xF7A;
	s5 =	simm.s32 @!p2 $0x0  }
0x1d: {  	s5 =	simm.s32 @p1 $0x1;
	p0 =	seq.s32 s7, s2  }
0x1e: {  	s7 =	smul.u32 @!p0 $0xF7A, s2;
	p2 =	seq.s32 @!p0 s5, $0x0  }
0x1f: {  	s9 =	smul.u32 $0xF7A, s1;
	s8 =	simm.s32 @!p0 $0x1BF5;
	p2 =	por !p2, p0  }
0x20: {  	[sflag:s8] =	ssyncset.s32 @!p0 $0xFFFFF086;
	s6 =	sadd.s32 @!p0 s3, s7;
	s7 =	simm.s32 @!p0 $0x108  }
0x21: {  	s3 =	sadd.s32 s3, s9;
	s6 =	sadd.s32 @!p0 $0x88, s6;
	s7 =	simm.s32 @p2 $0x1082  }
0x22: {  	[simem:s7], [sflag:s8] =	dma.local @!p0 [hbm:s6], $0xF7A  }
0x23: {  	s9 =	sor.u32 $0xD0000000, s2;
	s6 =	simm.s32 $0x108;
	_ =	swait.ge @!p0 [sflag:s8], $0x0  }
0x24: {  	s3 =	sadd.s32 $0x88, s3;
	s6 =	simm.s32 @!p1 $0x1082;
	[sflag:s4] =	ssyncset.s32 $0xFFFFF086  }
0x25: {  	[simem:s6], [sflag:s4] =	dma.local [hbm:s3], $0xF7A  }
0x26: {  	[smem:$0x3F92] =	sst s1;
	(tag) =	ssettag s2;
	_ =	strace s9  }
0x27: {  	s1 =	sld [smem:$0x3FA2]  }
0x28: {  	s2 =	sld [smem:$0x3FA3]  }
0x29: {  	s4 =	sld [smem:$0x3FA5]  }
0x2a: {  	p0 =	seq.s32 s5, $0x0;
	s5 =	sld [smem:$0x3FA6]  }
0x2b: {  	s6 =	sld [smem:$0x3FA7]  }
0x2c: {  	s7 =	sld [smem:$0x3FA8]  }
0x2d: {  	s3 =	simm.s32 $0x108;
	s8 =	sld [smem:$0x3FA9]  }
0x2e: {  	s3 =	simm.s32 @!p0 $0x1082;
	s9 =	sld [smem:$0x3FAA]  }
0x2f: {  	lr =	sadd.s32 s0, s3;
	s0 =	sld [smem:$0x3FA1]  }
0x30: {  	s3 =	sld [smem:$0x3FA4]  }
0x31: {  	[smem:$0x3FAD] =	sst s10  }
0x32: {  	s10 =	sld [smem:$0x3FAB];
	_ =	sdelay $0x3  }
0x33: {  	p0 =	seq.s32 s10, $0x1;
	s10 =	sld [smem:$0x3FAD];
	_ =	sdelay $0x3  }
0x34: {  	[smem:$0x3FAD] =	sst s10  }
0x35: {  	s10 =	sld [smem:$0x3FAC];
	_ =	sdelay $0x3  }
0x36: {  	p1 =	seq.s32 s10, $0x1;
	s10 =	sld [smem:$0x3FAD];
	_ =	sdelay $0x3  }
0x37: {  	[smem:$0x3FAD] =	sst s10  }
0x38: {  	s10 =	sld [smem:$0x3FAE]  }
0x39: {  	_ = 	snop;
	(pc) =	sbr.ind lr, $3  }
0x3a: {  	_ = 	snop  }
0x3b: {  	_ = 	snop  }
0x3c: {  	p2 =	seq.s32 s10, $0x1;
	s10 =	sld [smem:$0x3FAD]  }
0x3d: {  	_ =	shalt  }
0x3e: {  	_ =	shalt  }
0x3f: {  	_ =	shalt  }
0x40: {  	_ =	shalt  }
0x41: {  	_ =	shalt  }
0x42: {  	_ =	shalt  }
0x43: {  	_ =	shalt  }
0x44: {  	_ =	shalt  }
0x45: {  	_ =	shalt  }
0x46: {  	_ =	shalt  }
0x47: {  	_ =	shalt  }
0x48: {  	_ =	shalt  }
0x49: {  	_ =	shalt  }
0x4a: {  	_ =	shalt  }
0x4b: {  	_ =	shalt  }
0x4c: {  	_ =	shalt  }
0x4d: {  	_ =	shalt  }
0x4e: {  	_ =	shalt  }
0x4f: {  	_ =	shalt  }
0x50: {  	_ =	shalt  }
0x51: {  	_ =	shalt  }
0x52: {  	_ =	shalt  }
0x53: {  	_ =	shalt  }
0x54: {  	_ =	shalt  }
0x55: {  	_ =	shalt  }
0x56: {  	_ =	shalt  }
0x57: {  	_ =	shalt  }
0x58: {  	_ =	shalt  }
0x59: {  	_ =	shalt  }
0x5a: {  	_ =	shalt  }
0x5b: {  	_ =	shalt  }
0x5c: {  	_ =	shalt  }
0x5d: {  	_ =	shalt  }
0x5e: {  	_ =	shalt  }
0x5f: {  	_ =	shalt  }
0x60: {  	_ =	shalt  }
0x61: {  	_ =	shalt  }
0x62: {  	_ =	shalt  }
0x63: {  	_ =	shalt  }
0x64: {  	_ =	shalt  }
0x65: {  	_ =	shalt  }
0x66: {  	_ =	shalt  }
0x67: {  	_ =	shalt  }
0x68: {  	_ =	shalt  }
0x69: {  	_ =	shalt  }
0x6a: {  	_ =	shalt  }
0x6b: {  	_ =	shalt  }
0x6c: {  	_ =	shalt  }
0x6d: {  	_ =	shalt  }
0x6e: {  	_ =	shalt  }
0x6f: {  	_ =	shalt  }
0x70: {  	_ =	shalt  }
0x71: {  	_ =	shalt  }
0x72: {  	_ =	shalt  }
0x73: {  	_ =	shalt  }
0x74: {  	_ =	shalt  }
0x75: {  	_ =	shalt  }
0x76: {  	_ =	shalt  }
0x77: {  	_ =	shalt  }
0x78: {  	_ =	shalt  }
0x79: {  	_ =	shalt  }
0x7a: {  	_ =	shalt  }
0x7b: {  	_ =	shalt  }
0x7c: {  	_ =	shalt  }
0x7d: {  	_ =	shalt  }
0x7e: {  	_ =	shalt  }
0x7f: {  	_ =	shalt  }
0x80: {  	_ =	shalt  }
0x81: {  	_ =	shalt  }
0x82: {  	_ =	shalt  }
0x83: {  	_ =	shalt  }
0x84: {  	_ =	shalt  }
0x85: {  	_ =	shalt  }
0x86: {  	_ =	shalt  }
0x87: {  	_ =	shalt  }
.Lfunc_end0:
.L_simem_size_0:
called_computation_lowered:
.L_overlay_start_0:
0x88: {  	s2 =	sld [smem:$0x3FD9]  }
0x89: {  	s3 =	sld [smem:$0x3FFE];
	_ =	sdelay $0x1  }
0x8a: {  	s1 =	srdreg.scid  }
0x8b: {  	s0 =	sand.u32 $0x1, s1  }
0x8c: {  	s17 =	sshll.u32 s0, $0xA;
	s2 =	sadd.s32 s3, s2  }
0x8d: {  	s2 =	sadd.s32 s2, s17  }
0x8e: {  	[smem:$0x3FB9] =	sst s2  }
0x8f: {  	_ = 	snop  }
0x90: {  	s2 =	sld [smem:$0x3FD0];
	(tm) =	ssettm $0x1  }
0x91: {  	s18 =	sld [smem:$0x3FFB];
	_ =	sdelay $0x3  }
0x92: {  	_ =	strace s18  }
0x93: {  	s3 =	sld [smem:$0x3FFC];
	_ =	sdelay $0x3  }
0x94: {  	_ =	strace s3  }
0x95: {  	s3 =	sld [smem:$0x3FFD];
	_ =	sdelay $0x3  }
0x96: {  	_ =	strace s3  }
0x97: {  	_ =	strace $0x8FFFFFFF  }
0x98: {  	s19 =	sld [smem:$0x3FDB];
	_ =	sdelay $0x1  }
0x99: {  	s4 =	simm.s32 $_scs_section_size  }
0x9a: {  	s5 =	simm.s32 $_size__tile_overlayer_lowered;
	s6 =	simm.s32 $_tile_overlayer_lowered  }
0x9b: {  	s22 =	simm.s32 $0x1BFF;
	s21 =	sshll.u32 s6, $0x1;
	s3 =	sadd.s32 s4, s19  }
0x9c: {  	s7 =	simm.s32 $0x0;
	s20 =	sshll.u32 s5, $0x1;
	s5 =	sadd.s32 s21, s3  }
0x9d: {  	[timem:s7], [sflag:s22] =	dma.local [hbm:s5], s20  }
0x9e: {  	_ =	swait.ge [sflag:s22], s20  }
0x9f: {  	s4 =	ssub.s32 $0x0, s20;
	[sflag:s22] =	ssyncset.done $0x0  }
0xa0: {  	[sflag:s22] =	ssyncadd.s32 s4;
	_ =	sdelay $0x1  }
0xa1: {  	s23 =	simm.s32 $0x1B8B  }
0xa2: {  	_ =	swait.ge [sflag:s23], $0x1  }
0xa3: {  	[sflag:s23] =	ssyncset.done $0x0  }
0xa4: {  	s25 =	simm.s32 $0x1B8E;
	s24 =	sld [smem:$0x3FFE];
	[sflag:s23] =	ssyncadd.s32 $0xFFFFFFFF  }
0xa5: {  	s26 =	simm.s32 $execute0_lowered;
	[smem:$0x3FD2] =	sst s25  }
0xa6: {  	s5 =	sshll.u32 s26, $0x1;
	_ =	strace $0x80000046;
	[dreg:$0x1] =	wrdreg $0xFFFFFFFF  }
0xa7: {  	s28 =	simm.s32 $_size_execute0_lowered;
	s3 =	sadd.s32 s3, s5;
	[dreg:$0x0] =	wrdreg $0x0  }
0xa8: {  	s5 =	sshll.u32 s28, $0x1;
	[dreg:$0x2] =	wrdreg s3  }
0xa9: {  	[dreg:$0x3] =	wrdreg s5  }
0xaa: {  	[dreg:$0x4] =	wrdreg $0xC0  }
0xab: {  	_ =	task [dreg:s7], $0x5FFFF  }
0xac: {  	[dreg:$0x1] =	wrdreg $0xFFFFFFFF  }
0xad: {  	[dreg:$0x0] =	wrdreg $0x60  }
0xae: {  	[dreg:$0x2] =	wrdreg s24  }
0xaf: {  	[dreg:$0x3] =	wrdreg s2  }
0xb0: {  	[dreg:$0x4] =	wrdreg $0x2C100  }
0xb1: {  	[dreg:$0x5] =	wrdreg $0x9  }
0xb2: {  	_ =	task.clear_ibuf [dreg:s7], $0x6FFFF;
	_ =	strace $0x90000046  }
0xb3: {  	s29 =	simm.s32 $0x9;
	_ =	strace $0x80000048  }
0xb4: {  	_ =	swait.ge [sflag:s29], $0x1  }
0xb5: {  	[sflag:s29] =	ssyncadd.s32 $0xFFFFFFFF  }
0xb6: {  	_ =	strace $0x90000048  }
0xb7: {  	_ =	sfence  }
0xb8: {  	s30 =	sld [smem:$0x0];
	_ =	sdelay $0x2  }
0xb9: {  	s31 =	sshll.u32 s1, $0xD;
	s1 =	sshrl.u32 s1, $0x2  }
0xba: {  	s3 =	sand.u32 $0x4000, s31;
	s1 =	sadd.s32 s1, s30  }
0xbb: {  	s0 =	sor.u32 s3, s0;
	s1 =	sshll.u32 s1, $0x11  }
0xbc: {  	s0 =	sor.u32 s1, s0  }
0xbd: {  	s0 =	sadd.s32 $0x8F2B, s0  }
0xbe: {  	[sflag:s0] =	ssyncadd.remote.s32 $0x1  }
0xbf: {  	_ =	sfence.sel $0xFFFF  }
0xc0: {  	[dreg:$0x0] =	wrdreg $0xFFFFFFFF;
	(pc) =	sbr.abs _section_cstart, $3  }
0xc1: {  	[dreg:$0x1] =	wrdreg $0xFFFFFFFF  }
0xc2: {  	_ =	task.clear_ibuf [dreg:s7], $0x2FFFF;
	_ =	strace $0x9FFFFFFF  }
0xc3: {  	(tm) =	ssettm $0x7FFFFFFF  }
tec
execute0_lowered:
.L_overlay_start_1:
0x0: {  	(tag) =	ssettag $0x1  }
0x1: {  	s7 =	rddreg [dreg:$0x0]  }
0x2: {  	s1 =	rddreg [dreg:$0x1]  }
0x3: {  	s0 =	srdreg.scid;
	s3 =	rddreg [dreg:$0x2]  }
0x4: {  	s2 =	stileid.u32;
	s4 =	simm.s32 $0x0;
	s16 =	simm.s32 $0x50  }
0x5: {  	s17 =	simm.s32 $0x0;
	s5 =	sand.u32 $0x1, s0;
	s0 =	rddreg [dreg:$0x3]  }
0x6: {  	s8 =	smul.u32 $0x2700, s2;
	[smem:$0x7FF] =	sst s4;
	s12 =	sadd.s32 $0x1DA00, s7  }
0x7: {  	s13 =	sadd.s32 $0x24900, s3;
	p0 =	seq.s32 s2, $0xF;
	s6 =	sshll.u32 s5, $0x4  }
0x8: {  	_ =	strace $0x80000047;
	s10 =	ssub.s32 $0x2, s5;
	s30 =	smul.u32 $0x27100, s5  }
0x9: {  	s15 =	sshll.u32 @!p0 s2, $0x6;
	s6 =	sor.u32 s2, s6;
	s9 =	sshrl.u32 s8, $0x3  }
0xa: {  	s11 =	sshrl.u32 s10, $0x1;
	s14 =	sadd.s32 s8, s3;
	s6 =	smul.u32 $0x4E2, s6  }
0xb: {  	s9 =	sadd.s32 s9, s7;
	s10 =	ssub.s32 s10, s11;
	s8 =	sadd.s32 s8, s30  }
0xc: {  	s31 =	sshrl.u32 s30, $0x3;
	s11 =	simm.s32 $0x1;
	s14 =	sshrl.u32 @!p0 s14, $0x3  }
0xd: {  	s8 =	sshrl.u32 s8, $0x3;
	s10 =	smax.u32 s10, $0x1;
	s6 =	sadd.s32 s6, s7  }
0xe: {  	s7 =	sadd.s32 $0x1D320, s7;
	s8 =	sadd.s32 s12, s8;
	s5 =	sadd.s32 $0xEC00, s6  }
0xf: {  	s6 =	sadd.s32 $0x18A00, s9;
	s9 =	sadd.s32 s12, s31;
	s12 =	sshrl.u32 @p0 s13, $0x3  }
0x10: {  	s13 =	sor.u32 @!p0 $0x1C01, s15;
	s15 =	simm.s32 $0x2710;
	s9 =	sadd.s32 $0x4920, s9  }
.LBB2_1:
0x11: {  	[tilespmem:s4], [sflag:$0x1] =	stream.linear.gather [hbm4b:s5+s4], $0x2710, $0x38;
	[tilespmem:$0x5320] =	vst v63  }
0x12: {  	_ =	swait.ge [sflag:s11], $0x2710  }
0x13: {  	[sflag:s11] =	ssyncset.done $0x0  }
0x14: {  	s18 =	simm.s32 @p0 $0x1FC1;
	[sflag:s11] =	ssyncadd.s32 $0xFFFFD8F0  }
0x15: {  	[spmem:s12], [sflag:s18] =	dma.local @p0 [hbm:s7], $0x500  }
0x16: {  	s18 =	simm.s32 @p0 $0x1  }
0x17: {  	_ =	swait.ge @p0 [sflag:s18], $0x500  }
0x18: {  	[sflag:s18] =	ssyncset.done @p0 $0x0  }
0x19: {  	[sflag:s18] =	ssyncadd.s32 @p0 $0xFFFFFB00;
	s18 =	simm.s32 @!p0 $0x1  }
0x1a: {  	[spmem:s14], [sflag:s13] =	dma.local @!p0 [hbm:s6], $0x4E0  }
0x1b: {  	_ =	swait.ge @!p0 [sflag:s18], $0x4E0  }
0x1c: {  	[sflag:s18] =	ssyncset.done @!p0 $0x0  }
0x1d: {  	[sflag:s18] =	ssyncadd.s32 @!p0 $0xFFFFFB20  }
0x1e: {  	[tilespmem:s15], [sflag:$0x1] =	stream.linear.gather [hbm4b:s1+s4], $0x500, $0x38;
	[tilespmem:$0x5320] =	vst v63  }
0x1f: {  	_ =	swait.ge [sflag:s11], $0x500  }
0x20: {  	[sflag:s11] =	ssyncset.done $0x0  }
0x21: {  	[sflag:s11] =	ssyncadd.s32 $0xFFFFFB00  }
0x22: {  	s31 =	simm.s32 $0x0;
	[bflag:$0x0] =	sbarrier.arrive $0xFFFF  }
0x23: {  	[spmem:s3] =	stream.indirect.scatter.add.f32 [tilespmem:s15], [sflag:$0x1], $0x10, s31, s16, $0xb8;
	[tilespmem:$0x5320] =	vst v63  }
0x24: {  	_ =	swait.ge [sflag:s11], $0x500  }
0x25: {  	s18 =	simm.s32 $0x140;
	[sflag:s11] =	ssyncset.done $0x0  }
.LBB2_2:
0x26: {  	s19 =	sshra.s32 s18, $0x2;
	[sflag:s11] =	ssyncadd.s32 $0xFFFFFB00;
	p1 =	sne.s32 s18, $0x9B00  }
0x27: {  	[spmem:s3] =	stream.indirect.scatter.add.f32 [tilespmem:s15], [sflag:$0x1], $0x10, s19, s16, $0xb8;
	[tilespmem:$0x5320] =	vst v63  }
.Ltmp0:
0x28: {  	_ = 	snop;
	(pc) =	sbr.rel @p1 .LBB2_2-.Ltmp0, $4  }
0x29: {  	_ = 	snop  }
0x2a: {  	s18 =	sadd.s32 $0x140, s18  }
0x2b: {  	_ =	swait.ge [sflag:s11], $0x500  }
0x2c: {  	[sflag:s11] =	ssyncset.done $0x0  }
0x2d: {  	[sflag:s11] =	ssyncadd.s32 $0xFFFFFB00  }
0x2e: {  	s18 =	simm.s32 @p0 $0x1FC1;
	[bflag:$0x0] =	sbarrier.arrive $0xFFFF  }
0x2f: {  	[hbm:s9], [sflag:s18] =	dma.local @p0 [spmem:s12], $0x500  }
0x30: {  	s18 =	simm.s32 @p0 $0x1  }
0x31: {  	s17 =	sadd.s32 $0x1, s17;
	_ =	swait.ge @p0 [sflag:s18], $0x500  }
0x32: {  	p1 =	sne.s32 s17, s10;
	[sflag:s18] =	ssyncset.done @p0 $0x0  }
.Ltmp1:
0x33: {  	[sflag:s18] =	ssyncadd.s32 @p0 $0xFFFFFB00;
	s18 =	simm.s32 @!p0 $0x1;
	(pc) =	sbr.rel @p1 .LBB2_1-.Ltmp1, $4  }
0x34: {  	[hbm:s8], [sflag:s13] =	dma.local @!p0 [spmem:s14], $0x4E0  }
0x35: {  	_ =	swait.ge @!p0 [sflag:s18], $0x4E0  }
0x36: {  	[sflag:s18] =	ssyncset.done @!p0 $0x0  }
0x37: {  	[sflag:s18] =	ssyncadd.s32 @!p0 $0xFFFFFB20  }
0x38: {  	_ =	sfence.sel $0x180000  }
0x39: {  	[bflag:$0x0] =	sbarrier.arrive $0xFFFF  }
0x3a: {  	p0 =	sne.s32 s2, $0x0;
	_ =	strace $0x90000047  }
0x3b: {  	s0 =	sadd.s32 @!p0 $0x100000, s0;
	[bflag:$0x2] =	sbarrier.arrive $0xFFFF  }
0x3c: {  	[sflag:s0] =	ssyncadd.tile.s32 @!p0 $0x1;
	_ =	shalt  }
.Lfunc_end2:
_tile_overlayer_lowered:
.L_overlay_start_2:
0x3d: {  	(tag) =	ssettag $0x2  }
0x3e: {  	s0 =	rddreg [dreg:$0x0];
	s2 =	stileid.u32  }
0x3f: {  	s1 =	rddreg [dreg:$0x1];
	p0 =	sne.s32 s2, $0x0  }
0x40: {  	s3 =	rddreg [dreg:$0x2];
	[bflag:$0x3] =	sbarrier.arrive $0xFFFF;
	s2 =	simm.s32 @!p0 $0x1C01  }
0x41: {  	[timem:s3], [sflag:s2] =	dma.local @!p0 [hbm:s0], s1  }
0x42: {  	s0 =	simm.s32 @!p0 $0x1  }
0x43: {  	_ =	swait.ge @!p0 [sflag:s0], s1  }
0x44: {  	s1 =	ssub.s32 @!p0 $0x0, s1;
	[sflag:s0] =	ssyncset.done @!p0 $0x0  }
0x45: {  	[sflag:s0] =	ssyncadd.s32 @!p0 s1  }
0x46: {  	[bflag:$0x3] =	sbarrier.arrive $0xFFFF  }
0x47: {  	_ =	shalt  }

// kernel: kernel.13.cloned.1.call-start
scs
__scs_entry_jumppad:
0x0: {  	(pc) =	sbr.rel $0x88, $3  }
0x1: {  	(tag) =	ssettag $0x0;
	lr =	simm.s32 $0x1  }
0x2: {  	[smem:$0x3F92] =	sst lr;
	_ =	strace $0xD0000000  }
0x3: {  	_ = 	snop  }
0x4: {  	_ = 	snop  }
0x5: {  	_ = 	snop  }
0x6: {  	_ = 	snop  }
0x7: {  	_ = 	snop  }
__scs_overlays_trampoline_lowered:
0x8: {  	[smem:$0x3FA1] =	sst s0  }
0x9: {  	[smem:$0x3FA2] =	sst s1  }
0xa: {  	[smem:$0x3FA3] =	sst s2  }
0xb: {  	[smem:$0x3FA4] =	sst s3  }
0xc: {  	[smem:$0x3FA5] =	sst s4  }
0xd: {  	[smem:$0x3FA6] =	sst s5  }
0xe: {  	[smem:$0x3FA7] =	sst s6  }
0xf: {  	[smem:$0x3FA8] =	sst s7  }
0x10: {  	[smem:$0x3FA9] =	sst s8  }
0x11: {  	[smem:$0x3FAA] =	sst s9;
	s0 =	simm.s32 @!p0 $0x0  }
0x12: {  	s1 =	sld [smem:$0x3F90];
	s0 =	simm.s32 @p0 $0x1  }
0x13: {  	[smem:$0x3FAB] =	sst s0;
	s0 =	simm.s32 @!p1 $0x0  }
0x14: {  	s2 =	sld [smem:$0x3F8F];
	s0 =	simm.s32 @p1 $0x1  }
0x15: {  	[smem:$0x3FAC] =	sst s0;
	s0 =	simm.s32 @!p2 $0x0  }
0x16: {  	s3 =	sld [smem:$0x3FDB];
	s0 =	simm.s32 @p2 $0x1  }
0x17: {  	s4 =	simm.s32 $0x1BF5;
	[smem:$0x3FAE] =	sst s0  }
0x18: {  	s0 =	sld [smem:$0x3F91];
	_ =	swait.ge [sflag:s4], $0x0  }
0x19: {  	s7 =	sld [smem:$0x3F92]  }
0x1a: {  	s8 =	sadd.s32 $0xFFFFE003, lr  }
0x1b: {  	s9 =	sadd.s32 $0xFFFFFEF7, lr;
	s5 =	simm.s32 $0xFFFFFFFF;
	p2 =	slt.u32 s8, $0xFFFFF086  }
0x1c: {  	p1 =	slt.u32 s9, $0xF7A;
	s5 =	simm.s32 @!p2 $0x0  }
0x1d: {  	s5 =	simm.s32 @p1 $0x1;
	p0 =	seq.s32 s7, s2  }
0x1e: {  	s7 =	smul.u32 @!p0 $0xF7A, s2;
	p2 =	seq.s32 @!p0 s5, $0x0  }
0x1f: {  	s9 =	smul.u32 $0xF7A, s1;
	s8 =	simm.s32 @!p0 $0x1BF5;
	p2 =	por !p2, p0  }
0x20: {  	[sflag:s8] =	ssyncset.s32 @!p0 $0xFFFFF086;
	s6 =	sadd.s32 @!p0 s3, s7;
	s7 =	simm.s32 @!p0 $0x108  }
0x21: {  	s3 =	sadd.s32 s3, s9;
	s6 =	sadd.s32 @!p0 $0x88, s6;
	s7 =	simm.s32 @p2 $0x1082  }
0x22: {  	[simem:s7], [sflag:s8] =	dma.local @!p0 [hbm:s6], $0xF7A  }
0x23: {  	s9 =	sor.u32 $0xD0000000, s2;
	s6 =	simm.s32 $0x108;
	_ =	swait.ge @!p0 [sflag:s8], $0x0  }
0x24: {  	s3 =	sadd.s32 $0x88, s3;
	s6 =	simm.s32 @!p1 $0x1082;
	[sflag:s4] =	ssyncset.s32 $0xFFFFF086  }
0x25: {  	[simem:s6], [sflag:s4] =	dma.local [hbm:s3], $0xF7A  }
0x26: {  	[smem:$0x3F92] =	sst s1;
	(tag) =	ssettag s2;
	_ =	strace s9  }
0x27: {  	s1 =	sld [smem:$0x3FA2]  }
0x28: {  	s2 =	sld [smem:$0x3FA3]  }
0x29: {  	s4 =	sld [smem:$0x3FA5]  }
0x2a: {  	p0 =	seq.s32 s5, $0x0;
	s5 =	sld [smem:$0x3FA6]  }
0x2b: {  	s6 =	sld [smem:$0x3FA7]  }
0x2c: {  	s7 =	sld [smem:$0x3FA8]  }
0x2d: {  	s3 =	simm.s32 $0x108;
	s8 =	sld [smem:$0x3FA9]  }
0x2e: {  	s3 =	simm.s32 @!p0 $0x1082;
	s9 =	sld [smem:$0x3FAA]  }
0x2f: {  	lr =	sadd.s32 s0, s3;
	s0 =	sld [smem:$0x3FA1]  }
0x30: {  	s3 =	sld [smem:$0x3FA4]  }
0x31: {  	[smem:$0x3FAD] =	sst s10  }
0x32: {  	s10 =	sld [smem:$0x3FAB];
	_ =	sdelay $0x3  }
0x33: {  	p0 =	seq.s32 s10, $0x1;
	s10 =	sld [smem:$0x3FAD];
	_ =	sdelay $0x3  }
0x34: {  	[smem:$0x3FAD] =	sst s10  }
0x35: {  	s10 =	sld [smem:$0x3FAC];
	_ =	sdelay $0x3  }
0x36: {  	p1 =	seq.s32 s10, $0x1;
	s10 =	sld [smem:$0x3FAD];
	_ =	sdelay $0x3  }
0x37: {  	[smem:$0x3FAD] =	sst s10  }
0x38: {  	s10 =	sld [smem:$0x3FAE]  }
0x39: {  	_ = 	snop;
	(pc) =	sbr.ind lr, $3  }
0x3a: {  	_ = 	snop  }
0x3b: {  	_ = 	snop  }
0x3c: {  	p2 =	seq.s32 s10, $0x1;
	s10 =	sld [smem:$0x3FAD]  }
0x3d: {  	_ =	shalt  }
0x3e: {  	_ =	shalt  }
0x3f: {  	_ =	shalt  }
0x40: {  	_ =	shalt  }
0x41: {  	_ =	shalt  }
0x42: {  	_ =	shalt  }
0x43: {  	_ =	shalt  }
0x44: {  	_ =	shalt  }
0x45: {  	_ =	shalt  }
0x46: {  	_ =	shalt  }
0x47: {  	_ =	shalt  }
0x48: {  	_ =	shalt  }
0x49: {  	_ =	shalt  }
0x4a: {  	_ =	shalt  }
0x4b: {  	_ =	shalt  }
0x4c: {  	_ =	shalt  }
0x4d: {  	_ =	shalt  }
0x4e: {  	_ =	shalt  }
0x4f: {  	_ =	shalt  }
0x50: {  	_ =	shalt  }
0x51: {  	_ =	shalt  }
0x52: {  	_ =	shalt  }
0x53: {  	_ =	shalt  }
0x54: {  	_ =	shalt  }
0x55: {  	_ =	shalt  }
0x56: {  	_ =	shalt  }
0x57: {  	_ =	shalt  }
0x58: {  	_ =	shalt  }
0x59: {  	_ =	shalt  }
0x5a: {  	_ =	shalt  }
0x5b: {  	_ =	shalt  }
0x5c: {  	_ =	shalt  }
0x5d: {  	_ =	shalt  }
0x5e: {  	_ =	shalt  }
0x5f: {  	_ =	shalt  }
0x60: {  	_ =	shalt  }
0x61: {  	_ =	shalt  }
0x62: {  	_ =	shalt  }
0x63: {  	_ =	shalt  }
0x64: {  	_ =	shalt  }
0x65: {  	_ =	shalt  }
0x66: {  	_ =	shalt  }
0x67: {  	_ =	shalt  }
0x68: {  	_ =	shalt  }
0x69: {  	_ =	shalt  }
0x6a: {  	_ =	shalt  }
0x6b: {  	_ =	shalt  }
0x6c: {  	_ =	shalt  }
0x6d: {  	_ =	shalt  }
0x6e: {  	_ =	shalt  }
0x6f: {  	_ =	shalt  }
0x70: {  	_ =	shalt  }
0x71: {  	_ =	shalt  }
0x72: {  	_ =	shalt  }
0x73: {  	_ =	shalt  }
0x74: {  	_ =	shalt  }
0x75: {  	_ =	shalt  }
0x76: {  	_ =	shalt  }
0x77: {  	_ =	shalt  }
0x78: {  	_ =	shalt  }
0x79: {  	_ =	shalt  }
0x7a: {  	_ =	shalt  }
0x7b: {  	_ =	shalt  }
0x7c: {  	_ =	shalt  }
0x7d: {  	_ =	shalt  }
0x7e: {  	_ =	shalt  }
0x7f: {  	_ =	shalt  }
0x80: {  	_ =	shalt  }
0x81: {  	_ =	shalt  }
0x82: {  	_ =	shalt  }
0x83: {  	_ =	shalt  }
0x84: {  	_ =	shalt  }
0x85: {  	_ =	shalt  }
0x86: {  	_ =	shalt  }
0x87: {  	_ =	shalt  }
.Lfunc_end0:
.L_simem_size_0:
called_computation.1_lowered:
.L_overlay_start_0:
0x88: {  	s2 =	sld [smem:$0x3FD9]  }
0x89: {  	s3 =	sld [smem:$0x3FFE];
	_ =	sdelay $0x1  }
0x8a: {  	s1 =	srdreg.scid  }
0x8b: {  	s0 =	sand.u32 $0x1, s1  }
0x8c: {  	s16 =	sshll.u32 s0, $0xA;
	s2 =	sadd.s32 s3, s2  }
0x8d: {  	s2 =	sadd.s32 s2, s16  }
0x8e: {  	[smem:$0x3FB9] =	sst s2  }
0x8f: {  	_ = 	snop  }
0x90: {  	(tm) =	ssettm $0x1  }
0x91: {  	s17 =	sld [smem:$0x3FFB];
	_ =	sdelay $0x3  }
0x92: {  	_ =	strace s17  }
0x93: {  	s2 =	sld [smem:$0x3FFC];
	_ =	sdelay $0x3  }
0x94: {  	_ =	strace s2  }
0x95: {  	s2 =	sld [smem:$0x3FFD];
	_ =	sdelay $0x3  }
0x96: {  	_ =	strace s2  }
0x97: {  	_ =	strace $0x8FFFFFFF  }
0x98: {  	s18 =	sld [smem:$0x3FDB];
	_ =	sdelay $0x1  }
0x99: {  	s19 =	simm.s32 $_scs_section_size  }
0x9a: {  	s4 =	simm.s32 $_size__tile_overlayer_lowered;
	s5 =	simm.s32 $_tile_overlayer_lowered  }
0x9b: {  	s22 =	simm.s32 $0x1BFF;
	s21 =	sshll.u32 s5, $0x1;
	s2 =	sadd.s32 s19, s18  }
0x9c: {  	s6 =	simm.s32 $0x0;
	s20 =	sshll.u32 s4, $0x1;
	s4 =	sadd.s32 s21, s2  }
0x9d: {  	[timem:s6], [sflag:s22] =	dma.local [hbm:s4], s20  }
0x9e: {  	_ =	swait.ge [sflag:s22], s20  }
0x9f: {  	s3 =	ssub.s32 $0x0, s20;
	[sflag:s22] =	ssyncset.done $0x0  }
0xa0: {  	[sflag:s22] =	ssyncadd.s32 s3;
	_ =	sdelay $0x1  }
0xa1: {  	s23 =	simm.s32 $0x1B8B  }
0xa2: {  	_ =	swait.ge [sflag:s23], $0x1  }
0xa3: {  	[sflag:s23] =	ssyncset.done $0x0  }
0xa4: {  	s25 =	simm.s32 $0x1B8E;
	s24 =	sld [smem:$0x3FFE];
	[sflag:s23] =	ssyncadd.s32 $0xFFFFFFFF  }
0xa5: {  	s26 =	simm.s32 $execute0_lowered;
	[smem:$0x3FD2] =	sst s25  }
0xa6: {  	s4 =	sshll.u32 s26, $0x1;
	_ =	strace $0x80000049;
	[dreg:$0x1] =	wrdreg $0xFFFFFFFF  }
0xa7: {  	s28 =	simm.s32 $_size_execute0_lowered;
	s2 =	sadd.s32 s2, s4;
	[dreg:$0x0] =	wrdreg $0x0  }
0xa8: {  	s4 =	sshll.u32 s28, $0x1;
	[dreg:$0x2] =	wrdreg s2  }
0xa9: {  	[dreg:$0x3] =	wrdreg s4  }
0xaa: {  	[dreg:$0x4] =	wrdreg $0xC0  }
0xab: {  	_ =	task [dreg:s6], $0x5FFFF  }
0xac: {  	[dreg:$0x1] =	wrdreg $0xFFFFFFFF  }
0xad: {  	[dreg:$0x0] =	wrdreg $0x60  }
0xae: {  	[dreg:$0x2] =	wrdreg s24  }
0xaf: {  	[dreg:$0x3] =	wrdreg $0xC6200  }
0xb0: {  	[dreg:$0x4] =	wrdreg $0x9  }
0xb1: {  	_ =	task.clear_ibuf [dreg:s6], $0x5FFFF;
	_ =	strace $0x90000049  }
0xb2: {  	s29 =	simm.s32 $0x9;
	_ =	strace $0x8000004B  }
0xb3: {  	_ =	swait.ge [sflag:s29], $0x1  }
0xb4: {  	[sflag:s29] =	ssyncadd.s32 $0xFFFFFFFF  }
0xb5: {  	_ =	strace $0x9000004B  }
0xb6: {  	_ =	sfence  }
0xb7: {  	s30 =	sld [smem:$0x0];
	_ =	sdelay $0x2  }
0xb8: {  	s31 =	sshll.u32 s1, $0xD;
	s1 =	sshrl.u32 s1, $0x2  }
0xb9: {  	s3 =	sand.u32 $0x4000, s31;
	s1 =	sadd.s32 s1, s30  }
0xba: {  	s0 =	sor.u32 s3, s0;
	s1 =	sshll.u32 s1, $0x11  }
0xbb: {  	s0 =	sor.u32 s1, s0  }
0xbc: {  	s0 =	sadd.s32 $0x8F2B, s0  }
0xbd: {  	[sflag:s0] =	ssyncadd.remote.s32 $0x1  }
0xbe: {  	_ =	sfence.sel $0xFFFF  }
0xbf: {  	[dreg:$0x0] =	wrdreg $0xFFFFFFFF;
	(pc) =	sbr.abs _section_cstart, $3  }
0xc0: {  	[dreg:$0x1] =	wrdreg $0xFFFFFFFF  }
0xc1: {  	_ =	task.clear_ibuf [dreg:s6], $0x2FFFF;
	_ =	strace $0x9FFFFFFF  }
0xc2: {  	(tm) =	ssettm $0x7FFFFFFF  }
0xc3: {  	_ =	shalt  }
tec
execute0_lowered:
.L_overlay_start_1:
0x0: {  	(tag) =	ssettag $0x1  }
0x1: {  	s0 =	srdreg.scid;
	s8 =	rddreg [dreg:$0x0]  }
0x2: {  	s2 =	rddreg [dreg:$0x1];
	s3 =	simm.s32 $0x0;
	s17 =	simm.s32 $0x50  }
0x3: {  	s18 =	simm.s32 $0x4E20;
	s19 =	simm.s32 $0x7620;
	s20 =	simm.s32 $0xA0  }
0x4: {  	s21 =	simm.s32 $0x9E20;
	s22 =	simm.s32 $0x1;
	s23 =	simm.s32 $0x2  }
0x5: {  	s24 =	simm.s32 $0x3;
	s25 =	simm.s32 $0x4D80;
	s26 =	simm.s32 $0x4DD0  }
0x6: {  	s28 =	simm.s32 $0x0;
	s6 =	sand.u32 $0x1, s0;
	s0 =	stileid.u32  }
0x7: {  	[smem:$0x7FF] =	sst s3;
	s12 =	sadd.s32 $0x8E000, s8;
	s14 =	sadd.s32 $0x124800, s2  }
0x8: {  	s1 =	sshll.u32 s6, $0x4;
	s9 =	smul.u32 $0x13800, s0;
	s10 =	ssub.s32 $0x2, s6  }
0x9: {  	s31 =	smul.u32 $0x138800, s6;
	p0 =	seq.s32 s0, $0xF;
	s4 =	sor.u32 s0, s1  }
0xa: {  	s1 =	rddreg [dreg:$0x2];
	_ =	strace $0x8000004A;
	s30 =	sshrl.u32 s10, $0x1  }
0xb: {  	s15 =	sshll.u32 @!p0 s0, $0x6;
	s14 =	sshrl.u32 @p0 s14, $0x3;
	s5 =	smul.u32 $0x4E2, s4  }
0xc: {  	s4 =	sadd.s32 $0x18A00, s8;
	s29 =	sshrl.u32 s9, $0x3;
	s13 =	ssub.s32 s10, s30  }
0xd: {  	s16 =	sadd.s32 s9, s2;
	s9 =	sadd.s32 s9, s31;
	s10 =	sshrl.u32 s31, $0x3  }
0xe: {  	s15 =	sor.u32 @!p0 $0x1C04, s15;
	s11 =	sadd.s32 s29, s8;
	s9 =	sshrl.u32 s9, $0x3  }
0xf: {  	s10 =	sadd.s32 s12, s10;
	s16 =	sshrl.u32 @!p0 s16, $0x3;
	s7 =	sadd.s32 s5, s8  }
0x10: {  	s8 =	sadd.s32 $0x8B700, s8;
	s9 =	sadd.s32 s12, s9;
	s10 =	sadd.s32 $0x24900, s10  }
0x11: {  	s12 =	simm.s32 $0x4;
	s5 =	sadd.s32 $0x4E00, s7;
	s6 =	sadd.s32 $0xEC00, s7  }
0x12: {  	s7 =	sadd.s32 $0x66E00, s11;
	s11 =	smax.u32 s13, $0x1;
	s13 =	simm.s32 $0x2710  }
.LBB2_1:
0x13: {  	[tilespmem:s3], [sflag:$0x4] =	stream.linear.gather [hbm4b:s5+s3], $0x2710, $0x38;
	[tilespmem:$0x1FEA0] =	vst v63  }
0x14: {  	_ =	swait.ge [sflag:s12], $0x2710  }
0x15: {  	[sflag:s12] =	ssyncset.done $0x0  }
0x16: {  	[sflag:s12] =	ssyncadd.s32 $0xFFFFD8F0  }
0x17: {  	[tilespmem:s13], [sflag:$0x4] =	stream.linear.gather [hbm4b:s6+s3], $0x2710, $0x38;
	[tilespmem:$0x1FEA0] =	vst v63  }
0x18: {  	_ =	swait.ge [sflag:s12], $0x2710  }
0x19: {  	[sflag:s12] =	ssyncset.done $0x0  }
0x1a: {  	s29 =	simm.s32 @p0 $0x1FC4;
	[sflag:s12] =	ssyncadd.s32 $0xFFFFD8F0  }
0x1b: {  	[spmem:s14], [sflag:s29] =	dma.local @p0 [hbm:s8], $0x2800  }
0x1c: {  	s29 =	simm.s32 @p0 $0x4  }
0x1d: {  	_ =	swait.ge @p0 [sflag:s29], $0x2800  }
0x1e: {  	[sflag:s29] =	ssyncset.done @p0 $0x0  }
0x1f: {  	[sflag:s29] =	ssyncadd.s32 @p0 $0xFFFFD800;
	s29 =	simm.s32 @!p0 $0x4  }
0x20: {  	[spmem:s16], [sflag:s15] =	dma.local @!p0 [hbm:s7], $0x2700  }
0x21: {  	_ =	swait.ge @!p0 [sflag:s29], $0x2700  }
0x22: {  	[sflag:s29] =	ssyncset.done @!p0 $0x0  }
0x23: {  	[sflag:s29] =	ssyncadd.s32 @!p0 $0xFFFFD900  }
0x24: {  	[tilespmem:s18], [sflag:$0x1] =	stream.indirect.gather [hbm4b:s4+s17], $0x80, s3, s17, $0xb8;
	[tilespmem:$0x1FEA0] =	vst v63  }
0x25: {  	_ = 	snop  }
0x26: {  	[tilespmem:s19], [sflag:$0x2] =	stream.indirect.gather [hbm4b:s4+s17], $0x80, s17, s17, $0xb8;
	[tilespmem:$0x1FEA0] =	vst v63  }
0x27: {  	_ = 	snop  }
0x28: {  	[tilespmem:s21], [sflag:$0x3] =	stream.indirect.gather [hbm4b:s4+s17], $0x80, s20, s17, $0xb8;
	[tilespmem:$0x1FEA0] =	vst v63  }
0x29: {  	[bflag:$0x0] =	sbarrier.arrive $0xFFFF  }
0x2a: {  	_ =	swait.ge [sflag:s22], $0x2800  }
0x2b: {  	[sflag:s22] =	ssyncset.done $0x0  }
0x2c: {  	s29 =	simm.s32 $0x2710;
	[sflag:s22] =	ssyncadd.s32 $0xFFFFD800  }
0x2d: {  	[spmem:s2] =	stream.indirect.scatter.add.f32 [tilespmem:s18], [sflag:$0x4], $0x80, s29, s17, $0xb8;
	[tilespmem:$0x1FEA0] =	vst v63  }
0x2e: {  	_ =	swait.ge [sflag:s12], $0x2800  }
0x2f: {  	[sflag:s12] =	ssyncset.done $0x0  }
0x30: {  	s29 =	simm.s32 $0xF0;
	[sflag:s12] =	ssyncadd.s32 $0xFFFFD800  }
0x31: {  	[tilespmem:s18], [sflag:$0x1] =	stream.indirect.gather [hbm4b:s4+s17], $0x80, s29, s17, $0xb8;
	[tilespmem:$0x1FEA0] =	vst v63  }
0x32: {  	_ =	swait.ge [sflag:s23], $0x2800  }
0x33: {  	[sflag:s23] =	ssyncset.done $0x0  }
0x34: {  	s29 =	simm.s32 $0x2760;
	[sflag:s23] =	ssyncadd.s32 $0xFFFFD800  }
0x35: {  	[spmem:s2] =	stream.indirect.scatter.add.f32 [tilespmem:s19], [sflag:$0x4], $0x80, s29, s17, $0xb8;
	[tilespmem:$0x1FEA0] =	vst v63  }
0x36: {  	_ =	swait.ge [sflag:s12], $0x2800  }
0x37: {  	[sflag:s12] =	ssyncset.done $0x0  }
0x38: {  	s29 =	simm.s32 $0x140;
	[sflag:s12] =	ssyncadd.s32 $0xFFFFD800  }
0x39: {  	[tilespmem:s19], [sflag:$0x2] =	stream.indirect.gather [hbm4b:s4+s17], $0x80, s29, s17, $0xb8;
	[tilespmem:$0x1FEA0] =	vst v63  }
0x3a: {  	_ =	swait.ge [sflag:s24], $0x2800  }
0x3b: {  	[sflag:s24] =	ssyncset.done $0x0  }
0x3c: {  	s29 =	simm.s32 $0x27B0;
	[sflag:s24] =	ssyncadd.s32 $0xFFFFD800  }
0x3d: {  	[spmem:s2] =	stream.indirect.scatter.add.f32 [tilespmem:s21], [sflag:$0x4], $0x80, s29, s17, $0xb8;
	[tilespmem:$0x1FEA0] =	vst v63  }
0x3e: {  	_ =	swait.ge [sflag:s12], $0x2800  }
0x3f: {  	[sflag:s12] =	ssyncset.done $0x0  }
0x40: {  	s30 =	simm.s32 $0x190;
	s29 =	simm.s32 $0x3C0;
	[sflag:s12] =	ssyncadd.s32 $0xFFFFD800  }
.LBB2_2:
0x41: {  	[tilespmem:s21], [sflag:$0x3] =	stream.indirect.gather [hbm4b:s4+s17], $0x80, s30, s17, $0xb8;
	[tilespmem:$0x1FEA0] =	vst v63  }
0x42: {  	s30 =	smov.u32 s29;
	s29 =	sadd.s32 $0x3C0, s29;
	_ =	swait.ge [sflag:s22], $0x2800  }
0x43: {  	s30 =	sshra.s32 s30, $0x2;
	p1 =	sne.s32 s29, $0x9600;
	[sflag:s22] =	ssyncset.done $0x0  }
0x44: {  	s31 =	sadd.s32 $0x2710, s30;
	[sflag:s22] =	ssyncadd.s32 $0xFFFFD800  }
0x45: {  	[spmem:s2] =	stream.indirect.scatter.add.f32 [tilespmem:s18], [sflag:$0x4], $0x80, s31, s17, $0xb8;
	[tilespmem:$0x1FEA0] =	vst v63  }
0x46: {  	_ =	swait.ge [sflag:s12], $0x2800  }
0x47: {  	[sflag:s12] =	ssyncset.done $0x0  }
0x48: {  	s31 =	sadd.s32 $0xF0, s30;
	[sflag:s12] =	ssyncadd.s32 $0xFFFFD800  }
0x49: {  	[tilespmem:s18], [sflag:$0x1] =	stream.indirect.gather [hbm4b:s4+s17], $0x80, s31, s17, $0xb8;
	[tilespmem:$0x1FEA0] =	vst v63  }
0x4a: {  	_ =	swait.ge [sflag:s23], $0x2800  }
0x4b: {  	[sflag:s23] =	ssyncset.done $0x0  }
0x4c: {  	s31 =	sadd.s32 $0x2760, s30;
	[sflag:s23] =	ssyncadd.s32 $0xFFFFD800  }
0x4d: {  	[spmem:s2] =	stream.indirect.scatter.add.f32 [tilespmem:s19], [sflag:$0x4], $0x80, s31, s17, $0xb8;
	[tilespmem:$0x1FEA0] =	vst v63  }
0x4e: {  	_ =	swait.ge [sflag:s12], $0x2800  }
0x4f: {  	[sflag:s12] =	ssyncset.done $0x0  }
0x50: {  	s31 =	sadd.s32 $0x140, s30;
	[sflag:s12] =	ssyncadd.s32 $0xFFFFD800  }
0x51: {  	[tilespmem:s19], [sflag:$0x2] =	stream.indirect.gather [hbm4b:s4+s17], $0x80, s31, s17, $0xb8;
	[tilespmem:$0x1FEA0] =	vst v63  }
0x52: {  	_ =	swait.ge [sflag:s24], $0x2800  }
0x53: {  	[sflag:s24] =	ssyncset.done $0x0  }
.Ltmp0:
0x54: {  	s31 =	sadd.s32 $0x27B0, s30;
	[sflag:s24] =	ssyncadd.s32 $0xFFFFD800;
	(pc) =	sbr.rel @p1 .LBB2_2-.Ltmp0, $4  }
0x55: {  	[spmem:s2] =	stream.indirect.scatter.add.f32 [tilespmem:s21], [sflag:$0x4], $0x80, s31, s17, $0xb8;
	[tilespmem:$0x1FEA0] =	vst v63  }
0x56: {  	_ =	swait.ge [sflag:s12], $0x2800  }
0x57: {  	[sflag:s12] =	ssyncset.done $0x0  }
0x58: {  	s30 =	sadd.s32 $0x190, s30;
	[sflag:s12] =	ssyncadd.s32 $0xFFFFD800  }
0x59: {  	[tilespmem:s21], [sflag:$0x3] =	stream.indirect.gather [hbm4b:s4+s17], $0x80, s30, s17, $0xb8;
	[tilespmem:$0x1FEA0] =	vst v63  }
0x5a: {  	_ =	swait.ge [sflag:s22], $0x2800  }
0x5b: {  	s29 =	sshra.s32 s29, $0x2;
	[sflag:s22] =	ssyncset.done $0x0  }
0x5c: {  	s31 =	sadd.s32 $0x2710, s29;
	[sflag:s22] =	ssyncadd.s32 $0xFFFFD800  }
0x5d: {  	[spmem:s2] =	stream.indirect.scatter.add.f32 [tilespmem:s18], [sflag:$0x4], $0x80, s31, s17, $0xb8;
	[tilespmem:$0x1FEA0] =	vst v63  }
0x5e: {  	_ =	swait.ge [sflag:s12], $0x2800  }
0x5f: {  	[sflag:s12] =	ssyncset.done $0x0  }
0x60: {  	s31 =	sadd.s32 $0xF0, s29;
	[sflag:s12] =	ssyncadd.s32 $0xFFFFD800  }
0x61: {  	[tilespmem:s18], [sflag:$0x1] =	stream.indirect.gather [hbm4b:s4+s17], $0x80, s31, s17, $0xb8;
	[tilespmem:$0x1FEA0] =	vst v63  }
0x62: {  	_ =	swait.ge [sflag:s23], $0x2800  }
0x63: {  	[sflag:s23] =	ssyncset.done $0x0  }
0x64: {  	s31 =	sadd.s32 $0x2760, s29;
	[sflag:s23] =	ssyncadd.s32 $0xFFFFD800  }
0x65: {  	[spmem:s2] =	stream.indirect.scatter.add.f32 [tilespmem:s19], [sflag:$0x4], $0x80, s31, s17, $0xb8;
	[tilespmem:$0x1FEA0] =	vst v63  }
0x66: {  	_ =	swait.ge [sflag:s12], $0x2800  }
0x67: {  	[sflag:s12] =	ssyncset.done $0x0  }
0x68: {  	s31 =	sadd.s32 $0x140, s29;
	[sflag:s12] =	ssyncadd.s32 $0xFFFFD800  }
0x69: {  	[tilespmem:s19], [sflag:$0x2] =	stream.indirect.gather [hbm4b:s4+s17], $0x80, s31, s17, $0xb8;
	[tilespmem:$0x1FEA0] =	vst v63  }
0x6a: {  	_ =	swait.ge [sflag:s24], $0x2800  }
0x6b: {  	[sflag:s24] =	ssyncset.done $0x0  }
0x6c: {  	s29 =	sadd.s32 $0x27B0, s29;
	[sflag:s24] =	ssyncadd.s32 $0xFFFFD800  }
0x6d: {  	[spmem:s2] =	stream.indirect.scatter.add.f32 [tilespmem:s21], [sflag:$0x4], $0x80, s29, s17, $0xb8;
	[tilespmem:$0x1FEA0] =	vst v63  }
0x6e: {  	_ =	swait.ge [sflag:s12], $0x2800  }
0x6f: {  	[sflag:s12] =	ssyncset.done $0x0  }
0x70: {  	[sflag:s12] =	ssyncadd.s32 $0xFFFFD800  }
0x71: {  	_ =	swait.ge [sflag:s22], $0x2800  }
0x72: {  	[sflag:s22] =	ssyncset.done $0x0  }
0x73: {  	[sflag:s22] =	ssyncadd.s32 $0xFFFFD800  }
0x74: {  	[spmem:s2] =	stream.indirect.scatter.add.f32 [tilespmem:s18], [sflag:$0x4], $0x80, s25, s17, $0xb8;
	[tilespmem:$0x1FEA0] =	vst v63  }
0x75: {  	_ =	swait.ge [sflag:s12], $0x2800  }
0x76: {  	[sflag:s12] =	ssyncset.done $0x0  }
0x77: {  	[sflag:s12] =	ssyncadd.s32 $0xFFFFD800  }
0x78: {  	_ =	swait.ge [sflag:s23], $0x2800  }
0x79: {  	[sflag:s23] =	ssyncset.done $0x0  }
0x7a: {  	[sflag:s23] =	ssyncadd.s32 $0xFFFFD800  }
0x7b: {  	[spmem:s2] =	stream.indirect.scatter.add.f32 [tilespmem:s19], [sflag:$0x4], $0x80, s26, s17, $0xb8;
	[tilespmem:$0x1FEA0] =	vst v63  }
0x7c: {  	_ =	swait.ge [sflag:s12], $0x2800  }
0x7d: {  	[sflag:s12] =	ssyncset.done $0x0  }
0x7e: {  	[sflag:s12] =	ssyncadd.s32 $0xFFFFD800  }
0x7f: {  	s29 =	simm.s32 @p0 $0x1FC4;
	[bflag:$0x0] =	sbarrier.arrive $0xFFFF  }
0x80: {  	[hbm:s10], [sflag:s29] =	dma.local @p0 [spmem:s14], $0x2800  }
0x81: {  	s29 =	simm.s32 @p0 $0x4  }
0x82: {  	s28 =	sadd.s32 $0x1, s28;
	_ =	swait.ge @p0 [sflag:s29], $0x2800  }
0x83: {  	p1 =	sne.s32 s28, s11;
	[sflag:s29] =	ssyncset.done @p0 $0x0  }
.Ltmp1:
0x84: {  	[sflag:s29] =	ssyncadd.s32 @p0 $0xFFFFD800;
	s29 =	simm.s32 @!p0 $0x4;
	(pc) =	sbr.rel @p1 .LBB2_1-.Ltmp1, $4  }
0x85: {  	[hbm:s9], [sflag:s15] =	dma.local @!p0 [spmem:s16], $0x2700  }
0x86: {  	_ =	swait.ge @!p0 [sflag:s29], $0x2700  }
0x87: {  	[sflag:s29] =	ssyncset.done @!p0 $0x0  }
0x88: {  	[sflag:s29] =	ssyncadd.s32 @!p0 $0xFFFFD900  }
0x89: {  	_ =	sfence.sel $0x180000  }
0x8a: {  	[bflag:$0x0] =	sbarrier.arrive $0xFFFF  }
0x8b: {  	p0 =	sne.s32 s0, $0x0;
	_ =	strace $0x9000004A  }
0x8c: {  	s0 =	sadd.s32 @!p0 $0x100000, s1;
	[bflag:$0x2] =	sbarrier.arrive $0xFFFF  }
0x8d: {  	[sflag:s0] =	ssyncadd.tile.s32 @!p0 $0x1;
	_ =	shalt  }
.Lfunc_end2:
_tile_overlayer_lowered:
.L_overlay_start_2:
0x8e: {  	(tag) =	ssettag $0x2  }
0x8f: {  	s0 =	rddreg [dreg:$0x0];
	s2 =	stileid.u32  }
0x90: {  	s1 =	rddreg [dreg:$0x1];
	p0 =	sne.s32 s2, $0x0  }
0x91: {  	s3 =	rddreg [dreg:$0x2];
	[bflag:$0x3] =	sbarrier.arrive $0xFFFF;
	s2 =	simm.s32 @!p0 $0x1C04  }
0x92: {  	[timem:s3], [sflag:s2] =	dma.local @!p0 [hbm:s0], s1  }
0x93: {  	s0 =	simm.s32 @!p0 $0x4  }
0x94: {  	_ =	swait.ge @!p0 [sflag:s0], s1  }
0x95: {  	s1 =	ssub.s32 @!p0 $0x0, s1;
	[sflag:s0] =	ssyncset.done @!p0 $0x0  }
0x96: {  	[sflag:s0] =	ssyncadd.s32 @!p0 s1  }
0x97: {  	[bflag:$0x3] =	sbarrier.arrive $0xFFFF  }
0x98: {  	_ =	shalt  }

// kernel: kernel.16.cloned.1.call-start
scs
__scs_entry_jumppad:
0x0: {  	(pc) =	sbr.rel $0x88, $3  }
0x1: {  	(tag) =	ssettag $0x0;
	lr =	simm.s32 $0x1  }
0x2: {  	[smem:$0x3F92] =	sst lr;
	_ =	strace $0xD0000000  }
0x3: {  	_ = 	snop  }
0x4: {  	_ = 	snop  }
0x5: {  	_ = 	snop  }
0x6: {  	_ = 	snop  }
0x7: {  	_ = 	snop  }
__scs_overlays_trampoline_lowered:
0x8: {  	[smem:$0x3FA1] =	sst s0  }
0x9: {  	[smem:$0x3FA2] =	sst s1  }
0xa: {  	[smem:$0x3FA3] =	sst s2  }
0xb: {  	[smem:$0x3FA4] =	sst s3  }
0xc: {  	[smem:$0x3FA5] =	sst s4  }
0xd: {  	[smem:$0x3FA6] =	sst s5  }
0xe: {  	[smem:$0x3FA7] =	sst s6  }
0xf: {  	[smem:$0x3FA8] =	sst s7  }
0x10: {  	[smem:$0x3FA9] =	sst s8  }
0x11: {  	[smem:$0x3FAA] =	sst s9;
	s0 =	simm.s32 @!p0 $0x0  }
0x12: {  	s1 =	sld [smem:$0x3F90];
	s0 =	simm.s32 @p0 $0x1  }
0x13: {  	[smem:$0x3FAB] =	sst s0;
	s0 =	simm.s32 @!p1 $0x0  }
0x14: {  	s2 =	sld [smem:$0x3F8F];
	s0 =	simm.s32 @p1 $0x1  }
0x15: {  	[smem:$0x3FAC] =	sst s0;
	s0 =	simm.s32 @!p2 $0x0  }
0x16: {  	s3 =	sld [smem:$0x3FDB];
	s0 =	simm.s32 @p2 $0x1  }
0x17: {  	s4 =	simm.s32 $0x1BF5;
	[smem:$0x3FAE] =	sst s0  }
0x18: {  	s0 =	sld [smem:$0x3F91];
	_ =	swait.ge [sflag:s4], $0x0  }
0x19: {  	s7 =	sld [smem:$0x3F92]  }
0x1a: {  	s8 =	sadd.s32 $0xFFFFE003, lr  }
0x1b: {  	s9 =	sadd.s32 $0xFFFFFEF7, lr;
	s5 =	simm.s32 $0xFFFFFFFF;
	p2 =	slt.u32 s8, $0xFFFFF086  }
0x1c: {  	p1 =	slt.u32 s9, $0xF7A;
	s5 =	simm.s32 @!p2 $0x0  }
0x1d: {  	s5 =	simm.s32 @p1 $0x1;
	p0 =	seq.s32 s7, s2  }
0x1e: {  	s7 =	smul.u32 @!p0 $0xF7A, s2;
	p2 =	seq.s32 @!p0 s5, $0x0  }
0x1f: {  	s9 =	smul.u32 $0xF7A, s1;
	s8 =	simm.s32 @!p0 $0x1BF5;
	p2 =	por !p2, p0  }
0x20: {  	[sflag:s8] =	ssyncset.s32 @!p0 $0xFFFFF086;
	s6 =	sadd.s32 @!p0 s3, s7;
	s7 =	simm.s32 @!p0 $0x108  }
0x21: {  	s3 =	sadd.s32 s3, s9;
	s6 =	sadd.s32 @!p0 $0x88, s6;
	s7 =	simm.s32 @p2 $0x1082  }
0x22: {  	[simem:s7], [sflag:s8] =	dma.local @!p0 [hbm:s6], $0xF7A  }
0x23: {  	s9 =	sor.u32 $0xD0000000, s2;
	s6 =	simm.s32 $0x108;
	_ =	swait.ge @!p0 [sflag:s8], $0x0  }
0x24: {  	s3 =	sadd.s32 $0x88, s3;
	s6 =	simm.s32 @!p1 $0x1082;
	[sflag:s4] =	ssyncset.s32 $0xFFFFF086  }
0x25: {  	[simem:s6], [sflag:s4] =	dma.local [hbm:s3], $0xF7A  }
0x26: {  	[smem:$0x3F92] =	sst s1;
	(tag) =	ssettag s2;
	_ =	strace s9  }
0x27: {  	s1 =	sld [smem:$0x3FA2]  }
0x28: {  	s2 =	sld [smem:$0x3FA3]  }
0x29: {  	s4 =	sld [smem:$0x3FA5]  }
0x2a: {  	p0 =	seq.s32 s5, $0x0;
	s5 =	sld [smem:$0x3FA6]  }
0x2b: {  	s6 =	sld [smem:$0x3FA7]  }
0x2c: {  	s7 =	sld [smem:$0x3FA8]  }
0x2d: {  	s3 =	simm.s32 $0x108;
	s8 =	sld [smem:$0x3FA9]  }
0x2e: {  	s3 =	simm.s32 @!p0 $0x1082;
	s9 =	sld [smem:$0x3FAA]  }
0x2f: {  	lr =	sadd.s32 s0, s3;
	s0 =	sld [smem:$0x3FA1]  }
0x30: {  	s3 =	sld [smem:$0x3FA4]  }
0x31: {  	[smem:$0x3FAD] =	sst s10  }
0x32: {  	s10 =	sld [smem:$0x3FAB];
	_ =	sdelay $0x3  }
0x33: {  	p0 =	seq.s32 s10, $0x1;
	s10 =	sld [smem:$0x3FAD];
	_ =	sdelay $0x3  }
0x34: {  	[smem:$0x3FAD] =	sst s10  }
0x35: {  	s10 =	sld [smem:$0x3FAC];
	_ =	sdelay $0x3  }
0x36: {  	p1 =	seq.s32 s10, $0x1;
	s10 =	sld [smem:$0x3FAD];
	_ =	sdelay $0x3  }
0x37: {  	[smem:$0x3FAD] =	sst s10  }
0x38: {  	s10 =	sld [smem:$0x3FAE]  }
0x39: {  	_ = 	snop;
	(pc) =	sbr.ind lr, $3  }
0x3a: {  	_ = 	snop  }
0x3b: {  	_ = 	snop  }
0x3c: {  	p2 =	seq.s32 s10, $0x1;
	s10 =	sld [smem:$0x3FAD]  }
0x3d: {  	_ =	shalt  }
0x3e: {  	_ =	shalt  }
0x3f: {  	_ =	shalt  }
0x40: {  	_ =	shalt  }
0x41: {  	_ =	shalt  }
0x42: {  	_ =	shalt  }
0x43: {  	_ =	shalt  }
0x44: {  	_ =	shalt  }
0x45: {  	_ =	shalt  }
0x46: {  	_ =	shalt  }
0x47: {  	_ =	shalt  }
0x48: {  	_ =	shalt  }
0x49: {  	_ =	shalt  }
0x4a: {  	_ =	shalt  }
0x4b: {  	_ =	shalt  }
0x4c: {  	_ =	shalt  }
0x4d: {  	_ =	shalt  }
0x4e: {  	_ =	shalt  }
0x4f: {  	_ =	shalt  }
0x50: {  	_ =	shalt  }
0x51: {  	_ =	shalt  }
0x52: {  	_ =	shalt  }
0x53: {  	_ =	shalt  }
0x54: {  	_ =	shalt  }
0x55: {  	_ =	shalt  }
0x56: {  	_ =	shalt  }
0x57: {  	_ =	shalt  }
0x58: {  	_ =	shalt  }
0x59: {  	_ =	shalt  }
0x5a: {  	_ =	shalt  }
0x5b: {  	_ =	shalt  }
0x5c: {  	_ =	shalt  }
0x5d: {  	_ =	shalt  }
0x5e: {  	_ =	shalt  }
0x5f: {  	_ =	shalt  }
0x60: {  	_ =	shalt  }
0x61: {  	_ =	shalt  }
0x62: {  	_ =	shalt  }
0x63: {  	_ =	shalt  }
0x64: {  	_ =	shalt  }
0x65: {  	_ =	shalt  }
0x66: {  	_ =	shalt  }
0x67: {  	_ =	shalt  }
0x68: {  	_ =	shalt  }
0x69: {  	_ =	shalt  }
0x6a: {  	_ =	shalt  }
0x6b: {  	_ =	shalt  }
0x6c: {  	_ =	shalt  }
0x6d: {  	_ =	shalt  }
0x6e: {  	_ =	shalt  }
0x6f: {  	_ =	shalt  }
0x70: {  	_ =	shalt  }
0x71: {  	_ =	shalt  }
0x72: {  	_ =	shalt  }
0x73: {  	_ =	shalt  }
0x74: {  	_ =	shalt  }
0x75: {  	_ =	shalt  }
0x76: {  	_ =	shalt  }
0x77: {  	_ =	shalt  }
0x78: {  	_ =	shalt  }
0x79: {  	_ =	shalt  }
0x7a: {  	_ =	shalt  }
0x7b: {  	_ =	shalt  }
0x7c: {  	_ =	shalt  }
0x7d: {  	_ =	shalt  }
0x7e: {  	_ =	shalt  }
0x7f: {  	_ =	shalt  }
0x80: {  	_ =	shalt  }
0x81: {  	_ =	shalt  }
0x82: {  	_ =	shalt  }
0x83: {  	_ =	shalt  }
0x84: {  	_ =	shalt  }
0x85: {  	_ =	shalt  }
0x86: {  	_ =	shalt  }
0x87: {  	_ =	shalt  }
.Lfunc_end0:
.L_simem_size_0:
called_computation.2_lowered:
.L_overlay_start_0:
0x88: {  	s2 =	sld [smem:$0x3FD9]  }
0x89: {  	s3 =	sld [smem:$0x3FFE];
	_ =	sdelay $0x1  }
0x8a: {  	s1 =	srdreg.scid  }
0x8b: {  	s0 =	sand.u32 $0x1, s1  }
0x8c: {  	s16 =	sshll.u32 s0, $0xA;
	s2 =	sadd.s32 s3, s2  }
0x8d: {  	s2 =	sadd.s32 s2, s16  }
0x8e: {  	[smem:$0x3FB9] =	sst s2  }
0x8f: {  	_ = 	snop  }
0x90: {  	(tm) =	ssettm $0x1  }
0x91: {  	s17 =	sld [smem:$0x3FFB];
	_ =	sdelay $0x3  }
0x92: {  	_ =	strace s17  }
0x93: {  	s2 =	sld [smem:$0x3FFC];
	_ =	sdelay $0x3  }
0x94: {  	_ =	strace s2  }
0x95: {  	s2 =	sld [smem:$0x3FFD];
	_ =	sdelay $0x3  }
0x96: {  	_ =	strace s2  }
0x97: {  	_ =	strace $0x8FFFFFFF  }
0x98: {  	s18 =	sld [smem:$0x3FDB];
	_ =	sdelay $0x1  }
0x99: {  	s19 =	simm.s32 $_scs_section_size  }
0x9a: {  	s4 =	simm.s32 $_size__tile_overlayer_lowered;
	s5 =	simm.s32 $_tile_overlayer_lowered  }
0x9b: {  	s22 =	simm.s32 $0x1BFF;
	s21 =	sshll.u32 s5, $0x1;
	s2 =	sadd.s32 s19, s18  }
0x9c: {  	s6 =	simm.s32 $0x0;
	s20 =	sshll.u32 s4, $0x1;
	s4 =	sadd.s32 s21, s2  }
0x9d: {  	[timem:s6], [sflag:s22] =	dma.local [hbm:s4], s20  }
0x9e: {  	_ =	swait.ge [sflag:s22], s20  }
0x9f: {  	s3 =	ssub.s32 $0x0, s20;
	[sflag:s22] =	ssyncset.done $0x0  }
0xa0: {  	[sflag:s22] =	ssyncadd.s32 s3;
	_ =	sdelay $0x1  }
0xa1: {  	s23 =	simm.s32 $0x1B8B  }
0xa2: {  	_ =	swait.ge [sflag:s23], $0x1  }
0xa3: {  	[sflag:s23] =	ssyncset.done $0x0  }
0xa4: {  	s25 =	simm.s32 $0x1B8E;
	s24 =	sld [smem:$0x3FFE];
	[sflag:s23] =	ssyncadd.s32 $0xFFFFFFFF  }
0xa5: {  	s26 =	simm.s32 $execute0_lowered;
	[smem:$0x3FD2] =	sst s25  }
0xa6: {  	s4 =	sshll.u32 s26, $0x1;
	_ =	strace $0x8000004C;
	[dreg:$0x1] =	wrdreg $0xFFFFFFFF  }
0xa7: {  	s28 =	simm.s32 $_size_execute0_lowered;
	s2 =	sadd.s32 s2, s4;
	[dreg:$0x0] =	wrdreg $0x0  }
0xa8: {  	s4 =	sshll.u32 s28, $0x1;
	[dreg:$0x2] =	wrdreg s2  }
0xa9: {  	[dreg:$0x3] =	wrdreg s4  }
0xaa: {  	[dreg:$0x4] =	wrdreg $0xC0  }
0xab: {  	_ =	task [dreg:s6], $0x5FFFF  }
0xac: {  	[dreg:$0x1] =	wrdreg $0xFFFFFFFF  }
0xad: {  	[dreg:$0x0] =	wrdreg $0x60  }
0xae: {  	[dreg:$0x2] =	wrdreg s24  }
0xaf: {  	[dreg:$0x3] =	wrdreg $0xC6200  }
0xb0: {  	[dreg:$0x4] =	wrdreg $0x9  }
0xb1: {  	_ =	task.clear_ibuf [dreg:s6], $0x5FFFF;
	_ =	strace $0x9000004C  }
0xb2: {  	s29 =	simm.s32 $0x9;
	_ =	strace $0x8000004E  }
0xb3: {  	_ =	swait.ge [sflag:s29], $0x1  }
0xb4: {  	[sflag:s29] =	ssyncadd.s32 $0xFFFFFFFF  }
0xb5: {  	_ =	strace $0x9000004E  }
0xb6: {  	_ =	sfence  }
0xb7: {  	s30 =	sld [smem:$0x0];
	_ =	sdelay $0x2  }
0xb8: {  	s31 =	sshll.u32 s1, $0xD;
	s1 =	sshrl.u32 s1, $0x2  }
0xb9: {  	s3 =	sand.u32 $0x4000, s31;
	s1 =	sadd.s32 s1, s30  }
0xba: {  	s0 =	sor.u32 s3, s0;
	s1 =	sshll.u32 s1, $0x11  }
0xbb: {  	s0 =	sor.u32 s1, s0  }
0xbc: {  	s0 =	sadd.s32 $0x8F2B, s0  }
0xbd: {  	[sflag:s0] =	ssyncadd.remote.s32 $0x1  }
0xbe: {  	_ =	sfence.sel $0xFFFF  }
0xbf: {  	[dreg:$0x0] =	wrdreg $0xFFFFFFFF;
	(pc) =	sbr.abs _section_cstart, $3  }
0xc0: {  	[dreg:$0x1] =	wrdreg $0xFFFFFFFF  }
0xc1: {  	_ =	task.clear_ibuf [dreg:s6], $0x2FFFF;
	_ =	strace $0x9FFFFFFF  }
0xc2: {  	(tm) =	ssettm $0x7FFFFFFF  }
0xc3: {  	_ =	shalt  }
tec
execute0_lowered:
.L_overlay_start_1:
0x0: {  	(tag) =	ssettag $0x1  }
0x1: {  	s0 =	srdreg.scid;
	s8 =	rddreg [dreg:$0x0]  }
0x2: {  	s2 =	rddreg [dreg:$0x1];
	s3 =	simm.s32 $0x0;
	s17 =	simm.s32 $0x50  }
0x3: {  	s18 =	simm.s32 $0x4E20;
	s19 =	simm.s32 $0x7620;
	s20 =	simm.s32 $0xA0  }
0x4: {  	s21 =	simm.s32 $0x9E20;
	s22 =	simm.s32 $0x1;
	s23 =	simm.s32 $0x2  }
0x5: {  	s24 =	simm.s32 $0x3;
	s25 =	simm.s32 $0x4D80;
	s26 =	simm.s32 $0x4DD0  }
0x6: {  	s28 =	simm.s32 $0x0;
	s6 =	sand.u32 $0x1, s0;
	s0 =	stileid.u32  }
0x7: {  	[smem:$0x7FF] =	sst s3;
	s12 =	sadd.s32 $0x8E000, s8;
	s14 =	sadd.s32 $0x124800, s2  }
0x8: {  	s1 =	sshll.u32 s6, $0x4;
	s9 =	smul.u32 $0x13800, s0;
	s10 =	ssub.s32 $0x2, s6  }
0x9: {  	s31 =	smul.u32 $0x138800, s6;
	p0 =	seq.s32 s0, $0xF;
	s4 =	sor.u32 s0, s1  }
0xa: {  	s1 =	rddreg [dreg:$0x2];
	_ =	strace $0x8000004D;
	s30 =	sshrl.u32 s10, $0x1  }
0xb: {  	s15 =	sshll.u32 @!p0 s0, $0x6;
	s14 =	sshrl.u32 @p0 s14, $0x3;
	s5 =	smul.u32 $0x4E2, s4  }
0xc: {  	s4 =	sadd.s32 $0x18A00, s8;
	s29 =	sshrl.u32 s9, $0x3;
	s13 =	ssub.s32 s10, s30  }
0xd: {  	s16 =	sadd.s32 s9, s2;
	s9 =	sadd.s32 s9, s31;
	s10 =	sshrl.u32 s31, $0x3  }
0xe: {  	s15 =	sor.u32 @!p0 $0x1C04, s15;
	s11 =	sadd.s32 s29, s8;
	s9 =	sshrl.u32 s9, $0x3  }
0xf: {  	s10 =	sadd.s32 s12, s10;
	s16 =	sshrl.u32 @!p0 s16, $0x3;
	s7 =	sadd.s32 s5, s8  }
0x10: {  	s8 =	sadd.s32 $0x8B700, s8;
	s9 =	sadd.s32 s12, s9;
	s10 =	sadd.s32 $0x24900, s10  }
0x11: {  	s12 =	simm.s32 $0x4;
	s5 =	sadd.s32 $0x4E00, s7;
	s6 =	sadd.s32 $0xEC00, s7  }
0x12: {  	s7 =	sadd.s32 $0x66E00, s11;
	s11 =	smax.u32 s13, $0x1;
	s13 =	simm.s32 $0x2710  }
.LBB2_1:
0x13: {  	[tilespmem:s3], [sflag:$0x4] =	stream.linear.gather [hbm4b:s5+s3], $0x2710, $0x38;
	[tilespmem:$0x1FEA0] =	vst v63  }
0x14: {  	_ =	swait.ge [sflag:s12], $0x2710  }
0x15: {  	[sflag:s12] =	ssyncset.done $0x0  }
0x16: {  	[sflag:s12] =	ssyncadd.s32 $0xFFFFD8F0  }
0x17: {  	[tilespmem:s13], [sflag:$0x4] =	stream.linear.gather [hbm4b:s6+s3], $0x2710, $0x38;
	[tilespmem:$0x1FEA0] =	vst v63  }
0x18: {  	_ =	swait.ge [sflag:s12], $0x2710  }
0x19: {  	[sflag:s12] =	ssyncset.done $0x0  }
0x1a: {  	s29 =	simm.s32 @p0 $0x1FC4;
	[sflag:s12] =	ssyncadd.s32 $0xFFFFD8F0  }
0x1b: {  	[spmem:s14], [sflag:s29] =	dma.local @p0 [hbm:s8], $0x2800  }
0x1c: {  	s29 =	simm.s32 @p0 $0x4  }
0x1d: {  	_ =	swait.ge @p0 [sflag:s29], $0x2800  }
0x1e: {  	[sflag:s29] =	ssyncset.done @p0 $0x0  }
0x1f: {  	[sflag:s29] =	ssyncadd.s32 @p0 $0xFFFFD800;
	s29 =	simm.s32 @!p0 $0x4  }
0x20: {  	[spmem:s16], [sflag:s15] =	dma.local @!p0 [hbm:s7], $0x2700  }
0x21: {  	_ =	swait.ge @!p0 [sflag:s29], $0x2700  }
0x22: {  	[sflag:s29] =	ssyncset.done @!p0 $0x0  }
0x23: {  	[sflag:s29] =	ssyncadd.s32 @!p0 $0xFFFFD900  }
0x24: {  	[tilespmem:s18], [sflag:$0x1] =	stream.indirect.gather [hbm4b:s4+s17], $0x80, s3, s17, $0xb8;
	[tilespmem:$0x1FEA0] =	vst v63  }
0x25: {  	_ = 	snop  }
0x26: {  	[tilespmem:s19], [sflag:$0x2] =	stream.indirect.gather [hbm4b:s4+s17], $0x80, s17, s17, $0xb8;
	[tilespmem:$0x1FEA0] =	vst v63  }
0x27: {  	_ = 	snop  }
0x28: {  	[tilespmem:s21], [sflag:$0x3] =	stream.indirect.gather [hbm4b:s4+s17], $0x80, s20, s17, $0xb8;
	[tilespmem:$0x1FEA0] =	vst v63  }
0x29: {  	[bflag:$0x0] =	sbarrier.arrive $0xFFFF  }
0x2a: {  	_ =	swait.ge [sflag:s22], $0x2800  }
0x2b: {  	[sflag:s22] =	ssyncset.done $0x0  }
0x2c: {  	s29 =	simm.s32 $0x2710;
	[sflag:s22] =	ssyncadd.s32 $0xFFFFD800  }
0x2d: {  	[spmem:s2] =	stream.indirect.scatter.add.f32 [tilespmem:s18], [sflag:$0x4], $0x80, s29, s17, $0xb8;
	[tilespmem:$0x1FEA0] =	vst v63  }
0x2e: {  	_ =	swait.ge [sflag:s12], $0x2800  }
0x2f: {  	[sflag:s12] =	ssyncset.done $0x0  }
0x30: {  	s29 =	simm.s32 $0xF0;
	[sflag:s12] =	ssyncadd.s32 $0xFFFFD800  }
0x31: {  	[tilespmem:s18], [sflag:$0x1] =	stream.indirect.gather [hbm4b:s4+s17], $0x80, s29, s17, $0xb8;
	[tilespmem:$0x1FEA0] =	vst v63  }
0x32: {  	_ =	swait.ge [sflag:s23], $0x2800  }
0x33: {  	[sflag:s23] =	ssyncset.done $0x0  }
0x34: {  	s29 =	simm.s32 $0x2760;
	[sflag:s23] =	ssyncadd.s32 $0xFFFFD800  }
0x35: {  	[spmem:s2] =	stream.indirect.scatter.add.f32 [tilespmem:s19], [sflag:$0x4], $0x80, s29, s17, $0xb8;
	[tilespmem:$0x1FEA0] =	vst v63  }
0x36: {  	_ =	swait.ge [sflag:s12], $0x2800  }
0x37: {  	[sflag:s12] =	ssyncset.done $0x0  }
0x38: {  	s29 =	simm.s32 $0x140;
	[sflag:s12] =	ssyncadd.s32 $0xFFFFD800  }
0x39: {  	[tilespmem:s19], [sflag:$0x2] =	stream.indirect.gather [hbm4b:s4+s17], $0x80, s29, s17, $0xb8;
	[tilespmem:$0x1FEA0] =	vst v63  }
0x3a: {  	_ =	swait.ge [sflag:s24], $0x2800  }
0x3b: {  	[sflag:s24] =	ssyncset.done $0x0  }
0x3c: {  	s29 =	simm.s32 $0x27B0;
	[sflag:s24] =	ssyncadd.s32 $0xFFFFD800  }
0x3d: {  	[spmem:s2] =	stream.indirect.scatter.add.f32 [tilespmem:s21], [sflag:$0x4], $0x80, s29, s17, $0xb8;
	[tilespmem:$0x1FEA0] =	vst v63  }
0x3e: {  	_ =	swait.ge [sflag:s12], $0x2800  }
0x3f: {  	[sflag:s12] =	ssyncset.done $0x0  }
0x40: {  	s30 =	simm.s32 $0x190;
	s29 =	simm.s32 $0x3C0;
	[sflag:s12] =	ssyncadd.s32 $0xFFFFD800  }
.LBB2_2:
0x41: {  	[tilespmem:s21], [sflag:$0x3] =	stream.indirect.gather [hbm4b:s4+s17], $0x80, s30, s17, $0xb8;
	[tilespmem:$0x1FEA0] =	vst v63  }
0x42: {  	s30 =	smov.u32 s29;
	s29 =	sadd.s32 $0x3C0, s29;
	_ =	swait.ge [sflag:s22], $0x2800  }
0x43: {  	s30 =	sshra.s32 s30, $0x2;
	p1 =	sne.s32 s29, $0x9600;
	[sflag:s22] =	ssyncset.done $0x0  }
0x44: {  	s31 =	sadd.s32 $0x2710, s30;
	[sflag:s22] =	ssyncadd.s32 $0xFFFFD800  }
0x45: {  	[spmem:s2] =	stream.indirect.scatter.add.f32 [tilespmem:s18], [sflag:$0x4], $0x80, s31, s17, $0xb8;
	[tilespmem:$0x1FEA0] =	vst v63  }
0x46: {  	_ =	swait.ge [sflag:s12], $0x2800  }
0x47: {  	[sflag:s12] =	ssyncset.done $0x0  }
0x48: {  	s31 =	sadd.s32 $0xF0, s30;
	[sflag:s12] =	ssyncadd.s32 $0xFFFFD800  }
0x49: {  	[tilespmem:s18], [sflag:$0x1] =	stream.indirect.gather [hbm4b:s4+s17], $0x80, s31, s17, $0xb8;
	[tilespmem:$0x1FEA0] =	vst v63  }
0x4a: {  	_ =	swait.ge [sflag:s23], $0x2800  }
0x4b: {  	[sflag:s23] =	ssyncset.done $0x0  }
0x4c: {  	s31 =	sadd.s32 $0x2760, s30;
	[sflag:s23] =	ssyncadd.s32 $0xFFFFD800  }
0x4d: {  	[spmem:s2] =	stream.indirect.scatter.add.f32 [tilespmem:s19], [sflag:$0x4], $0x80, s31, s17, $0xb8;
	[tilespmem:$0x1FEA0] =	vst v63  }
0x4e: {  	_ =	swait.ge [sflag:s12], $0x2800  }
0x4f: {  	[sflag:s12] =	ssyncset.done $0x0  }
0x50: {  	s31 =	sadd.s32 $0x140, s30;
	[sflag:s12] =	ssyncadd.s32 $0xFFFFD800  }
0x51: {  	[tilespmem:s19], [sflag:$0x2] =	stream.indirect.gather [hbm4b:s4+s17], $0x80, s31, s17, $0xb8;
	[tilespmem:$0x1FEA0] =	vst v63  }
0x52: {  	_ =	swait.ge [sflag:s24], $0x2800  }
0x53: {  	[sflag:s24] =	ssyncset.done $0x0  }
.Ltmp0:
0x54: {  	s31 =	sadd.s32 $0x27B0, s30;
	[sflag:s24] =	ssyncadd.s32 $0xFFFFD800;
	(pc) =	sbr.rel @p1 .LBB2_2-.Ltmp0, $4  }
0x55: {  	[spmem:s2] =	stream.indirect.scatter.add.f32 [tilespmem:s21], [sflag:$0x4], $0x80, s31, s17, $0xb8;
	[tilespmem:$0x1FEA0] =	vst v63  }
0x56: {  	_ =	swait.ge [sflag:s12], $0x2800  }
0x57: {  	[sflag:s12] =	ssyncset.done $0x0  }
0x58: {  	s30 =	sadd.s32 $0x190, s30;
	[sflag:s12] =	ssyncadd.s32 $0xFFFFD800  }
0x59: {  	[tilespmem:s21], [sflag:$0x3] =	stream.indirect.gather [hbm4b:s4+s17], $0x80, s30, s17, $0xb8;
	[tilespmem:$0x1FEA0] =	vst v63  }
0x5a: {  	_ =	swait.ge [sflag:s22], $0x2800  }
0x5b: {  	s29 =	sshra.s32 s29, $0x2;
	[sflag:s22] =	ssyncset.done $0x0  }
0x5c: {  	s31 =	sadd.s32 $0x2710, s29;
	[sflag:s22] =	ssyncadd.s32 $0xFFFFD800  }
0x5d: {  	[spmem:s2] =	stream.indirect.scatter.add.f32 [tilespmem:s18], [sflag:$0x4], $0x80, s31, s17, $0xb8;
	[tilespmem:$0x1FEA0] =	vst v63  }
0x5e: {  	_ =	swait.ge [sflag:s12], $0x2800  }
0x5f: {  	[sflag:s12] =	ssyncset.done $0x0  }
0x60: {  	s31 =	sadd.s32 $0xF0, s29;
	[sflag:s12] =	ssyncadd.s32 $0xFFFFD800  }
0x61: {  	[tilespmem:s18], [sflag:$0x1] =	stream.indirect.gather [hbm4b:s4+s17], $0x80, s31, s17, $0xb8;
	[tilespmem:$0x1FEA0] =	vst v63  }
0x62: {  	_ =	swait.ge [sflag:s23], $0x2800  }
0x63: {  	[sflag:s23] =	ssyncset.done $0x0  }
0x64: {  	s31 =	sadd.s32 $0x2760, s29;
	[sflag:s23] =	ssyncadd.s32 $0xFFFFD800  }
0x65: {  	[spmem:s2] =	stream.indirect.scatter.add.f32 [tilespmem:s19], [sflag:$0x4], $0x80, s31, s17, $0xb8;
	[tilespmem:$0x1FEA0] =	vst v63  }
0x66: {  	_ =	swait.ge [sflag:s12], $0x2800  }
0x67: {  	[sflag:s12] =	ssyncset.done $0x0  }
0x68: {  	s31 =	sadd.s32 $0x140, s29;
	[sflag:s12] =	ssyncadd.s32 $0xFFFFD800  }
0x69: {  	[tilespmem:s19], [sflag:$0x2] =	stream.indirect.gather [hbm4b:s4+s17], $0x80, s31, s17, $0xb8;
	[tilespmem:$0x1FEA0] =	vst v63  }
0x6a: {  	_ =	swait.ge [sflag:s24], $0x2800  }
0x6b: {  	[sflag:s24] =	ssyncset.done $0x0  }
0x6c: {  	s29 =	sadd.s32 $0x27B0, s29;
	[sflag:s24] =	ssyncadd.s32 $0xFFFFD800  }
0x6d: {  	[spmem:s2] =	stream.indirect.scatter.add.f32 [tilespmem:s21], [sflag:$0x4], $0x80, s29, s17, $0xb8;
	[tilespmem:$0x1FEA0] =	vst v63  }
0x6e: {  	_ =	swait.ge [sflag:s12], $0x2800  }
0x6f: {  	[sflag:s12] =	ssyncset.done $0x0  }
0x70: {  	[sflag:s12] =	ssyncadd.s32 $0xFFFFD800  }
0x71: {  	_ =	swait.ge [sflag:s22], $0x2800  }
0x72: {  	[sflag:s22] =	ssyncset.done $0x0  }
0x73: {  	[sflag:s22] =	ssyncadd.s32 $0xFFFFD800  }
0x74: {  	[spmem:s2] =	stream.indirect.scatter.add.f32 [tilespmem:s18], [sflag:$0x4], $0x80, s25, s17, $0xb8;
	[tilespmem:$0x1FEA0] =	vst v63  }
0x75: {  	_ =	swait.ge [sflag:s12], $0x2800  }
0x76: {  	[sflag:s12] =	ssyncset.done $0x0  }
0x77: {  	[sflag:s12] =	ssyncadd.s32 $0xFFFFD800  }
0x78: {  	_ =	swait.ge [sflag:s23], $0x2800  }
0x79: {  	[sflag:s23] =	ssyncset.done $0x0  }
0x7a: {  	[sflag:s23] =	ssyncadd.s32 $0xFFFFD800  }
0x7b: {  	[spmem:s2] =	stream.indirect.scatter.add.f32 [tilespmem:s19], [sflag:$0x4], $0x80, s26, s17, $0xb8;
	[tilespmem:$0x1FEA0] =	vst v63  }
0x7c: {  	_ =	swait.ge [sflag:s12], $0x2800  }
0x7d: {  	[sflag:s12] =	ssyncset.done $0x0  }
0x7e: {  	[sflag:s12] =	ssyncadd.s32 $0xFFFFD800  }
0x7f: {  	s29 =	simm.s32 @p0 $0x1FC4;
	[bflag:$0x0] =	sbarrier.arrive $0xFFFF  }
0x80: {  	[hbm:s10], [sflag:s29] =	dma.local @p0 [spmem:s14], $0x2800  }
0x81: {  	s29 =	simm.s32 @p0 $0x4  }
0x82: {  	s28 =	sadd.s32 $0x1, s28;
	_ =	swait.ge @p0 [sflag:s29], $0x2800  }
0x83: {  	p1 =	sne.s32 s28, s11;
	[sflag:s29] =	ssyncset.done @p0 $0x0  }
.Ltmp1:
0x84: {  	[sflag:s29] =	ssyncadd.s32 @p0 $0xFFFFD800;
	s29 =	simm.s32 @!p0 $0x4;
	(pc) =	sbr.rel @p1 .LBB2_1-.Ltmp1, $4  }
0x85: {  	[hbm:s9], [sflag:s15] =	dma.local @!p0 [spmem:s16], $0x2700  }
0x86: {  	_ =	swait.ge @!p0 [sflag:s29], $0x2700  }
0x87: {  	[sflag:s29] =	ssyncset.done @!p0 $0x0  }
0x88: {  	[sflag:s29] =	ssyncadd.s32 @!p0 $0xFFFFD900  }
0x89: {  	_ =	sfence.sel $0x180000  }
0x8a: {  	[bflag:$0x0] =	sbarrier.arrive $0xFFFF  }
0x8b: {  	p0 =	sne.s32 s0, $0x0;
	_ =	strace $0x9000004D  }
0x8c: {  	s0 =	sadd.s32 @!p0 $0x100000, s1;
	[bflag:$0x2] =	sbarrier.arrive $0xFFFF  }
0x8d: {  	[sflag:s0] =	ssyncadd.tile.s32 @!p0 $0x1;
	_ =	shalt  }
.Lfunc_end2:
_tile_overlayer_lowered:
.L_overlay_start_2:
0x8e: {  	(tag) =	ssettag $0x2  }
0x8f: {  	s0 =	rddreg [dreg:$0x0];
	s2 =	stileid.u32  }
0x90: {  	s1 =	rddreg [dreg:$0x1];
	p0 =	sne.s32 s2, $0x0  }
0x91: {  	s3 =	rddreg [dreg:$0x2];
	[bflag:$0x3] =	sbarrier.arrive $0xFFFF;
	s2 =	simm.s32 @!p0 $0x1C04  }
0x92: {  	[timem:s3], [sflag:s2] =	dma.local @!p0 [hbm:s0], s1  }
0x93: {  	s0 =	simm.s32 @!p0 $0x4  }
0x94: {  	_ =	swait.ge @!p0 [sflag:s0], s1  }
0x95: {  	s1 =	ssub.s32 @!p0 $0x0, s1;
	[sflag:s0] =	ssyncset.done @!p0 $0x0  }
0x96: {  	[sflag:s0] =	ssyncadd.s32 @!p0 s1  }
0x97: {  	[bflag:$0x3] =	sbarrier.arrive $0xFFFF  }
0x98: {  	_ =	shalt  }

// kernel: kernel.19.cloned.1.call-start
scs
__scs_entry_jumppad:
0x0: {  	(pc) =	sbr.rel $0x88, $3  }
0x1: {  	(tag) =	ssettag $0x0;
	lr =	simm.s32 $0x1  }
0x2: {  	[smem:$0x3F92] =	sst lr;
	_ =	strace $0xD0000000  }
0x3: {  	_ = 	snop  }
0x4: {  	_ = 	snop  }
0x5: {  	_ = 	snop  }
0x6: {  	_ = 	snop  }
0x7: {  	_ = 	snop  }
__scs_overlays_trampoline_lowered:
0x8: {  	[smem:$0x3FA1] =	sst s0  }
0x9: {  	[smem:$0x3FA2] =	sst s1  }
0xa: {  	[smem:$0x3FA3] =	sst s2  }
0xb: {  	[smem:$0x3FA4] =	sst s3  }
0xc: {  	[smem:$0x3FA5] =	sst s4  }
0xd: {  	[smem:$0x3FA6] =	sst s5  }
0xe: {  	[smem:$0x3FA7] =	sst s6  }
0xf: {  	[smem:$0x3FA8] =	sst s7  }
0x10: {  	[smem:$0x3FA9] =	sst s8  }
0x11: {  	[smem:$0x3FAA] =	sst s9;
	s0 =	simm.s32 @!p0 $0x0  }
0x12: {  	s1 =	sld [smem:$0x3F90];
	s0 =	simm.s32 @p0 $0x1  }
0x13: {  	[smem:$0x3FAB] =	sst s0;
	s0 =	simm.s32 @!p1 $0x0  }
0x14: {  	s2 =	sld [smem:$0x3F8F];
	s0 =	simm.s32 @p1 $0x1  }
0x15: {  	[smem:$0x3FAC] =	sst s0;
	s0 =	simm.s32 @!p2 $0x0  }
0x16: {  	s3 =	sld [smem:$0x3FDB];
	s0 =	simm.s32 @p2 $0x1  }
0x17: {  	s4 =	simm.s32 $0x1BF5;
	[smem:$0x3FAE] =	sst s0  }
0x18: {  	s0 =	sld [smem:$0x3F91];
	_ =	swait.ge [sflag:s4], $0x0  }
0x19: {  	s7 =	sld [smem:$0x3F92]  }
0x1a: {  	s8 =	sadd.s32 $0xFFFFE003, lr  }
0x1b: {  	s9 =	sadd.s32 $0xFFFFFEF7, lr;
	s5 =	simm.s32 $0xFFFFFFFF;
	p2 =	slt.u32 s8, $0xFFFFF086  }
0x1c: {  	p1 =	slt.u32 s9, $0xF7A;
	s5 =	simm.s32 @!p2 $0x0  }
0x1d: {  	s5 =	simm.s32 @p1 $0x1;
	p0 =	seq.s32 s7, s2  }
0x1e: {  	s7 =	smul.u32 @!p0 $0xF7A, s2;
	p2 =	seq.s32 @!p0 s5, $0x0  }
0x1f: {  	s9 =	smul.u32 $0xF7A, s1;
	s8 =	simm.s32 @!p0 $0x1BF5;
	p2 =	por !p2, p0  }
0x20: {  	[sflag:s8] =	ssyncset.s32 @!p0 $0xFFFFF086;
	s6 =	sadd.s32 @!p0 s3, s7;
	s7 =	simm.s32 @!p0 $0x108  }
0x21: {  	s3 =	sadd.s32 s3, s9;
	s6 =	sadd.s32 @!p0 $0x88, s6;
	s7 =	simm.s32 @p2 $0x1082  }
0x22: {  	[simem:s7], [sflag:s8] =	dma.local @!p0 [hbm:s6], $0xF7A  }
0x23: {  	s9 =	sor.u32 $0xD0000000, s2;
	s6 =	simm.s32 $0x108;
	_ =	swait.ge @!p0 [sflag:s8], $0x0  }
0x24: {  	s3 =	sadd.s32 $0x88, s3;
	s6 =	simm.s32 @!p1 $0x1082;
	[sflag:s4] =	ssyncset.s32 $0xFFFFF086  }
0x25: {  	[simem:s6], [sflag:s4] =	dma.local [hbm:s3], $0xF7A  }
0x26: {  	[smem:$0x3F92] =	sst s1;
	(tag) =	ssettag s2;
	_ =	strace s9  }
0x27: {  	s1 =	sld [smem:$0x3FA2]  }
0x28: {  	s2 =	sld [smem:$0x3FA3]  }
0x29: {  	s4 =	sld [smem:$0x3FA5]  }
0x2a: {  	p0 =	seq.s32 s5, $0x0;
	s5 =	sld [smem:$0x3FA6]  }
0x2b: {  	s6 =	sld [smem:$0x3FA7]  }
0x2c: {  	s7 =	sld [smem:$0x3FA8]  }
0x2d: {  	s3 =	simm.s32 $0x108;
	s8 =	sld [smem:$0x3FA9]  }
0x2e: {  	s3 =	simm.s32 @!p0 $0x1082;
	s9 =	sld [smem:$0x3FAA]  }
0x2f: {  	lr =	sadd.s32 s0, s3;
	s0 =	sld [smem:$0x3FA1]  }
0x30: {  	s3 =	sld [smem:$0x3FA4]  }
0x31: {  	[smem:$0x3FAD] =	sst s10  }
0x32: {  	s10 =	sld [smem:$0x3FAB];
	_ =	sdelay $0x3  }
0x33: {  	p0 =	seq.s32 s10, $0x1;
	s10 =	sld [smem:$0x3FAD];
	_ =	sdelay $0x3  }
0x34: {  	[smem:$0x3FAD] =	sst s10  }
0x35: {  	s10 =	sld [smem:$0x3FAC];
	_ =	sdelay $0x3  }
0x36: {  	p1 =	seq.s32 s10, $0x1;
	s10 =	sld [smem:$0x3FAD];
	_ =	sdelay $0x3  }
0x37: {  	[smem:$0x3FAD] =	sst s10  }
0x38: {  	s10 =	sld [smem:$0x3FAE]  }
0x39: {  	_ = 	snop;
	(pc) =	sbr.ind lr, $3  }
0x3a: {  	_ = 	snop  }
0x3b: {  	_ = 	snop  }
0x3c: {  	p2 =	seq.s32 s10, $0x1;
	s10 =	sld [smem:$0x3FAD]  }
0x3d: {  	_ =	shalt  }
0x3e: {  	_ =	shalt  }
0x3f: {  	_ =	shalt  }
0x40: {  	_ =	shalt  }
0x41: {  	_ =	shalt  }
0x42: {  	_ =	shalt  }
0x43: {  	_ =	shalt  }
0x44: {  	_ =	shalt  }
0x45: {  	_ =	shalt  }
0x46: {  	_ =	shalt  }
0x47: {  	_ =	shalt  }
0x48: {  	_ =	shalt  }
0x49: {  	_ =	shalt  }
0x4a: {  	_ =	shalt  }
0x4b: {  	_ =	shalt  }
0x4c: {  	_ =	shalt  }
0x4d: {  	_ =	shalt  }
0x4e: {  	_ =	shalt  }
0x4f: {  	_ =	shalt  }
0x50: {  	_ =	shalt  }
0x51: {  	_ =	shalt  }
0x52: {  	_ =	shalt  }
0x53: {  	_ =	shalt  }
0x54: {  	_ =	shalt  }
0x55: {  	_ =	shalt  }
0x56: {  	_ =	shalt  }
0x57: {  	_ =	shalt  }
0x58: {  	_ =	shalt  }
0x59: {  	_ =	shalt  }
0x5a: {  	_ =	shalt  }
0x5b: {  	_ =	shalt  }
0x5c: {  	_ =	shalt  }
0x5d: {  	_ =	shalt  }
0x5e: {  	_ =	shalt  }
0x5f: {  	_ =	shalt  }
0x60: {  	_ =	shalt  }
0x61: {  	_ =	shalt  }
0x62: {  	_ =	shalt  }
0x63: {  	_ =	shalt  }
0x64: {  	_ =	shalt  }
0x65: {  	_ =	shalt  }
0x66: {  	_ =	shalt  }
0x67: {  	_ =	shalt  }
0x68: {  	_ =	shalt  }
0x69: {  	_ =	shalt  }
0x6a: {  	_ =	shalt  }
0x6b: {  	_ =	shalt  }
0x6c: {  	_ =	shalt  }
0x6d: {  	_ =	shalt  }
0x6e: {  	_ =	shalt  }
0x6f: {  	_ =	shalt  }
0x70: {  	_ =	shalt  }
0x71: {  	_ =	shalt  }
0x72: {  	_ =	shalt  }
0x73: {  	_ =	shalt  }
0x74: {  	_ =	shalt  }
0x75: {  	_ =	shalt  }
0x76: {  	_ =	shalt  }
0x77: {  	_ =	shalt  }
0x78: {  	_ =	shalt  }
0x79: {  	_ =	shalt  }
0x7a: {  	_ =	shalt  }
0x7b: {  	_ =	shalt  }
0x7c: {  	_ =	shalt  }
0x7d: {  	_ =	shalt  }
0x7e: {  	_ =	shalt  }
0x7f: {  	_ =	shalt  }
0x80: {  	_ =	shalt  }
0x81: {  	_ =	shalt  }
0x82: {  	_ =	shalt  }
0x83: {  	_ =	shalt  }
0x84: {  	_ =	shalt  }
0x85: {  	_ =	shalt  }
0x86: {  	_ =	shalt  }
0x87: {  	_ =	shalt  }
.Lfunc_end0:
.L_simem_size_0:
called_computation.3_lowered:
.L_overlay_start_0:
0x88: {  	s2 =	sld [smem:$0x3FD9]  }
0x89: {  	s3 =	sld [smem:$0x3FFE];
	_ =	sdelay $0x1  }
0x8a: {  	s1 =	srdreg.scid  }
0x8b: {  	s0 =	sand.u32 $0x1, s1  }
0x8c: {  	s16 =	sshll.u32 s0, $0xA;
	s2 =	sadd.s32 s3, s2  }
0x8d: {  	s2 =	sadd.s32 s2, s16  }
0x8e: {  	[smem:$0x3FB9] =	sst s2  }
0x8f: {  	_ = 	snop  }
0x90: {  	(tm) =	ssettm $0x1  }
0x91: {  	s17 =	sld [smem:$0x3FFB];
	_ =	sdelay $0x3  }
0x92: {  	_ =	strace s17  }
0x93: {  	s2 =	sld [smem:$0x3FFC];
	_ =	sdelay $0x3  }
0x94: {  	_ =	strace s2  }
0x95: {  	s2 =	sld [smem:$0x3FFD];
	_ =	sdelay $0x3  }
0x96: {  	_ =	strace s2  }
0x97: {  	_ =	strace $0x8FFFFFFF  }
0x98: {  	s18 =	sld [smem:$0x3FDB];
	_ =	sdelay $0x1  }
0x99: {  	s19 =	simm.s32 $_scs_section_size  }
0x9a: {  	s4 =	simm.s32 $_size__tile_overlayer_lowered;
	s5 =	simm.s32 $_tile_overlayer_lowered  }
0x9b: {  	s22 =	simm.s32 $0x1BFF;
	s21 =	sshll.u32 s5, $0x1;
	s2 =	sadd.s32 s19, s18  }
0x9c: {  	s6 =	simm.s32 $0x0;
	s20 =	sshll.u32 s4, $0x1;
	s4 =	sadd.s32 s21, s2  }
0x9d: {  	[timem:s6], [sflag:s22] =	dma.local [hbm:s4], s20  }
0x9e: {  	_ =	swait.ge [sflag:s22], s20  }
0x9f: {  	s3 =	ssub.s32 $0x0, s20;
	[sflag:s22] =	ssyncset.done $0x0  }
0xa0: {  	[sflag:s22] =	ssyncadd.s32 s3;
	_ =	sdelay $0x1  }
0xa1: {  	s23 =	simm.s32 $0x1B8B  }
0xa2: {  	_ =	swait.ge [sflag:s23], $0x1  }
0xa3: {  	[sflag:s23] =	ssyncset.done $0x0  }
0xa4: {  	s25 =	simm.s32 $0x1B8E;
	s24 =	sld [smem:$0x3FFE];
	[sflag:s23] =	ssyncadd.s32 $0xFFFFFFFF  }
0xa5: {  	s26 =	simm.s32 $execute0_lowered;
	[smem:$0x3FD2] =	sst s25  }
0xa6: {  	s4 =	sshll.u32 s26, $0x1;
	_ =	strace $0x8000004F;
	[dreg:$0x1] =	wrdreg $0xFFFFFFFF  }
0xa7: {  	s28 =	simm.s32 $_size_execute0_lowered;
	s2 =	sadd.s32 s2, s4;
	[dreg:$0x0] =	wrdreg $0x0  }
0xa8: {  	s4 =	sshll.u32 s28, $0x1;
	[dreg:$0x2] =	wrdreg s2  }
0xa9: {  	[dreg:$0x3] =	wrdreg s4  }
0xaa: {  	[dreg:$0x4] =	wrdreg $0xC0  }
0xab: {  	_ =	task [dreg:s6], $0x5FFFF  }
0xac: {  	[dreg:$0x1] =	wrdreg $0xFFFFFFFF  }
0xad: {  	[dreg:$0x0] =	wrdreg $0x60  }
0xae: {  	[dreg:$0x2] =	wrdreg s24  }
0xaf: {  	[dreg:$0x3] =	wrdreg $0xC6200  }
0xb0: {  	[dreg:$0x4] =	wrdreg $0x9  }
0xb1: {  	_ =	task.clear_ibuf [dreg:s6], $0x5FFFF;
	_ =	strace $0x9000004F  }
0xb2: {  	s29 =	simm.s32 $0x9;
	_ =	strace $0x80000051  }
0xb3: {  	_ =	swait.ge [sflag:s29], $0x1  }
0xb4: {  	[sflag:s29] =	ssyncadd.s32 $0xFFFFFFFF  }
0xb5: {  	_ =	strace $0x90000051  }
0xb6: {  	_ =	sfence  }
0xb7: {  	s30 =	sld [smem:$0x0];
	_ =	sdelay $0x2  }
0xb8: {  	s31 =	sshll.u32 s1, $0xD;
	s1 =	sshrl.u32 s1, $0x2  }
0xb9: {  	s3 =	sand.u32 $0x4000, s31;
	s1 =	sadd.s32 s1, s30  }
0xba: {  	s0 =	sor.u32 s3, s0;
	s1 =	sshll.u32 s1, $0x11  }
0xbb: {  	s0 =	sor.u32 s1, s0  }
0xbc: {  	s0 =	sadd.s32 $0x8F2B, s0  }
0xbd: {  	[sflag:s0] =	ssyncadd.remote.s32 $0x1  }
0xbe: {  	_ =	sfence.sel $0xFFFF  }
0xbf: {  	[dreg:$0x0] =	wrdreg $0xFFFFFFFF;
	(pc) =	sbr.abs _section_cstart, $3  }
0xc0: {  	[dreg:$0x1] =	wrdreg $0xFFFFFFFF  }
0xc1: {  	_ =	task.clear_ibuf [dreg:s6], $0x2FFFF;
	_ =	strace $0x9FFFFFFF  }
0xc2: {  	(tm) =	ssettm $0x7FFFFFFF  }
0xc3: {  	_ =	shalt  }
tec
execute0_lowered:
.L_overlay_start_1:
0x0: {  	(tag) =	ssettag $0x1  }
0x1: {  	s0 =	srdreg.scid;
	s8 =	rddreg [dreg:$0x0]  }
0x2: {  	s2 =	rddreg [dreg:$0x1];
	s3 =	simm.s32 $0x0;
	s17 =	simm.s32 $0x50  }
0x3: {  	s18 =	simm.s32 $0x4E20;
	s19 =	simm.s32 $0x7620;
	s20 =	simm.s32 $0xA0  }
0x4: {  	s21 =	simm.s32 $0x9E20;
	s22 =	simm.s32 $0x1;
	s23 =	simm.s32 $0x2  }
0x5: {  	s24 =	simm.s32 $0x3;
	s25 =	simm.s32 $0x4D80;
	s26 =	simm.s32 $0x4DD0  }
0x6: {  	s28 =	simm.s32 $0x0;
	s6 =	sand.u32 $0x1, s0;
	s0 =	stileid.u32  }
0x7: {  	[smem:$0x7FF] =	sst s3;
	s12 =	sadd.s32 $0x8E000, s8;
	s14 =	sadd.s32 $0x124800, s2  }
0x8: {  	s1 =	sshll.u32 s6, $0x4;
	s9 =	smul.u32 $0x13800, s0;
	s10 =	ssub.s32 $0x2, s6  }
0x9: {  	s31 =	smul.u32 $0x138800, s6;
	p0 =	seq.s32 s0, $0xF;
	s4 =	sor.u32 s0, s1  }
0xa: {  	s1 =	rddreg [dreg:$0x2];
	_ =	strace $0x80000050;
	s30 =	sshrl.u32 s10, $0x1  }
0xb: {  	s15 =	sshll.u32 @!p0 s0, $0x6;
	s14 =	sshrl.u32 @p0 s14, $0x3;
	s5 =	smul.u32 $0x4E2, s4  }
0xc: {  	s4 =	sadd.s32 $0x18A00, s8;
	s29 =	sshrl.u32 s9, $0x3;
	s13 =	ssub.s32 s10, s30  }
0xd: {  	s16 =	sadd.s32 s9, s2;
	s9 =	sadd.s32 s9, s31;
	s10 =	sshrl.u32 s31, $0x3  }
0xe: {  	s15 =	sor.u32 @!p0 $0x1C04, s15;
	s11 =	sadd.s32 s29, s8;
	s9 =	sshrl.u32 s9, $0x3  }
0xf: {  	s10 =	sadd.s32 s12, s10;
	s16 =	sshrl.u32 @!p0 s16, $0x3;
	s7 =	sadd.s32 s5, s8  }
0x10: {  	s8 =	sadd.s32 $0x8B700, s8;
	s9 =	sadd.s32 s12, s9;
	s10 =	sadd.s32 $0x24900, s10  }
0x11: {  	s12 =	simm.s32 $0x4;
	s5 =	sadd.s32 $0x4E00, s7;
	s6 =	sadd.s32 $0xEC00, s7  }
0x12: {  	s7 =	sadd.s32 $0x66E00, s11;
	s11 =	smax.u32 s13, $0x1;
	s13 =	simm.s32 $0x2710  }
.LBB2_1:
0x13: {  	[tilespmem:s3], [sflag:$0x4] =	stream.linear.gather [hbm4b:s5+s3], $0x2710, $0x38;
	[tilespmem:$0x1FEA0] =	vst v63  }
0x14: {  	_ =	swait.ge [sflag:s12], $0x2710  }
0x15: {  	[sflag:s12] =	ssyncset.done $0x0  }
0x16: {  	[sflag:s12] =	ssyncadd.s32 $0xFFFFD8F0  }
0x17: {  	[tilespmem:s13], [sflag:$0x4] =	stream.linear.gather [hbm4b:s6+s3], $0x2710, $0x38;
	[tilespmem:$0x1FEA0] =	vst v63  }
0x18: {  	_ =	swait.ge [sflag:s12], $0x2710  }
0x19: {  	[sflag:s12] =	ssyncset.done $0x0  }
0x1a: {  	s29 =	simm.s32 @p0 $0x1FC4;
	[sflag:s12] =	ssyncadd.s32 $0xFFFFD8F0  }
0x1b: {  	[spmem:s14], [sflag:s29] =	dma.local @p0 [hbm:s8], $0x2800  }
0x1c: {  	s29 =	simm.s32 @p0 $0x4  }
0x1d: {  	_ =	swait.ge @p0 [sflag:s29], $0x2800  }
0x1e: {  	[sflag:s29] =	ssyncset.done @p0 $0x0  }
0x1f: {  	[sflag:s29] =	ssyncadd.s32 @p0 $0xFFFFD800;
	s29 =	simm.s32 @!p0 $0x4  }
0x20: {  	[spmem:s16], [sflag:s15] =	dma.local @!p0 [hbm:s7], $0x2700  }
0x21: {  	_ =	swait.ge @!p0 [sflag:s29], $0x2700  }
0x22: {  	[sflag:s29] =	ssyncset.done @!p0 $0x0  }
0x23: {  	[sflag:s29] =	ssyncadd.s32 @!p0 $0xFFFFD900  }
0x24: {  	[tilespmem:s18], [sflag:$0x1] =	stream.indirect.gather [hbm4b:s4+s17], $0x80, s3, s17, $0xb8;
	[tilespmem:$0x1FEA0] =	vst v63  }
0x25: {  	_ = 	snop  }
0x26: {  	[tilespmem:s19], [sflag:$0x2] =	stream.indirect.gather [hbm4b:s4+s17], $0x80, s17, s17, $0xb8;
	[tilespmem:$0x1FEA0] =	vst v63  }
0x27: {  	_ = 	snop  }
0x28: {  	[tilespmem:s21], [sflag:$0x3] =	stream.indirect.gather [hbm4b:s4+s17], $0x80, s20, s17, $0xb8;
	[tilespmem:$0x1FEA0] =	vst v63  }
0x29: {  	[bflag:$0x0] =	sbarrier.arrive $0xFFFF  }
0x2a: {  	_ =	swait.ge [sflag:s22], $0x2800  }
0x2b: {  	[sflag:s22] =	ssyncset.done $0x0  }
0x2c: {  	s29 =	simm.s32 $0x2710;
	[sflag:s22] =	ssyncadd.s32 $0xFFFFD800  }
0x2d: {  	[spmem:s2] =	stream.indirect.scatter.add.f32 [tilespmem:s18], [sflag:$0x4], $0x80, s29, s17, $0xb8;
	[tilespmem:$0x1FEA0] =	vst v63  }
0x2e: {  	_ =	swait.ge [sflag:s12], $0x2800  }
0x2f: {  	[sflag:s12] =	ssyncset.done $0x0  }
0x30: {  	s29 =	simm.s32 $0xF0;
	[sflag:s12] =	ssyncadd.s32 $0xFFFFD800  }
0x31: {  	[tilespmem:s18], [sflag:$0x1] =	stream.indirect.gather [hbm4b:s4+s17], $0x80, s29, s17, $0xb8;
	[tilespmem:$0x1FEA0] =	vst v63  }
0x32: {  	_ =	swait.ge [sflag:s23], $0x2800  }
0x33: {  	[sflag:s23] =	ssyncset.done $0x0  }
0x34: {  	s29 =	simm.s32 $0x2760;
	[sflag:s23] =	ssyncadd.s32 $0xFFFFD800  }
0x35: {  	[spmem:s2] =	stream.indirect.scatter.add.f32 [tilespmem:s19], [sflag:$0x4], $0x80, s29, s17, $0xb8;
	[tilespmem:$0x1FEA0] =	vst v63  }
0x36: {  	_ =	swait.ge [sflag:s12], $0x2800  }
0x37: {  	[sflag:s12] =	ssyncset.done $0x0  }
0x38: {  	s29 =	simm.s32 $0x140;
	[sflag:s12] =	ssyncadd.s32 $0xFFFFD800  }
0x39: {  	[tilespmem:s19], [sflag:$0x2] =	stream.indirect.gather [hbm4b:s4+s17], $0x80, s29, s17, $0xb8;
	[tilespmem:$0x1FEA0] =	vst v63  }
0x3a: {  	_ =	swait.ge [sflag:s24], $0x2800  }
0x3b: {  	[sflag:s24] =	ssyncset.done $0x0  }
0x3c: {  	s29 =	simm.s32 $0x27B0;
	[sflag:s24] =	ssyncadd.s32 $0xFFFFD800  }
0x3d: {  	[spmem:s2] =	stream.indirect.scatter.add.f32 [tilespmem:s21], [sflag:$0x4], $0x80, s29, s17, $0xb8;
	[tilespmem:$0x1FEA0] =	vst v63  }
0x3e: {  	_ =	swait.ge [sflag:s12], $0x2800  }
0x3f: {  	[sflag:s12] =	ssyncset.done $0x0  }
0x40: {  	s30 =	simm.s32 $0x190;
	s29 =	simm.s32 $0x3C0;
	[sflag:s12] =	ssyncadd.s32 $0xFFFFD800  }
.LBB2_2:
0x41: {  	[tilespmem:s21], [sflag:$0x3] =	stream.indirect.gather [hbm4b:s4+s17], $0x80, s30, s17, $0xb8;
	[tilespmem:$0x1FEA0] =	vst v63  }
0x42: {  	s30 =	smov.u32 s29;
	s29 =	sadd.s32 $0x3C0, s29;
	_ =	swait.ge [sflag:s22], $0x2800  }
0x43: {  	s30 =	sshra.s32 s30, $0x2;
	p1 =	sne.s32 s29, $0x9600;
	[sflag:s22] =	ssyncset.done $0x0  }
0x44: {  	s31 =	sadd.s32 $0x2710, s30;
	[sflag:s22] =	ssyncadd.s32 $0xFFFFD800  }
0x45: {  	[spmem:s2] =	stream.indirect.scatter.add.f32 [tilespmem:s18], [sflag:$0x4], $0x80, s31, s17, $0xb8;
	[tilespmem:$0x1FEA0] =	vst v63  }
0x46: {  	_ =	swait.ge [sflag:s12], $0x2800  }
0x47: {  	[sflag:s12] =	ssyncset.done $0x0  }
0x48: {  	s31 =	sadd.s32 $0xF0, s30;
	[sflag:s12] =	ssyncadd.s32 $0xFFFFD800  }
0x49: {  	[tilespmem:s18], [sflag:$0x1] =	stream.indirect.gather [hbm4b:s4+s17], $0x80, s31, s17, $0xb8;
	[tilespmem:$0x1FEA0] =	vst v63  }
0x4a: {  	_ =	swait.ge [sflag:s23], $0x2800  }
0x4b: {  	[sflag:s23] =	ssyncset.done $0x0  }
0x4c: {  	s31 =	sadd.s32 $0x2760, s30;
	[sflag:s23] =	ssyncadd.s32 $0xFFFFD800  }
0x4d: {  	[spmem:s2] =	stream.indirect.scatter.add.f32 [tilespmem:s19], [sflag:$0x4], $0x80, s31, s17, $0xb8;
	[tilespmem:$0x1FEA0] =	vst v63  }
0x4e: {  	_ =	swait.ge [sflag:s12], $0x2800  }
0x4f: {  	[sflag:s12] =	ssyncset.done $0x0  }
0x50: {  	s31 =	sadd.s32 $0x140, s30;
	[sflag:s12] =	ssyncadd.s32 $0xFFFFD800  }
0x51: {  	[tilespmem:s19], [sflag:$0x2] =	stream.indirect.gather [hbm4b:s4+s17], $0x80, s31, s17, $0xb8;
	[tilespmem:$0x1FEA0] =	vst v63  }
0x52: {  	_ =	swait.ge [sflag:s24], $0x2800  }
0x53: {  	[sflag:s24] =	ssyncset.done $0x0  }
.Ltmp0:
0x54: {  	s31 =	sadd.s32 $0x27B0, s30;
	[sflag:s24] =	ssyncadd.s32 $0xFFFFD800;
	(pc) =	sbr.rel @p1 .LBB2_2-.Ltmp0, $4  }
0x55: {  	[spmem:s2] =	stream.indirect.scatter.add.f32 [tilespmem:s21], [sflag:$0x4], $0x80, s31, s17, $0xb8;
	[tilespmem:$0x1FEA0] =	vst v63  }
0x56: {  	_ =	swait.ge [sflag:s12], $0x2800  }
0x57: {  	[sflag:s12] =	ssyncset.done $0x0  }
0x58: {  	s30 =	sadd.s32 $0x190, s30;
	[sflag:s12] =	ssyncadd.s32 $0xFFFFD800  }
0x59: {  	[tilespmem:s21], [sflag:$0x3] =	stream.indirect.gather [hbm4b:s4+s17], $0x80, s30, s17, $0xb8;
	[tilespmem:$0x1FEA0] =	vst v63  }
0x5a: {  	_ =	swait.ge [sflag:s22], $0x2800  }
0x5b: {  	s29 =	sshra.s32 s29, $0x2;
	[sflag:s22] =	ssyncset.done $0x0  }
0x5c: {  	s31 =	sadd.s32 $0x2710, s29;
	[sflag:s22] =	ssyncadd.s32 $0xFFFFD800  }
0x5d: {  	[spmem:s2] =	stream.indirect.scatter.add.f32 [tilespmem:s18], [sflag:$0x4], $0x80, s31, s17, $0xb8;
	[tilespmem:$0x1FEA0] =	vst v63  }
0x5e: {  	_ =	swait.ge [sflag:s12], $0x2800  }
0x5f: {  	[sflag:s12] =	ssyncset.done $0x0  }
0x60: {  	s31 =	sadd.s32 $0xF0, s29;
	[sflag:s12] =	ssyncadd.s32 $0xFFFFD800  }
0x61: {  	[tilespmem:s18], [sflag:$0x1] =	stream.indirect.gather [hbm4b:s4+s17], $0x80, s31, s17, $0xb8;
	[tilespmem:$0x1FEA0] =	vst v63  }
0x62: {  	_ =	swait.ge [sflag:s23], $0x2800  }
0x63: {  	[sflag:s23] =	ssyncset.done $0x0  }
0x64: {  	s31 =	sadd.s32 $0x2760, s29;
	[sflag:s23] =	ssyncadd.s32 $0xFFFFD800  }
0x65: {  	[spmem:s2] =	stream.indirect.scatter.add.f32 [tilespmem:s19], [sflag:$0x4], $0x80, s31, s17, $0xb8;
	[tilespmem:$0x1FEA0] =	vst v63  }
0x66: {  	_ =	swait.ge [sflag:s12], $0x2800  }
0x67: {  	[sflag:s12] =	ssyncset.done $0x0  }
0x68: {  	s31 =	sadd.s32 $0x140, s29;
	[sflag:s12] =	ssyncadd.s32 $0xFFFFD800  }
0x69: {  	[tilespmem:s19], [sflag:$0x2] =	stream.indirect.gather [hbm4b:s4+s17], $0x80, s31, s17, $0xb8;
	[tilespmem:$0x1FEA0] =	vst v63  }
0x6a: {  	_ =	swait.ge [sflag:s24], $0x2800  }
0x6b: {  	[sflag:s24] =	ssyncset.done $0x0  }
0x6c: {  	s29 =	sadd.s32 $0x27B0, s29;
	[sflag:s24] =	ssyncadd.s32 $0xFFFFD800  }
0x6d: {  	[spmem:s2] =	stream.indirect.scatter.add.f32 [tilespmem:s21], [sflag:$0x4], $0x80, s29, s17, $0xb8;
	[tilespmem:$0x1FEA0] =	vst v63  }
0x6e: {  	_ =	swait.ge [sflag:s12], $0x2800  }
0x6f: {  	[sflag:s12] =	ssyncset.done $0x0  }
0x70: {  	[sflag:s12] =	ssyncadd.s32 $0xFFFFD800  }
0x71: {  	_ =	swait.ge [sflag:s22], $0x2800  }
0x72: {  	[sflag:s22] =	ssyncset.done $0x0  }
0x73: {  	[sflag:s22] =	ssyncadd.s32 $0xFFFFD800  }
0x74: {  	[spmem:s2] =	stream.indirect.scatter.add.f32 [tilespmem:s18], [sflag:$0x4], $0x80, s25, s17, $0xb8;
	[tilespmem:$0x1FEA0] =	vst v63  }
0x75: {  	_ =	swait.ge [sflag:s12], $0x2800  }
0x76: {  	[sflag:s12] =	ssyncset.done $0x0  }
0x77: {  	[sflag:s12] =	ssyncadd.s32 $0xFFFFD800  }
0x78: {  	_ =	swait.ge [sflag:s23], $0x2800  }
0x79: {  	[sflag:s23] =	ssyncset.done $0x0  }
0x7a: {  	[sflag:s23] =	ssyncadd.s32 $0xFFFFD800  }
0x7b: {  	[spmem:s2] =	stream.indirect.scatter.add.f32 [tilespmem:s19], [sflag:$0x4], $0x80, s26, s17, $0xb8;
	[tilespmem:$0x1FEA0] =	vst v63  }
0x7c: {  	_ =	swait.ge [sflag:s12], $0x2800  }
0x7d: {  	[sflag:s12] =	ssyncset.done $0x0  }
0x7e: {  	[sflag:s12] =	ssyncadd.s32 $0xFFFFD800  }
0x7f: {  	s29 =	simm.s32 @p0 $0x1FC4;
	[bflag:$0x0] =	sbarrier.arrive $0xFFFF  }
0x80: {  	[hbm:s10], [sflag:s29] =	dma.local @p0 [spmem:s14], $0x2800  }
0x81: {  	s29 =	simm.s32 @p0 $0x4  }
0x82: {  	s28 =	sadd.s32 $0x1, s28;
	_ =	swait.ge @p0 [sflag:s29], $0x2800  }
0x83: {  	p1 =	sne.s32 s28, s11;
	[sflag:s29] =	ssyncset.done @p0 $0x0  }
.Ltmp1:
0x84: {  	[sflag:s29] =	ssyncadd.s32 @p0 $0xFFFFD800;
	s29 =	simm.s32 @!p0 $0x4;
	(pc) =	sbr.rel @p1 .LBB2_1-.Ltmp1, $4  }
0x85: {  	[hbm:s9], [sflag:s15] =	dma.local @!p0 [spmem:s16], $0x2700  }
0x86: {  	_ =	swait.ge @!p0 [sflag:s29], $0x2700  }
0x87: {  	[sflag:s29] =	ssyncset.done @!p0 $0x0  }
0x88: {  	[sflag:s29] =	ssyncadd.s32 @!p0 $0xFFFFD900  }
0x89: {  	_ =	sfence.sel $0x180000  }
0x8a: {  	[bflag:$0x0] =	sbarrier.arrive $0xFFFF  }
0x8b: {  	p0 =	sne.s32 s0, $0x0;
	_ =	strace $0x90000050  }
0x8c: {  	s0 =	sadd.s32 @!p0 $0x100000, s1;
	[bflag:$0x2] =	sbarrier.arrive $0xFFFF  }
0x8d: {  	[sflag:s0] =	ssyncadd.tile.s32 @!p0 $0x1;
	_ =	shalt  }
.Lfunc_end2:
_tile_overlayer_lowered:
.L_overlay_start_2:
0x8e: {  	(tag) =	ssettag $0x2  }
0x8f: {  	s0 =	rddreg [dreg:$0x0];
	s2 =	stileid.u32  }
0x90: {  	s1 =	rddreg [dreg:$0x1];
	p0 =	sne.s32 s2, $0x0  }
0x91: {  	s3 =	rddreg [dreg:$0x2];
	[bflag:$0x3] =	sbarrier.arrive $0xFFFF;
	s2 =	simm.s32 @!p0 $0x1C04  }
0x92: {  	[timem:s3], [sflag:s2] =	dma.local @!p0 [hbm:s0], s1  }
0x93: {  	s0 =	simm.s32 @!p0 $0x4  }
0x94: {  	_ =	swait.ge @!p0 [sflag:s0], s1  }
0x95: {  	s1 =	ssub.s32 @!p0 $0x0, s1;
	[sflag:s0] =	ssyncset.done @!p0 $0x0  }
0x96: {  	[sflag:s0] =	ssyncadd.s32 @!p0 s1  }
0x97: {  	[bflag:$0x3] =	sbarrier.arrive $0xFFFF  }
0x98: {  	_ =	shalt  }

</sc_bundles>
